<compile_context>
chip_gen: v7x
topology: tpu7x:2x2x1
jax: 0.10.2.dev20260603
libtpu: 0.0.44.dev20260713+nightly
codegen_flags: <defaults>
</compile_context>

<pallas_src>
import functools

import jax
import jax.numpy as jnp
from jax import lax
from jax.experimental import pallas as pl
from jax.experimental.pallas import tpu as pltpu
from jax.experimental.pallas import tpu_sc as plsc

VOCAB = 100000
SEQ = 2048
BATCH = 2
D = 1024
H = 8
HD = 128
FF = 4096
NSH = 6
NE = 7
TOPK = 2
T = BATCH * SEQ

BT = 512
NT = T // BT
NSB = SEQ // BT
NF = FF // 1024
NEG_INF = -1e30
HI = jax.lax.Precision.HIGHEST


def _layernorm(x, g, b):
    m = jnp.mean(x, axis=-1, keepdims=True)
    v = jnp.mean((x - m) ** 2, axis=-1, keepdims=True)
    return (x - m) / jnp.sqrt(v + 1e-5) * g + b


def _slabsum(xt):
    acc = xt[0:8]
    for kk in range(1, D // 8):
        acc = acc + xt[8 * kk:8 * (kk + 1)]
    u = acc[0:4] + acc[4:8]
    w = u[0:2] + u[2:4]
    return w[0:1] + w[1:2]


def _statsA_body(xT_ref, posT_ref, m_ref, v_ref):
    xt = xT_ref[...] + posT_ref[...]
    m = _slabsum(xt) / float(D)
    d = xt - m
    v = _slabsum(d * d) / float(D)
    m_ref[...] = m
    v_ref[...] = v


def _statsB_body(xT_ref, m_ref, v_ref):
    xt = xT_ref[...]
    m = _slabsum(xt) / float(D)
    d = xt - m
    v = _slabsum(d * d) / float(D)
    m_ref[...] = m
    v_ref[...] = v


def _stats_call(body, *args):
    n_in = len(args)
    return pl.pallas_call(
        body,
        grid=(NT,),
        in_specs=[pl.BlockSpec((D, BT), lambda t: (0, t))] +
                 [pl.BlockSpec((D, BT), lambda t: (0, t % NSB))] * (n_in - 1),
        out_specs=[pl.BlockSpec((1, BT), lambda t: (0, t)),
                   pl.BlockSpec((1, BT), lambda t: (0, t))],
        out_shape=[jax.ShapeDtypeStruct((1, T), jnp.float32)] * 2,
    )(*args)


def _sc_gather(table, idx, n_rows, d):
    info = plsc.get_sparse_core_info()
    nc, ns = info.num_cores, info.num_subcores
    nw = nc * ns
    per_w = n_rows // nw
    chunk = min(per_w, 64)
    nchunk = per_w // chunk
    mesh = plsc.VectorSubcoreMesh(core_axis_name="c", subcore_axis_name="s")

    @functools.partial(
        pl.kernel,
        mesh=mesh,
        out_type=jax.ShapeDtypeStruct((n_rows, d), jnp.float32),
        scratch_types=[
            pltpu.VMEM((chunk,), jnp.int32),
            pltpu.VMEM((chunk, d), jnp.float32),
            pltpu.SemaphoreType.DMA,
        ],
    )
    def k(table_hbm, idx_hbm, out_hbm, idx_v, rows_v, sem):
        wid = lax.axis_index("s") * nc + lax.axis_index("c")
        base = wid * per_w
        for c in range(nchunk):
            off = base + c * chunk
            pltpu.sync_copy(idx_hbm.at[pl.ds(off, chunk)], idx_v)
            pltpu.async_copy(table_hbm.at[idx_v], rows_v, sem).wait()
            pltpu.sync_copy(rows_v, out_hbm.at[pl.ds(off, chunk)])

    return k(table, idx)


def _k2_body(xe_ref, pos_ref, wq_ref, wk_ref, wv_ref, bq_ref, bk_ref, bv_ref,
             g_ref, b_ref, cos_ref, sin_ref, m_ref, vv_ref,
             x_ref, q_ref, k_ref, v_ref):
    x = xe_ref[...] + pos_ref[...]
    x_ref[...] = x
    h = (x - m_ref[...]) / jnp.sqrt(vv_ref[...] + 1e-5) * g_ref[...] + b_ref[...]
    cos = cos_ref[...]
    sin = sin_ref[...]

    hb = h.astype(jnp.bfloat16)

    def proj_rope(w_ref, bias_ref, do_rope):
        y = jnp.dot(hb, w_ref[...], preferred_element_type=jnp.float32)
        y = y + bias_ref[...]
        if not do_rope:
            return y
        parts = []
        for hh in range(H):
            y1 = y[:, hh * HD:hh * HD + HD // 2]
            y2 = y[:, hh * HD + HD // 2:(hh + 1) * HD]
            parts.append(y1 * cos - y2 * sin)
            parts.append(y1 * sin + y2 * cos)
        return jnp.concatenate(parts, axis=1)

    q_ref[...] = proj_rope(wq_ref, bq_ref, True)
    k_ref[...] = proj_rope(wk_ref, bk_ref, True)
    v_ref[...] = jnp.dot(hb, wv_ref[...],
                         preferred_element_type=jnp.float32) + bv_ref[...]


def _k3_body(q_ref, k_ref, v_ref, attn_ref, sa_ref):
    q = q_ref[...]
    k = k_ref[...]
    scores = jax.lax.dot_general(
        q, k, (((1,), (1,)), ((), ())),
        preferred_element_type=jnp.float32) * (1.0 / (HD ** 0.5))
    m = jnp.max(scores, axis=1, keepdims=True)
    e = jnp.exp(scores - m)
    p = e / jnp.sum(e, axis=1, keepdims=True)
    attn_ref[0, 0] = p
    CK = 1024
    m_run = jnp.full((BT, 1), -jnp.inf, jnp.float32)
    l_run = jnp.zeros((BT, 1), jnp.float32)
    acc = jnp.zeros((BT, HD), jnp.float32)
    for c in range(SEQ // CK):
        s_c = scores[:, c * CK:(c + 1) * CK]
        bm = jnp.max(s_c, axis=1, keepdims=True)
        m_new = jnp.maximum(m_run, bm)
        corr = jnp.where(m_run == m_new, 0.0, m_run - m_new)
        ec = jnp.exp(corr)
        eb = jnp.exp(s_c - m_new)
        l_run = ec * l_run + jnp.sum(eb, axis=1, keepdims=True)
        acc = jnp.dot(eb, v_ref[c * CK:(c + 1) * CK, :],
                      preferred_element_type=jnp.float32) + ec * acc
        m_run = m_new
    sa_ref[...] = acc * (1.0 / l_run)


def _k4a_body(x_ref, sa_ref, wo_ref, bo_ref, x2_ref):
    sab = sa_ref[...].astype(jnp.bfloat16)
    whi = wo_ref[...].astype(jnp.bfloat16)
    wlo = (wo_ref[...] - whi.astype(jnp.float32)).astype(jnp.bfloat16)
    sa2 = (jnp.dot(sab, whi, preferred_element_type=jnp.float32)
           + jnp.dot(sab, wlo, preferred_element_type=jnp.float32)
           + bo_ref[...])
    x2_ref[...] = x_ref[...] + sa2


def _k4b_body(x2_ref, m_ref, vv_ref, g_ref, b_ref, rw_ref, rb_ref,
              masks_ref, me_ref, ce_ref):
    step = pl.program_id(0)
    x2 = x2_ref[...]
    h2 = (x2 - m_ref[...]) / jnp.sqrt(vv_ref[...] + 1e-5) * g_ref[...] + b_ref[...]
    rl = jnp.dot(h2, rw_ref[...],
                 preferred_element_type=jnp.float32) + rb_ref[...]
    lane = jax.lax.broadcasted_iota(jnp.int32, (BT, 128), 1)
    valid = lane < NE
    rl = jnp.where(valid, rl, NEG_INF)
    mx = jnp.max(rl, axis=1, keepdims=True)
    ex = jnp.exp(rl - mx)
    ex = jnp.where(valid, ex, 0.0)
    p = ex / jnp.sum(ex, axis=1, keepdims=True)

    psel = jnp.where(valid, p, -1.0)
    i1 = jnp.argmax(psel, axis=1, keepdims=True)
    oh1 = lane == i1
    v1 = jnp.max(psel, axis=1, keepdims=True)
    psel2 = jnp.where(oh1, -1.0, psel)
    i2 = jnp.argmax(psel2, axis=1, keepdims=True)
    oh2 = lane == i2
    v2 = jnp.max(psel2, axis=1, keepdims=True)
    masks = jnp.where(oh1, v1, 0.0) + jnp.where(oh2, v2, 0.0)
    masks_ref[...] = masks

    me_part = jnp.sum(p, axis=0, keepdims=True)
    ce_part = jnp.sum((masks > 0).astype(jnp.float32), axis=0, keepdims=True)

    @pl.when(step == 0)
    def _():
        me_ref[...] = jnp.zeros_like(me_ref)
        ce_ref[...] = jnp.zeros_like(ce_ref)

    me_ref[...] += me_part
    ce_ref[...] += ce_part



def _k4c_body(x2T_ref, m_ref, vv_ref, gT_ref, bT_ref, rw_ref, rb_ref,
              masksT_ref, me_ref, ce_ref):
    step = pl.program_id(0)
    h2 = (x2T_ref[...] - m_ref[...]) / jnp.sqrt(vv_ref[...] + 1e-5) \
        * gT_ref[...] + bT_ref[...]
    rls = []
    for e in range(NE):
        w = rw_ref[:, e:e + 1]
        rls.append(_slabsum(h2 * w))
    rls.append(jnp.full((1, BT), NEG_INF, jnp.float32))
    rl = jnp.concatenate(rls, axis=0) + rb_ref[...]
    srow = jax.lax.broadcasted_iota(jnp.int32, (8, BT), 0)
    mx = jnp.max(rl, axis=0, keepdims=True)
    ex = jnp.exp(rl - mx)
    ex = jnp.where(srow < NE, ex, 0.0)
    pp = ex / jnp.sum(ex, axis=0, keepdims=True)
    psel = jnp.where(srow < NE, pp, -1.0)
    i1 = jnp.argmax(psel, axis=0, keepdims=True)
    oh1 = srow == i1
    v1 = jnp.max(psel, axis=0, keepdims=True)
    psel2 = jnp.where(oh1, -1.0, psel)
    i2 = jnp.argmax(psel2, axis=0, keepdims=True)
    oh2 = srow == i2
    v2 = jnp.max(psel2, axis=0, keepdims=True)
    masks = jnp.where(oh1, v1, 0.0) + jnp.where(oh2, v2, 0.0)
    masksT_ref[...] = masks
    me_part = jnp.sum(pp, axis=1, keepdims=True)
    ce_part = jnp.sum((masks > 0).astype(jnp.float32), axis=1, keepdims=True)

    @pl.when(step == 0)
    def _():
        me_ref[...] = jnp.zeros_like(me_ref)
        ce_ref[...] = jnp.zeros_like(ce_ref)

    me_ref[...] += me_part
    ce_ref[...] += ce_part


def _k5_body(x_ref, w1_ref, b1_ref, w2_ref, b2_ref, masks_ref, acc_ref):
    e = pl.program_id(1)
    f = pl.program_id(2)
    lane = jax.lax.broadcasted_iota(jnp.int32, (BT, 8), 1)
    gate = jnp.sum(jnp.where(lane == e, masks_ref[...], 0.0),
                   axis=1, keepdims=True)

    @pl.when(jnp.logical_and(e == 0, f == 0))
    def _():
        acc_ref[...] = jnp.zeros_like(acc_ref)

    hfull = jnp.dot(x_ref[...], w1_ref[0],
                    preferred_element_type=jnp.float32) + b1_ref[0]
    hact = jax.nn.gelu(hfull).astype(jnp.bfloat16)
    part = jnp.dot(hact, w2_ref[0], preferred_element_type=jnp.float32)

    @pl.when(f == 0)
    def _():
        acc_ref[...] += gate * b2_ref[0]

    acc_ref[...] += gate * part


def _k6_body(acc_ref, g_ref, b_ref, cw_ref, cb_ref, me_ref, ce_ref,
             eo_ref, fv_ref, cls_ref, loss_ref):
    step = pl.program_id(0)
    eo = _layernorm(acc_ref[...], g_ref[...], b_ref[...])
    eo_ref[...] = eo

    @pl.when(step == 0)
    def _():
        fv_ref[...] = jnp.zeros_like(fv_ref)

    b_id = step // NSB
    rowsum = jnp.sum(eo, axis=0, keepdims=True)
    brow = jax.lax.broadcasted_iota(jnp.int32, (BATCH, D), 0)
    fv_ref[...] += jnp.where(brow == b_id, rowsum, 0.0)

    @pl.when(step == NT - 1)
    def _():
        fv = fv_ref[...] * (1.0 / SEQ)
        fv_ref[...] = fv
        cls_ref[...] = jnp.dot(fv, cw_ref[...],
                               preferred_element_type=jnp.float32) + cb_ref[...]
        me = me_ref[...] * (1.0 / T)
        ce = ce_ref[...] * (1.0 / T)
        loss_ref[...] = NE * jnp.sum(me * ce, keepdims=True)


def kernel(input_ids, params):
    p = params
    f32 = jnp.float32

    ids = input_ids.reshape(T).astype(jnp.int32)
    xe = _sc_gather(p['embedding'], ids, T, D)

    half = HD // 2
    freqs = 1.0 / (10000.0 ** (jnp.arange(half, dtype=f32) / half))
    ang = jnp.arange(SEQ, dtype=f32)[:, None] * freqs[None, :]
    cos = jnp.cos(ang)
    sin = jnp.sin(ang)

    row = lambda a: a.reshape(1, -1)

    xeT = jnp.transpose(xe)
    posT = jnp.transpose(p['pos'])
    m1, v1 = _stats_call(_statsA_body, xeT, posT)
    m1c, v1c = jnp.transpose(m1), jnp.transpose(v1)

    x, q, k, v = pl.pallas_call(
        _k2_body,
        grid=(NT,),
        in_specs=[
            pl.BlockSpec((BT, D), lambda t: (t, 0)),
            pl.BlockSpec((BT, D), lambda t: (t % NSB, 0)),
            pl.BlockSpec((D, D), lambda t: (0, 0)),
            pl.BlockSpec((D, D), lambda t: (0, 0)),
            pl.BlockSpec((D, D), lambda t: (0, 0)),
            pl.BlockSpec((1, D), lambda t: (0, 0)),
            pl.BlockSpec((1, D), lambda t: (0, 0)),
            pl.BlockSpec((1, D), lambda t: (0, 0)),
            pl.BlockSpec((1, D), lambda t: (0, 0)),
            pl.BlockSpec((1, D), lambda t: (0, 0)),
            pl.BlockSpec((BT, half), lambda t: (t % NSB, 0)),
            pl.BlockSpec((BT, half), lambda t: (t % NSB, 0)),
            pl.BlockSpec((BT, 1), lambda t: (t, 0)),
            pl.BlockSpec((BT, 1), lambda t: (t, 0)),
        ],
        out_specs=[
            pl.BlockSpec((BT, D), lambda t: (t, 0)),
            pl.BlockSpec((BT, D), lambda t: (t, 0)),
            pl.BlockSpec((BT, D), lambda t: (t, 0)),
            pl.BlockSpec((BT, D), lambda t: (t, 0)),
        ],
        out_shape=[jax.ShapeDtypeStruct((T, D), f32)] * 4,
    )(xe, p['pos'], p['Wq'], p['Wk'], p['Wv'],
      row(p['bq']), row(p['bk']), row(p['bv']),
      row(p['ln1_g']), row(p['ln1_b']), cos, sin, m1c, v1c)

    attn, sa = pl.pallas_call(
        _k3_body,
        grid=(BATCH, H, NSB),
        in_specs=[
            pl.BlockSpec((BT, HD), lambda b, h, qi: (b * NSB + qi, h)),
            pl.BlockSpec((SEQ, HD), lambda b, h, qi: (b, h)),
            pl.BlockSpec((SEQ, HD), lambda b, h, qi: (b, h)),
        ],
        out_specs=[
            pl.BlockSpec((1, 1, BT, SEQ), lambda b, h, qi: (b, h, qi, 0)),
            pl.BlockSpec((BT, HD), lambda b, h, qi: (b * NSB + qi, h)),
        ],
        out_shape=[
            jax.ShapeDtypeStruct((BATCH, H, SEQ, SEQ), f32),
            jax.ShapeDtypeStruct((T, D), f32),
        ],
    )(q, k, v)

    x2 = pl.pallas_call(
        _k4a_body,
        grid=(NT,),
        in_specs=[
            pl.BlockSpec((BT, D), lambda t: (t, 0)),
            pl.BlockSpec((BT, D), lambda t: (t, 0)),
            pl.BlockSpec((D, D), lambda t: (0, 0)),
            pl.BlockSpec((1, D), lambda t: (0, 0)),
        ],
        out_specs=pl.BlockSpec((BT, D), lambda t: (t, 0)),
        out_shape=jax.ShapeDtypeStruct((T, D), f32),
    )(x, sa, p['Wo'], row(p['bo']))

    x2T = jnp.transpose(x2)
    m2, v2 = _stats_call(_statsB_body, x2T)

    rw_pad = jnp.zeros((D, 128), f32).at[:, :NE].set(p['router_W'])
    rb_pad = jnp.zeros((1, 128), f32).at[0, :NE].set(p['router_b'])
    m2c, v2c = jnp.transpose(m2), jnp.transpose(v2)
    masks_pad, me_sum, ce_sum = pl.pallas_call(
        _k4b_body,
        grid=(NT,),
        in_specs=[
            pl.BlockSpec((BT, D), lambda t: (t, 0)),
            pl.BlockSpec((BT, 1), lambda t: (t, 0)),
            pl.BlockSpec((BT, 1), lambda t: (t, 0)),
            pl.BlockSpec((1, D), lambda t: (0, 0)),
            pl.BlockSpec((1, D), lambda t: (0, 0)),
            pl.BlockSpec((D, 128), lambda t: (0, 0)),
            pl.BlockSpec((1, 128), lambda t: (0, 0)),
        ],
        out_specs=[
            pl.BlockSpec((BT, 128), lambda t: (t, 0)),
            pl.BlockSpec((1, 128), lambda t: (0, 0)),
            pl.BlockSpec((1, 128), lambda t: (0, 0)),
        ],
        out_shape=[
            jax.ShapeDtypeStruct((T, 128), f32),
            jax.ShapeDtypeStruct((1, 128), f32),
            jax.ShapeDtypeStruct((1, 128), f32),
        ],
    )(x2, m2c, v2c, row(p['ln2_g']), row(p['ln2_b']), rw_pad, rb_pad)
    masks_col = masks_pad[:, :8]
    me_sum = me_sum[0, :8].reshape(8, 1)
    ce_sum = ce_sum[0, :8].reshape(8, 1)

    w1 = jnp.concatenate([p['shared_W1'], p['text_W1'][None]], axis=0)
    b1 = jnp.concatenate([p['shared_b1'], p['text_b1'][None]],
                         axis=0).reshape(NE * NF, 1, 1024)
    w2 = jnp.concatenate([p['shared_W2'], p['text_W2'][None]], axis=0)
    b2 = jnp.concatenate([p['shared_b2'], p['text_b2'][None]],
                         axis=0).reshape(NE, 1, D)
    acc = pl.pallas_call(
        _k5_body,
        grid=(NT, NE, NF),
        in_specs=[
            pl.BlockSpec((BT, D), lambda t, e, f: (t, 0)),
            pl.BlockSpec((1, D, 1024), lambda t, e, f: (e, 0, f)),
            pl.BlockSpec((1, 1, 1024), lambda t, e, f: (e * NF + f, 0, 0)),
            pl.BlockSpec((1, 1024, D), lambda t, e, f: (e, f, 0)),
            pl.BlockSpec((1, 1, D), lambda t, e, f: (e, 0, 0)),
            pl.BlockSpec((BT, 8), lambda t, e, f: (t, 0)),
        ],
        out_specs=pl.BlockSpec((BT, D), lambda t, e, f: (t, 0)),
        out_shape=jax.ShapeDtypeStruct((T, D), f32),
    )(x2, w1, b1, w2, b2, masks_col)

    eo, fv, cls, loss = pl.pallas_call(
        _k6_body,
        grid=(NT,),
        in_specs=[
            pl.BlockSpec((BT, D), lambda t: (t, 0)),
            pl.BlockSpec((1, D), lambda t: (0, 0)),
            pl.BlockSpec((1, D), lambda t: (0, 0)),
            pl.BlockSpec((D, D), lambda t: (0, 0)),
            pl.BlockSpec((1, D), lambda t: (0, 0)),
            pl.BlockSpec((8, 1), lambda t: (0, 0)),
            pl.BlockSpec((8, 1), lambda t: (0, 0)),
        ],
        out_specs=[
            pl.BlockSpec((BT, D), lambda t: (t, 0)),
            pl.BlockSpec((BATCH, D), lambda t: (0, 0)),
            pl.BlockSpec((BATCH, D), lambda t: (0, 0)),
            pl.BlockSpec((1, 1), lambda t: (0, 0)),
        ],
        out_shape=[
            jax.ShapeDtypeStruct((T, D), f32),
            jax.ShapeDtypeStruct((BATCH, D), f32),
            jax.ShapeDtypeStruct((BATCH, D), f32),
            jax.ShapeDtypeStruct((1, 1), f32),
        ],
    )(acc, row(p['ln3_g']), row(p['ln3_b']), p['cls_W'], row(p['cls_b']),
      me_sum, ce_sum)

    masks = masks_col[:, :NE].reshape(BATCH, SEQ, NE)
    expert_outputs = eo.reshape(BATCH, SEQ, D)
    return fv, cls, loss[0, 0], attn, expert_outputs, masks

# --- scband reference (transcript-rebuilt; emitter-appended) ---
"""Pipeline reference for scband-text-mo-e-44719199486753 (READ-ONLY COPY).

The authoritative reference and input builder live on the scoring server;
editing this copy changes nothing except your own understanding.
"""

import jax, jax.numpy as jnp
import numpy as np

VOCAB = 100000
SEQ = 2048
B = 2
D = 1024
H = 8
HD = 128
FF = 4096
NSH = 6
NE = 7
TOPK = 2


def _layernorm(x, g, b):
    m = jnp.mean(x, axis=-1, keepdims=True)
    v = jnp.mean((x - m) ** 2, axis=-1, keepdims=True)
    return (x - m) / jnp.sqrt(v + 1e-5) * g + b


def _rope(x):
    b, h, s, d = x.shape
    half = d // 2
    freqs = 1.0 / (10000.0 ** (jnp.arange(half, dtype=jnp.float32) / half))
    ang = jnp.arange(s, dtype=jnp.float32)[:, None] * freqs[None, :]
    cos = jnp.cos(ang)[None, None, :, :]
    sin = jnp.sin(ang)[None, None, :, :]
    x1 = x[..., :half]
    x2 = x[..., half:]
    return jnp.concatenate([x1 * cos - x2 * sin, x1 * sin + x2 * cos], axis=-1)


def _forward(params, input_ids):
    p = params
    # embedding lookup (gather)
    x = jnp.take(p['embedding'], input_ids, axis=0)
    # learnable positional encoding
    x = x + p['pos'][None, :, :]
    # multi-head self-attention with rotary embeddings
    h = _layernorm(x, p['ln1_g'], p['ln1_b'])
    def proj(w, bb):
        return (h @ w + bb).reshape(B, SEQ, H, HD).transpose(0, 2, 1, 3)
    q = _rope(proj(p['Wq'], p['bq']))
    k = _rope(proj(p['Wk'], p['bk']))
    v = proj(p['Wv'], p['bv'])
    att = jnp.einsum('bhqd,bhkd->bhqk', q, k) / jnp.sqrt(float(HD))
    attn = jax.nn.softmax(att, axis=-1)
    sa = jnp.einsum('bhqk,bhkd->bhqd', attn, v).transpose(0, 2, 1, 3).reshape(B, SEQ, D)
    sa = sa @ p['Wo'] + p['bo']
    x = x + sa
    # attentive router: softmax probs -> top-k gates scattered into dense expert masks
    h2 = _layernorm(x, p['ln2_g'], p['ln2_b'])
    rlogits = h2 @ p['router_W'] + p['router_b']
    probs = jax.nn.softmax(rlogits, axis=-1)
    topv, topi = jax.lax.top_k(probs, TOPK)
    masks = jnp.sum(jax.nn.one_hot(topi, NE, dtype=jnp.float32) * topv[..., None], axis=-2)
    # load-balancing auxiliary loss
    me = jnp.mean(probs, axis=(0, 1))
    ce = jnp.mean((masks > 0).astype(jnp.float32), axis=(0, 1))
    router_loss = NE * jnp.sum(me * ce)
    # experts run densely on all tokens, gated by masks (faithful to torch forward)
    expert_outputs = jnp.zeros_like(x)
    for i in range(NSH):
        eo = jax.nn.gelu(x @ p['shared_W1'][i] + p['shared_b1'][i]) @ p['shared_W2'][i] + p['shared_b2'][i]
        expert_outputs = expert_outputs + masks[:, :, i:i + 1] * eo
    te = jax.nn.gelu(x @ p['text_W1'] + p['text_b1']) @ p['text_W2'] + p['text_b2']
    expert_outputs = expert_outputs + masks[:, :, -1:] * te
    expert_outputs = _layernorm(expert_outputs, p['ln3_g'], p['ln3_b'])
    fv = jnp.mean(expert_outputs, axis=1)
    cls = fv @ p['cls_W'] + p['cls_b']
    return fv, cls, router_loss, attn, expert_outputs, masks


def setup_inputs(seed: int = 0):
    key = jax.random.key(seed)
    ks = jax.random.split(key, 24)
    def nrm(k, shape, scale=0.02):
        return jax.random.normal(k, shape, dtype=jnp.float32) * scale
    params = {
        'embedding': nrm(ks[0], (VOCAB, D)),
        'pos': nrm(ks[1], (SEQ, D)),
        'ln1_g': jnp.ones((D,), jnp.float32), 'ln1_b': jnp.zeros((D,), jnp.float32),
        'ln2_g': jnp.ones((D,), jnp.float32), 'ln2_b': jnp.zeros((D,), jnp.float32),
        'ln3_g': jnp.ones((D,), jnp.float32), 'ln3_b': jnp.zeros((D,), jnp.float32),
        'Wq': nrm(ks[2], (D, D)), 'bq': jnp.zeros((D,), jnp.float32),
        'Wk': nrm(ks[3], (D, D)), 'bk': jnp.zeros((D,), jnp.float32),
        'Wv': nrm(ks[4], (D, D)), 'bv': jnp.zeros((D,), jnp.float32),
        'Wo': nrm(ks[5], (D, D)), 'bo': jnp.zeros((D,), jnp.float32),
        'shared_W1': nrm(ks[6], (NSH, D, FF)), 'shared_b1': jnp.zeros((NSH, FF), jnp.float32),
        'shared_W2': nrm(ks[7], (NSH, FF, D)), 'shared_b2': jnp.zeros((NSH, D), jnp.float32),
        'text_W1': nrm(ks[8], (D, FF)), 'text_b1': jnp.zeros((FF,), jnp.float32),
        'text_W2': nrm(ks[9], (FF, D)), 'text_b2': jnp.zeros((D,), jnp.float32),
        'router_W': nrm(ks[10], (D, NE)), 'router_b': jnp.zeros((NE,), jnp.float32),
        'cls_W': nrm(ks[11], (D, D)), 'cls_b': jnp.zeros((D,), jnp.float32),
    }
    input_ids = jax.random.randint(ks[12], (B, SEQ), 0, VOCAB)
    return {'input_ids': input_ids, 'params': params}


def reference(input_ids, params):
    return _forward(params, input_ids)

if __name__ == "__main__":
    import jax
    _d = setup_inputs()
    print(jax.jit(kernel)(*tuple(_d.values())))

</pallas_src>

<mosaic_0001>
#map = affine_map<(d0, d1) -> (0, 0)>
#map1 = affine_map<(d0, d1) -> (0)>
module attributes {stable_mosaic.version = 14 : i64} {
  func.func @k(%arg0: i32, %arg1: i32, %arg2: memref<100000x1024xf32, #tpu.memory_space<hbm>>, %arg3: memref<4096xi32, #tpu.memory_space<hbm>>, %arg4: memref<4096x1024xf32, #tpu.memory_space<hbm>>, %arg5: memref<64xi32, #tpu.memory_space<vmem>>, %arg6: memref<64x1024xf32, #tpu.memory_space<vmem>>, %arg7: memref<!tpu.dma_semaphore, #tpu.memory_space<semaphore_mem>>) attributes {dimension_semantics = [#tpu.dimension_semantics<core_parallel>, #tpu.dimension_semantics<subcore_parallel>], iteration_bounds = array<i64: 2, 16>, scalar_prefetch = 0 : i64, scratch_operands = 3 : i64, tpu.core_type = #tpu.core_type<sc_vector_subcore>, window_params = [{transform_indices = #map}, {transform_indices = #map1}, {transform_indices = #map}]} {
    %mul3A = arith.constant 2 : i32
    %mul3A_0 = arith.muli %arg1, %mul3A : i32
    %add3A = arith.addi %mul3A_0, %arg0 : i32
    %mul3A_1 = arith.constant 128 : i32
    %mul3A_2 = arith.muli %add3A, %mul3A_1 : i32
    %add3A_3 = arith.constant 0 : i32
    %add3A_4 = arith.addi %mul3A_2, %add3A_3 : i32
    "tpu.region"() ({
      %run_scoped3A = tpu.sem_alloc : memref<!tpu.dma_semaphore, #tpu.memory_space<semaphore_mem>>
      %dma_start3A_17 = tpu.memref_slice %arg3[%add3A_4] : memref<4096xi32, #tpu.memory_space<hbm>> -> memref<64xi32, #tpu.memory_space<hbm>>
      %dma_start3A_18 = tpu.memref_slice %arg3[%add3A_4] : memref<4096xi32, #tpu.memory_space<hbm>> -> memref<64xi32, #tpu.memory_space<hbm>>
      tpu.enqueue_dma source(%dma_start3A_18 : memref<64xi32, #tpu.memory_space<hbm>>) target(%arg5 : memref<64xi32, #tpu.memory_space<vmem>>) target_semaphore(%run_scoped3A : memref<!tpu.dma_semaphore, #tpu.memory_space<semaphore_mem>>)
      %dma_wait3A_19 = tpu.memref_slice %arg3[%add3A_4] : memref<4096xi32, #tpu.memory_space<hbm>> -> memref<64xi32, #tpu.memory_space<hbm>>
      %dma_wait3A_20 = tpu.memref_slice %arg3[%add3A_4] : memref<4096xi32, #tpu.memory_space<hbm>> -> memref<64xi32, #tpu.memory_space<hbm>>
      tpu.wait_dma2 semaphore(%run_scoped3A : memref<!tpu.dma_semaphore, #tpu.memory_space<semaphore_mem>>) src(%dma_wait3A_20 : memref<64xi32, #tpu.memory_space<hbm>>) dst(%arg5 : memref<64xi32, #tpu.memory_space<vmem>>)
      tpu.yield
    }) : () -> ()
    %dma_start3A = arith.constant 0 : i32
    %dma_start3A_5 = arith.constant 0 : i32
    %dma_start3A_6 = tpu.memref_slice %arg2[%dma_start3A, %dma_start3A_5] : memref<100000x1024xf32, #tpu.memory_space<hbm>> -> memref<100000x1024xf32, #tpu.memory_space<hbm>>
    tpu.enqueue_indirect_dma source(%dma_start3A_6 : memref<100000x1024xf32, #tpu.memory_space<hbm>>) target(%arg6 : memref<64x1024xf32, #tpu.memory_space<vmem>>) offsets(%arg5 : memref<64xi32, #tpu.memory_space<vmem>>) semaphore(%arg7 : memref<!tpu.dma_semaphore, #tpu.memory_space<semaphore_mem>>)
    %dma_wait3A = arith.constant 0 : i32
    %dma_wait3A_7 = arith.constant 0 : i32
    %dma_wait3A_8 = tpu.memref_slice %arg2[%dma_wait3A, %dma_wait3A_7] : memref<100000x1024xf32, #tpu.memory_space<hbm>> -> memref<100000x1024xf32, #tpu.memory_space<hbm>>
    tpu.wait_indirect_dma semaphore(%arg7 : memref<!tpu.dma_semaphore, #tpu.memory_space<semaphore_mem>>) src(%dma_wait3A_8 : memref<100000x1024xf32, #tpu.memory_space<hbm>>) dst(%arg6 : memref<64x1024xf32, #tpu.memory_space<vmem>>)
    "tpu.region"() ({
      %run_scoped3A = tpu.sem_alloc : memref<!tpu.dma_semaphore, #tpu.memory_space<semaphore_mem>>
      %dma_start3A_17 = arith.constant 0 : i32
      %dma_start3A_18 = tpu.memref_slice %arg4[%add3A_4, %dma_start3A_17] : memref<4096x1024xf32, #tpu.memory_space<hbm>> -> memref<64x1024xf32, #tpu.memory_space<hbm>>
      %dma_start3A_19 = arith.constant 0 : i32
      %dma_start3A_20 = tpu.memref_slice %arg4[%add3A_4, %dma_start3A_19] : memref<4096x1024xf32, #tpu.memory_space<hbm>> -> memref<64x1024xf32, #tpu.memory_space<hbm>>
      tpu.enqueue_dma source(%arg6 : memref<64x1024xf32, #tpu.memory_space<vmem>>) target(%dma_start3A_20 : memref<64x1024xf32, #tpu.memory_space<hbm>>) target_semaphore(%run_scoped3A : memref<!tpu.dma_semaphore, #tpu.memory_space<semaphore_mem>>)
      %dma_wait3A_21 = arith.constant 0 : i32
      %dma_wait3A_22 = tpu.memref_slice %arg4[%add3A_4, %dma_wait3A_21] : memref<4096x1024xf32, #tpu.memory_space<hbm>> -> memref<64x1024xf32, #tpu.memory_space<hbm>>
      %dma_wait3A_23 = arith.constant 0 : i32
      %dma_wait3A_24 = tpu.memref_slice %arg4[%add3A_4, %dma_wait3A_23] : memref<4096x1024xf32, #tpu.memory_space<hbm>> -> memref<64x1024xf32, #tpu.memory_space<hbm>>
      tpu.wait_dma2 semaphore(%run_scoped3A : memref<!tpu.dma_semaphore, #tpu.memory_space<semaphore_mem>>) src(%arg6 : memref<64x1024xf32, #tpu.memory_space<vmem>>) dst(%dma_wait3A_24 : memref<64x1024xf32, #tpu.memory_space<hbm>>)
      tpu.yield
    }) : () -> ()
    %add3A_9 = arith.constant 64 : i32
    %add3A_10 = arith.addi %mul3A_2, %add3A_9 : i32
    "tpu.region"() ({
      %run_scoped3A = tpu.sem_alloc : memref<!tpu.dma_semaphore, #tpu.memory_space<semaphore_mem>>
      %dma_start3A_17 = tpu.memref_slice %arg3[%add3A_10] : memref<4096xi32, #tpu.memory_space<hbm>> -> memref<64xi32, #tpu.memory_space<hbm>>
      %dma_start3A_18 = tpu.memref_slice %arg3[%add3A_10] : memref<4096xi32, #tpu.memory_space<hbm>> -> memref<64xi32, #tpu.memory_space<hbm>>
      tpu.enqueue_dma source(%dma_start3A_18 : memref<64xi32, #tpu.memory_space<hbm>>) target(%arg5 : memref<64xi32, #tpu.memory_space<vmem>>) target_semaphore(%run_scoped3A : memref<!tpu.dma_semaphore, #tpu.memory_space<semaphore_mem>>)
      %dma_wait3A_19 = tpu.memref_slice %arg3[%add3A_10] : memref<4096xi32, #tpu.memory_space<hbm>> -> memref<64xi32, #tpu.memory_space<hbm>>
      %dma_wait3A_20 = tpu.memref_slice %arg3[%add3A_10] : memref<4096xi32, #tpu.memory_space<hbm>> -> memref<64xi32, #tpu.memory_space<hbm>>
      tpu.wait_dma2 semaphore(%run_scoped3A : memref<!tpu.dma_semaphore, #tpu.memory_space<semaphore_mem>>) src(%dma_wait3A_20 : memref<64xi32, #tpu.memory_space<hbm>>) dst(%arg5 : memref<64xi32, #tpu.memory_space<vmem>>)
      tpu.yield
    }) : () -> ()
    %dma_start3A_11 = arith.constant 0 : i32
    %dma_start3A_12 = arith.constant 0 : i32
    %dma_start3A_13 = tpu.memref_slice %arg2[%dma_start3A_11, %dma_start3A_12] : memref<100000x1024xf32, #tpu.memory_space<hbm>> -> memref<100000x1024xf32, #tpu.memory_space<hbm>>
    tpu.enqueue_indirect_dma source(%dma_start3A_13 : memref<100000x1024xf32, #tpu.memory_space<hbm>>) target(%arg6 : memref<64x1024xf32, #tpu.memory_space<vmem>>) offsets(%arg5 : memref<64xi32, #tpu.memory_space<vmem>>) semaphore(%arg7 : memref<!tpu.dma_semaphore, #tpu.memory_space<semaphore_mem>>)
    %dma_wait3A_14 = arith.constant 0 : i32
    %dma_wait3A_15 = arith.constant 0 : i32
    %dma_wait3A_16 = tpu.memref_slice %arg2[%dma_wait3A_14, %dma_wait3A_15] : memref<100000x1024xf32, #tpu.memory_space<hbm>> -> memref<100000x1024xf32, #tpu.memory_space<hbm>>
    tpu.wait_indirect_dma semaphore(%arg7 : memref<!tpu.dma_semaphore, #tpu.memory_space<semaphore_mem>>) src(%dma_wait3A_16 : memref<100000x1024xf32, #tpu.memory_space<hbm>>) dst(%arg6 : memref<64x1024xf32, #tpu.memory_space<vmem>>)
    "tpu.region"() ({
      %run_scoped3A = tpu.sem_alloc : memref<!tpu.dma_semaphore, #tpu.memory_space<semaphore_mem>>
      %dma_start3A_17 = arith.constant 0 : i32
      %dma_start3A_18 = tpu.memref_slice %arg4[%add3A_10, %dma_start3A_17] : memref<4096x1024xf32, #tpu.memory_space<hbm>> -> memref<64x1024xf32, #tpu.memory_space<hbm>>
      %dma_start3A_19 = arith.constant 0 : i32
      %dma_start3A_20 = tpu.memref_slice %arg4[%add3A_10, %dma_start3A_19] : memref<4096x1024xf32, #tpu.memory_space<hbm>> -> memref<64x1024xf32, #tpu.memory_space<hbm>>
      tpu.enqueue_dma source(%arg6 : memref<64x1024xf32, #tpu.memory_space<vmem>>) target(%dma_start3A_20 : memref<64x1024xf32, #tpu.memory_space<hbm>>) target_semaphore(%run_scoped3A : memref<!tpu.dma_semaphore, #tpu.memory_space<semaphore_mem>>)
      %dma_wait3A_21 = arith.constant 0 : i32
      %dma_wait3A_22 = tpu.memref_slice %arg4[%add3A_10, %dma_wait3A_21] : memref<4096x1024xf32, #tpu.memory_space<hbm>> -> memref<64x1024xf32, #tpu.memory_space<hbm>>
      %dma_wait3A_23 = arith.constant 0 : i32
      %dma_wait3A_24 = tpu.memref_slice %arg4[%add3A_10, %dma_wait3A_23] : memref<4096x1024xf32, #tpu.memory_space<hbm>> -> memref<64x1024xf32, #tpu.memory_space<hbm>>
      tpu.wait_dma2 semaphore(%run_scoped3A : memref<!tpu.dma_semaphore, #tpu.memory_space<semaphore_mem>>) src(%arg6 : memref<64x1024xf32, #tpu.memory_space<vmem>>) dst(%dma_wait3A_24 : memref<64x1024xf32, #tpu.memory_space<hbm>>)
      tpu.yield
    }) : () -> ()
    return
  }
}

module attributes {stable_mosaic.version = 14 : i64} {
  func.func @_statsA_body(%arg0: i32, %arg1: memref<1024x512xf32, #tpu.memory_space<vmem>>, %arg2: memref<1024x512xf32, #tpu.memory_space<vmem>>, %arg3: memref<1x512xf32, #tpu.memory_space<vmem>>, %arg4: memref<1x512xf32, #tpu.memory_space<vmem>>) attributes {dimension_semantics = [#tpu.dimension_semantics<arbitrary>], iteration_bounds = array<i64: 8>, scalar_prefetch = 0 : i64, scratch_operands = 0 : i64, tpu.core_type = #tpu.core_type<tc>, window_params = [{transform_indices = @transform_0, window_bounds = array<i64: 1024, 512>}, {transform_indices = @transform_1, window_bounds = array<i64: 1024, 512>}, {transform_indices = @transform_2, window_bounds = array<i64: 1, 512>}, {transform_indices = @transform_3, window_bounds = array<i64: 1, 512>}]} {
    %get3A = arith.constant 0 : index
    %get3A_0 = arith.constant 0 : index
    %get3A_1 = vector.load %arg1[%get3A, %get3A_0] : memref<1024x512xf32, #tpu.memory_space<vmem>>, vector<1024x512xf32>
    %get3A_2 = arith.constant 0 : index
    %get3A_3 = arith.constant 0 : index
    %get3A_4 = vector.load %arg2[%get3A_2, %get3A_3] : memref<1024x512xf32, #tpu.memory_space<vmem>>, vector<1024x512xf32>
    %add3A = arith.addf %get3A_1, %get3A_4 : vector<1024x512xf32>
    %slice3A = vector.extract_strided_slice %add3A {offsets = [0, 0], sizes = [8, 512], strides = [1, 1]} : vector<1024x512xf32> to vector<8x512xf32>
    %slice3A_5 = vector.extract_strided_slice %add3A {offsets = [8, 0], sizes = [8, 512], strides = [1, 1]} : vector<1024x512xf32> to vector<8x512xf32>
    %add3A_6 = arith.addf %slice3A, %slice3A_5 : vector<8x512xf32>
    %slice3A_7 = vector.extract_strided_slice %add3A {offsets = [16, 0], sizes = [8, 512], strides = [1, 1]} : vector<1024x512xf32> to vector<8x512xf32>
    %add3A_8 = arith.addf %add3A_6, %slice3A_7 : vector<8x512xf32>
    %slice3A_9 = vector.extract_strided_slice %add3A {offsets = [24, 0], sizes = [8, 512], strides = [1, 1]} : vector<1024x512xf32> to vector<8x512xf32>
    %add3A_10 = arith.addf %add3A_8, %slice3A_9 : vector<8x512xf32>
    %slice3A_11 = vector.extract_strided_slice %add3A {offsets = [32, 0], sizes = [8, 512], strides = [1, 1]} : vector<1024x512xf32> to vector<8x512xf32>
    %add3A_12 = arith.addf %add3A_10, %slice3A_11 : vector<8x512xf32>
    %slice3A_13 = vector.extract_strided_slice %add3A {offsets = [40, 0], sizes = [8, 512], strides = [1, 1]} : vector<1024x512xf32> to vector<8x512xf32>
    %add3A_14 = arith.addf %add3A_12, %slice3A_13 : vector<8x512xf32>
    %slice3A_15 = vector.extract_strided_slice %add3A {offsets = [48, 0], sizes = [8, 512], strides = [1, 1]} : vector<1024x512xf32> to vector<8x512xf32>
    %add3A_16 = arith.addf %add3A_14, %slice3A_15 : vector<8x512xf32>
    %slice3A_17 = vector.extract_strided_slice %add3A {offsets = [56, 0], sizes = [8, 512], strides = [1, 1]} : vector<1024x512xf32> to vector<8x512xf32>
    %add3A_18 = arith.addf %add3A_16, %slice3A_17 : vector<8x512xf32>
    %slice3A_19 = vector.extract_strided_slice %add3A {offsets = [64, 0], sizes = [8, 512], strides = [1, 1]} : vector<1024x512xf32> to vector<8x512xf32>
    %add3A_20 = arith.addf %add3A_18, %slice3A_19 : vector<8x512xf32>
    %slice3A_21 = vector.extract_strided_slice %add3A {offsets = [72, 0], sizes = [8, 512], strides = [1, 1]} : vector<1024x512xf32> to vector<8x512xf32>
    %add3A_22 = arith.addf %add3A_20, %slice3A_21 : vector<8x512xf32>
    %slice3A_23 = vector.extract_strided_slice %add3A {offsets = [80, 0], sizes = [8, 512], strides = [1, 1]} : vector<1024x512xf32> to vector<8x512xf32>
    %add3A_24 = arith.addf %add3A_22, %slice3A_23 : vector<8x512xf32>
    %slice3A_25 = vector.extract_strided_slice %add3A {offsets = [88, 0], sizes = [8, 512], strides = [1, 1]} : vector<1024x512xf32> to vector<8x512xf32>
    %add3A_26 = arith.addf %add3A_24, %slice3A_25 : vector<8x512xf32>
    %slice3A_27 = vector.extract_strided_slice %add3A {offsets = [96, 0], sizes = [8, 512], strides = [1, 1]} : vector<1024x512xf32> to vector<8x512xf32>
    %add3A_28 = arith.addf %add3A_26, %slice3A_27 : vector<8x512xf32>
    %slice3A_29 = vector.extract_strided_slice %add3A {offsets = [104, 0], sizes = [8, 512], strides = [1, 1]} : vector<1024x512xf32> to vector<8x512xf32>
    %add3A_30 = arith.addf %add3A_28, %slice3A_29 : vector<8x512xf32>
    %slice3A_31 = vector.extract_strided_slice %add3A {offsets = [112, 0], sizes = [8, 512], strides = [1, 1]} : vector<1024x512xf32> to vector<8x512xf32>
    %add3A_32 = arith.addf %add3A_30, %slice3A_31 : vector<8x512xf32>
    %slice3A_33 = vector.extract_strided_slice %add3A {offsets = [120, 0], sizes = [8, 512], strides = [1, 1]} : vector<1024x512xf32> to vector<8x512xf32>
    %add3A_34 = arith.addf %add3A_32, %slice3A_33 : vector<8x512xf32>
    %slice3A_35 = vector.extract_strided_slice %add3A {offsets = [128, 0], sizes = [8, 512], strides = [1, 1]} : vector<1024x512xf32> to vector<8x512xf32>
    %add3A_36 = arith.addf %add3A_34, %slice3A_35 : vector<8x512xf32>
    %slice3A_37 = vector.extract_strided_slice %add3A {offsets = [136, 0], sizes = [8, 512], strides = [1, 1]} : vector<1024x512xf32> to vector<8x512xf32>
    %add3A_38 = arith.addf %add3A_36, %slice3A_37 : vector<8x512xf32>
    %slice3A_39 = vector.extract_strided_slice %add3A {offsets = [144, 0], sizes = [8, 512], strides = [1, 1]} : vector<1024x512xf32> to vector<8x512xf32>
    %add3A_40 = arith.addf %add3A_38, %slice3A_39 : vector<8x512xf32>
    %slice3A_41 = vector.extract_strided_slice %add3A {offsets = [152, 0], sizes = [8, 512], strides = [1, 1]} : vector<1024x512xf32> to vector<8x512xf32>
    %add3A_42 = arith.addf %add3A_40, %slice3A_41 : vector<8x512xf32>
    %slice3A_43 = vector.extract_strided_slice %add3A {offsets = [160, 0], sizes = [8, 512], strides = [1, 1]} : vector<1024x512xf32> to vector<8x512xf32>
    %add3A_44 = arith.addf %add3A_42, %slice3A_43 : vector<8x512xf32>
    %slice3A_45 = vector.extract_strided_slice %add3A {offsets = [168, 0], sizes = [8, 512], strides = [1, 1]} : vector<1024x512xf32> to vector<8x512xf32>
    %add3A_46 = arith.addf %add3A_44, %slice3A_45 : vector<8x512xf32>
    %slice3A_47 = vector.extract_strided_slice %add3A {offsets = [176, 0], sizes = [8, 512], strides = [1, 1]} : vector<1024x512xf32> to vector<8x512xf32>
    %add3A_48 = arith.addf %add3A_46, %slice3A_47 : vector<8x512xf32>
    %slice3A_49 = vector.extract_strided_slice %add3A {offsets = [184, 0], sizes = [8, 512], strides = [1, 1]} : vector<1024x512xf32> to vector<8x512xf32>
    %add3A_50 = arith.addf %add3A_48, %slice3A_49 : vector<8x512xf32>
    %slice3A_51 = vector.extract_strided_slice %add3A {offsets = [192, 0], sizes = [8, 512], strides = [1, 1]} : vector<1024x512xf32> to vector<8x512xf32>
    %add3A_52 = arith.addf %add3A_50, %slice3A_51 : vector<8x512xf32>
    %slice3A_53 = vector.extract_strided_slice %add3A {offsets = [200, 0], sizes = [8, 512], strides = [1, 1]} : vector<1024x512xf32> to vector<8x512xf32>
    %add3A_54 = arith.addf %add3A_52, %slice3A_53 : vector<8x512xf32>
    %slice3A_55 = vector.extract_strided_slice %add3A {offsets = [208, 0], sizes = [8, 512], strides = [1, 1]} : vector<1024x512xf32> to vector<8x512xf32>
    %add3A_56 = arith.addf %add3A_54, %slice3A_55 : vector<8x512xf32>
    %slice3A_57 = vector.extract_strided_slice %add3A {offsets = [216, 0], sizes = [8, 512], strides = [1, 1]} : vector<1024x512xf32> to vector<8x512xf32>
    %add3A_58 = arith.addf %add3A_56, %slice3A_57 : vector<8x512xf32>
    %slice3A_59 = vector.extract_strided_slice %add3A {offsets = [224, 0], sizes = [8, 512], strides = [1, 1]} : vector<1024x512xf32> to vector<8x512xf32>
    %add3A_60 = arith.addf %add3A_58, %slice3A_59 : vector<8x512xf32>
    %slice3A_61 = vector.extract_strided_slice %add3A {offsets = [232, 0], sizes = [8, 512], strides = [1, 1]} : vector<1024x512xf32> to vector<8x512xf32>
    %add3A_62 = arith.addf %add3A_60, %slice3A_61 : vector<8x512xf32>
    %slice3A_63 = vector.extract_strided_slice %add3A {offsets = [240, 0], sizes = [8, 512], strides = [1, 1]} : vector<1024x512xf32> to vector<8x512xf32>
    %add3A_64 = arith.addf %add3A_62, %slice3A_63 : vector<8x512xf32>
    %slice3A_65 = vector.extract_strided_slice %add3A {offsets = [248, 0], sizes = [8, 512], strides = [1, 1]} : vector<1024x512xf32> to vector<8x512xf32>
    %add3A_66 = arith.addf %add3A_64, %slice3A_65 : vector<8x512xf32>
    %slice3A_67 = vector.extract_strided_slice %add3A {offsets = [256, 0], sizes = [8, 512], strides = [1, 1]} : vector<1024x512xf32> to vector<8x512xf32>
    %add3A_68 = arith.addf %add3A_66, %slice3A_67 : vector<8x512xf32>
    %slice3A_69 = vector.extract_strided_slice %add3A {offsets = [264, 0], sizes = [8, 512], strides = [1, 1]} : vector<1024x512xf32> to vector<8x512xf32>
    %add3A_70 = arith.addf %add3A_68, %slice3A_69 : vector<8x512xf32>
    %slice3A_71 = vector.extract_strided_slice %add3A {offsets = [272, 0], sizes = [8, 512], strides = [1, 1]} : vector<1024x512xf32> to vector<8x512xf32>
    %add3A_72 = arith.addf %add3A_70, %slice3A_71 : vector<8x512xf32>
    %slice3A_73 = vector.extract_strided_slice %add3A {offsets = [280, 0], sizes = [8, 512], strides = [1, 1]} : vector<1024x512xf32> to vector<8x512xf32>
    %add3A_74 = arith.addf %add3A_72, %slice3A_73 : vector<8x512xf32>
    %slice3A_75 = vector.extract_strided_slice %add3A {offsets = [288, 0], sizes = [8, 512], strides = [1, 1]} : vector<1024x512xf32> to vector<8x512xf32>
    %add3A_76 = arith.addf %add3A_74, %slice3A_75 : vector<8x512xf32>
    %slice3A_77 = vector.extract_strided_slice %add3A {offsets = [296, 0], sizes = [8, 512], strides = [1, 1]} : vector<1024x512xf32> to vector<8x512xf32>
    %add3A_78 = arith.addf %add3A_76, %slice3A_77 : vector<8x512xf32>
    %slice3A_79 = vector.extract_strided_slice %add3A {offsets = [304, 0], sizes = [8, 512], strides = [1, 1]} : vector<1024x512xf32> to vector<8x512xf32>
    %add3A_80 = arith.addf %add3A_78, %slice3A_79 : vector<8x512xf32>
    %slice3A_81 = vector.extract_strided_slice %add3A {offsets = [312, 0], sizes = [8, 512], strides = [1, 1]} : vector<1024x512xf32> to vector<8x512xf32>
    %add3A_82 = arith.addf %add3A_80, %slice3A_81 : vector<8x512xf32>
    %slice3A_83 = vector.extract_strided_slice %add3A {offsets = [320, 0], sizes = [8, 512], strides = [1, 1]} : vector<1024x512xf32> to vector<8x512xf32>
    %add3A_84 = arith.addf %add3A_82, %slice3A_83 : vector<8x512xf32>
    %slice3A_85 = vector.extract_strided_slice %add3A {offsets = [328, 0], sizes = [8, 512], strides = [1, 1]} : vector<1024x512xf32> to vector<8x512xf32>
    %add3A_86 = arith.addf %add3A_84, %slice3A_85 : vector<8x512xf32>
    %slice3A_87 = vector.extract_strided_slice %add3A {offsets = [336, 0], sizes = [8, 512], strides = [1, 1]} : vector<1024x512xf32> to vector<8x512xf32>
    %add3A_88 = arith.addf %add3A_86, %slice3A_87 : vector<8x512xf32>
    %slice3A_89 = vector.extract_strided_slice %add3A {offsets = [344, 0], sizes = [8, 512], strides = [1, 1]} : vector<1024x512xf32> to vector<8x512xf32>
    %add3A_90 = arith.addf %add3A_88, %slice3A_89 : vector<8x512xf32>
    %slice3A_91 = vector.extract_strided_slice %add3A {offsets = [352, 0], sizes = [8, 512], strides = [1, 1]} : vector<1024x512xf32> to vector<8x512xf32>
    %add3A_92 = arith.addf %add3A_90, %slice3A_91 : vector<8x512xf32>
    %slice3A_93 = vector.extract_strided_slice %add3A {offsets = [360, 0], sizes = [8, 512], strides = [1, 1]} : vector<1024x512xf32> to vector<8x512xf32>
    %add3A_94 = arith.addf %add3A_92, %slice3A_93 : vector<8x512xf32>
    %slice3A_95 = vector.extract_strided_slice %add3A {offsets = [368, 0], sizes = [8, 512], strides = [1, 1]} : vector<1024x512xf32> to vector<8x512xf32>
    %add3A_96 = arith.addf %add3A_94, %slice3A_95 : vector<8x512xf32>
    %slice3A_97 = vector.extract_strided_slice %add3A {offsets = [376, 0], sizes = [8, 512], strides = [1, 1]} : vector<1024x512xf32> to vector<8x512xf32>
    %add3A_98 = arith.addf %add3A_96, %slice3A_97 : vector<8x512xf32>
    %slice3A_99 = vector.extract_strided_slice %add3A {offsets = [384, 0], sizes = [8, 512], strides = [1, 1]} : vector<1024x512xf32> to vector<8x512xf32>
    %add3A_100 = arith.addf %add3A_98, %slice3A_99 : vector<8x512xf32>
    %slice3A_101 = vector.extract_strided_slice %add3A {offsets = [392, 0], sizes = [8, 512], strides = [1, 1]} : vector<1024x512xf32> to vector<8x512xf32>
    %add3A_102 = arith.addf %add3A_100, %slice3A_101 : vector<8x512xf32>
    %slice3A_103 = vector.extract_strided_slice %add3A {offsets = [400, 0], sizes = [8, 512], strides = [1, 1]} : vector<1024x512xf32> to vector<8x512xf32>
    %add3A_104 = arith.addf %add3A_102, %slice3A_103 : vector<8x512xf32>
    %slice3A_105 = vector.extract_strided_slice %add3A {offsets = [408, 0], sizes = [8, 512], strides = [1, 1]} : vector<1024x512xf32> to vector<8x512xf32>
    %add3A_106 = arith.addf %add3A_104, %slice3A_105 : vector<8x512xf32>
    %slice3A_107 = vector.extract_strided_slice %add3A {offsets = [416, 0], sizes = [8, 512], strides = [1, 1]} : vector<1024x512xf32> to vector<8x512xf32>
    %add3A_108 = arith.addf %add3A_106, %slice3A_107 : vector<8x512xf32>
    %slice3A_109 = vector.extract_strided_slice %add3A {offsets = [424, 0], sizes = [8, 512], strides = [1, 1]} : vector<1024x512xf32> to vector<8x512xf32>
    %add3A_110 = arith.addf %add3A_108, %slice3A_109 : vector<8x512xf32>
    %slice3A_111 = vector.extract_strided_slice %add3A {offsets = [432, 0], sizes = [8, 512], strides = [1, 1]} : vector<1024x512xf32> to vector<8x512xf32>
    %add3A_112 = arith.addf %add3A_110, %slice3A_111 : vector<8x512xf32>
    %slice3A_113 = vector.extract_strided_slice %add3A {offsets = [440, 0], sizes = [8, 512], strides = [1, 1]} : vector<1024x512xf32> to vector<8x512xf32>
    %add3A_114 = arith.addf %add3A_112, %slice3A_113 : vector<8x512xf32>
    %slice3A_115 = vector.extract_strided_slice %add3A {offsets = [448, 0], sizes = [8, 512], strides = [1, 1]} : vector<1024x512xf32> to vector<8x512xf32>
    %add3A_116 = arith.addf %add3A_114, %slice3A_115 : vector<8x512xf32>
    %slice3A_117 = vector.extract_strided_slice %add3A {offsets = [456, 0], sizes = [8, 512], strides = [1, 1]} : vector<1024x512xf32> to vector<8x512xf32>
    %add3A_118 = arith.addf %add3A_116, %slice3A_117 : vector<8x512xf32>
    %slice3A_119 = vector.extract_strided_slice %add3A {offsets = [464, 0], sizes = [8, 512], strides = [1, 1]} : vector<1024x512xf32> to vector<8x512xf32>
    %add3A_120 = arith.addf %add3A_118, %slice3A_119 : vector<8x512xf32>
    %slice3A_121 = vector.extract_strided_slice %add3A {offsets = [472, 0], sizes = [8, 512], strides = [1, 1]} : vector<1024x512xf32> to vector<8x512xf32>
    %add3A_122 = arith.addf %add3A_120, %slice3A_121 : vector<8x512xf32>
    %slice3A_123 = vector.extract_strided_slice %add3A {offsets = [480, 0], sizes = [8, 512], strides = [1, 1]} : vector<1024x512xf32> to vector<8x512xf32>
    %add3A_124 = arith.addf %add3A_122, %slice3A_123 : vector<8x512xf32>
    %slice3A_125 = vector.extract_strided_slice %add3A {offsets = [488, 0], sizes = [8, 512], strides = [1, 1]} : vector<1024x512xf32> to vector<8x512xf32>
    %add3A_126 = arith.addf %add3A_124, %slice3A_125 : vector<8x512xf32>
    %slice3A_127 = vector.extract_strided_slice %add3A {offsets = [496, 0], sizes = [8, 512], strides = [1, 1]} : vector<1024x512xf32> to vector<8x512xf32>
    %add3A_128 = arith.addf %add3A_126, %slice3A_127 : vector<8x512xf32>
    %slice3A_129 = vector.extract_strided_slice %add3A {offsets = [504, 0], sizes = [8, 512], strides = [1, 1]} : vector<1024x512xf32> to vector<8x512xf32>
    %add3A_130 = arith.addf %add3A_128, %slice3A_129 : vector<8x512xf32>
    %slice3A_131 = vector.extract_strided_slice %add3A {offsets = [512, 0], sizes = [8, 512], strides = [1, 1]} : vector<1024x512xf32> to vector<8x512xf32>
    %add3A_132 = arith.addf %add3A_130, %slice3A_131 : vector<8x512xf32>
    %slice3A_133 = vector.extract_strided_slice %add3A {offsets = [520, 0], sizes = [8, 512], strides = [1, 1]} : vector<1024x512xf32> to vector<8x512xf32>
    %add3A_134 = arith.addf %add3A_132, %slice3A_133 : vector<8x512xf32>
    %slice3A_135 = vector.extract_strided_slice %add3A {offsets = [528, 0], sizes = [8, 512], strides = [1, 1]} : vector<1024x512xf32> to vector<8x512xf32>
    %add3A_136 = arith.addf %add3A_134, %slice3A_135 : vector<8x512xf32>
    %slice3A_137 = vector.extract_strided_slice %add3A {offsets = [536, 0], sizes = [8, 512], strides = [1, 1]} : vector<1024x512xf32> to vector<8x512xf32>
    %add3A_138 = arith.addf %add3A_136, %slice3A_137 : vector<8x512xf32>
    %slice3A_139 = vector.extract_strided_slice %add3A {offsets = [544, 0], sizes = [8, 512], strides = [1, 1]} : vector<1024x512xf32> to vector<8x512xf32>
    %add3A_140 = arith.addf %add3A_138, %slice3A_139 : vector<8x512xf32>
    %slice3A_141 = vector.extract_strided_slice %add3A {offsets = [552, 0], sizes = [8, 512], strides = [1, 1]} : vector<1024x512xf32> to vector<8x512xf32>
    %add3A_142 = arith.addf %add3A_140, %slice3A_141 : vector<8x512xf32>
    %slice3A_143 = vector.extract_strided_slice %add3A {offsets = [560, 0], sizes = [8, 512], strides = [1, 1]} : vector<1024x512xf32> to vector<8x512xf32>
    %add3A_144 = arith.addf %add3A_142, %slice3A_143 : vector<8x512xf32>
    %slice3A_145 = vector.extract_strided_slice %add3A {offsets = [568, 0], sizes = [8, 512], strides = [1, 1]} : vector<1024x512xf32> to vector<8x512xf32>
    %add3A_146 = arith.addf %add3A_144, %slice3A_145 : vector<8x512xf32>
    %slice3A_147 = vector.extract_strided_slice %add3A {offsets = [576, 0], sizes = [8, 512], strides = [1, 1]} : vector<1024x512xf32> to vector<8x512xf32>
    %add3A_148 = arith.addf %add3A_146, %slice3A_147 : vector<8x512xf32>
    %slice3A_149 = vector.extract_strided_slice %add3A {offsets = [584, 0], sizes = [8, 512], strides = [1, 1]} : vector<1024x512xf32> to vector<8x512xf32>
    %add3A_150 = arith.addf %add3A_148, %slice3A_149 : vector<8x512xf32>
    %slice3A_151 = vector.extract_strided_slice %add3A {offsets = [592, 0], sizes = [8, 512], strides = [1, 1]} : vector<1024x512xf32> to vector<8x512xf32>
    %add3A_152 = arith.addf %add3A_150, %slice3A_151 : vector<8x512xf32>
    %slice3A_153 = vector.extract_strided_slice %add3A {offsets = [600, 0], sizes = [8, 512], strides = [1, 1]} : vector<1024x512xf32> to vector<8x512xf32>
    %add3A_154 = arith.addf %add3A_152, %slice3A_153 : vector<8x512xf32>
    %slice3A_155 = vector.extract_strided_slice %add3A {offsets = [608, 0], sizes = [8, 512], strides = [1, 1]} : vector<1024x512xf32> to vector<8x512xf32>
    %add3A_156 = arith.addf %add3A_154, %slice3A_155 : vector<8x512xf32>
    %slice3A_157 = vector.extract_strided_slice %add3A {offsets = [616, 0], sizes = [8, 512], strides = [1, 1]} : vector<1024x512xf32> to vector<8x512xf32>
    %add3A_158 = arith.addf %add3A_156, %slice3A_157 : vector<8x512xf32>
    %slice3A_159 = vector.extract_strided_slice %add3A {offsets = [624, 0], sizes = [8, 512], strides = [1, 1]} : vector<1024x512xf32> to vector<8x512xf32>
    %add3A_160 = arith.addf %add3A_158, %slice3A_159 : vector<8x512xf32>
    %slice3A_161 = vector.extract_strided_slice %add3A {offsets = [632, 0], sizes = [8, 512], strides = [1, 1]} : vector<1024x512xf32> to vector<8x512xf32>
    %add3A_162 = arith.addf %add3A_160, %slice3A_161 : vector<8x512xf32>
    %slice3A_163 = vector.extract_strided_slice %add3A {offsets = [640, 0], sizes = [8, 512], strides = [1, 1]} : vector<1024x512xf32> to vector<8x512xf32>
    %add3A_164 = arith.addf %add3A_162, %slice3A_163 : vector<8x512xf32>
    %slice3A_165 = vector.extract_strided_slice %add3A {offsets = [648, 0], sizes = [8, 512], strides = [1, 1]} : vector<1024x512xf32> to vector<8x512xf32>
    %add3A_166 = arith.addf %add3A_164, %slice3A_165 : vector<8x512xf32>
    %slice3A_167 = vector.extract_strided_slice %add3A {offsets = [656, 0], sizes = [8, 512], strides = [1, 1]} : vector<1024x512xf32> to vector<8x512xf32>
    %add3A_168 = arith.addf %add3A_166, %slice3A_167 : vector<8x512xf32>
    %slice3A_169 = vector.extract_strided_slice %add3A {offsets = [664, 0], sizes = [8, 512], strides = [1, 1]} : vector<1024x512xf32> to vector<8x512xf32>
    %add3A_170 = arith.addf %add3A_168, %slice3A_169 : vector<8x512xf32>
    %slice3A_171 = vector.extract_strided_slice %add3A {offsets = [672, 0], sizes = [8, 512], strides = [1, 1]} : vector<1024x512xf32> to vector<8x512xf32>
    %add3A_172 = arith.addf %add3A_170, %slice3A_171 : vector<8x512xf32>
    %slice3A_173 = vector.extract_strided_slice %add3A {offsets = [680, 0], sizes = [8, 512], strides = [1, 1]} : vector<1024x512xf32> to vector<8x512xf32>
    %add3A_174 = arith.addf %add3A_172, %slice3A_173 : vector<8x512xf32>
    %slice3A_175 = vector.extract_strided_slice %add3A {offsets = [688, 0], sizes = [8, 512], strides = [1, 1]} : vector<1024x512xf32> to vector<8x512xf32>
    %add3A_176 = arith.addf %add3A_174, %slice3A_175 : vector<8x512xf32>
    %slice3A_177 = vector.extract_strided_slice %add3A {offsets = [696, 0], sizes = [8, 512], strides = [1, 1]} : vector<1024x512xf32> to vector<8x512xf32>
    %add3A_178 = arith.addf %add3A_176, %slice3A_177 : vector<8x512xf32>
    %slice3A_179 = vector.extract_strided_slice %add3A {offsets = [704, 0], sizes = [8, 512], strides = [1, 1]} : vector<1024x512xf32> to vector<8x512xf32>
    %add3A_180 = arith.addf %add3A_178, %slice3A_179 : vector<8x512xf32>
    %slice3A_181 = vector.extract_strided_slice %add3A {offsets = [712, 0], sizes = [8, 512], strides = [1, 1]} : vector<1024x512xf32> to vector<8x512xf32>
    %add3A_182 = arith.addf %add3A_180, %slice3A_181 : vector<8x512xf32>
    %slice3A_183 = vector.extract_strided_slice %add3A {offsets = [720, 0], sizes = [8, 512], strides = [1, 1]} : vector<1024x512xf32> to vector<8x512xf32>
    %add3A_184 = arith.addf %add3A_182, %slice3A_183 : vector<8x512xf32>
    %slice3A_185 = vector.extract_strided_slice %add3A {offsets = [728, 0], sizes = [8, 512], strides = [1, 1]} : vector<1024x512xf32> to vector<8x512xf32>
    %add3A_186 = arith.addf %add3A_184, %slice3A_185 : vector<8x512xf32>
    %slice3A_187 = vector.extract_strided_slice %add3A {offsets = [736, 0], sizes = [8, 512], strides = [1, 1]} : vector<1024x512xf32> to vector<8x512xf32>
    %add3A_188 = arith.addf %add3A_186, %slice3A_187 : vector<8x512xf32>
    %slice3A_189 = vector.extract_strided_slice %add3A {offsets = [744, 0], sizes = [8, 512], strides = [1, 1]} : vector<1024x512xf32> to vector<8x512xf32>
    %add3A_190 = arith.addf %add3A_188, %slice3A_189 : vector<8x512xf32>
    %slice3A_191 = vector.extract_strided_slice %add3A {offsets = [752, 0], sizes = [8, 512], strides = [1, 1]} : vector<1024x512xf32> to vector<8x512xf32>
    %add3A_192 = arith.addf %add3A_190, %slice3A_191 : vector<8x512xf32>
    %slice3A_193 = vector.extract_strided_slice %add3A {offsets = [760, 0], sizes = [8, 512], strides = [1, 1]} : vector<1024x512xf32> to vector<8x512xf32>
    %add3A_194 = arith.addf %add3A_192, %slice3A_193 : vector<8x512xf32>
    %slice3A_195 = vector.extract_strided_slice %add3A {offsets = [768, 0], sizes = [8, 512], strides = [1, 1]} : vector<1024x512xf32> to vector<8x512xf32>
    %add3A_196 = arith.addf %add3A_194, %slice3A_195 : vector<8x512xf32>
    %slice3A_197 = vector.extract_strided_slice %add3A {offsets = [776, 0], sizes = [8, 512], strides = [1, 1]} : vector<1024x512xf32> to vector<8x512xf32>
    %add3A_198 = arith.addf %add3A_196, %slice3A_197 : vector<8x512xf32>
    %slice3A_199 = vector.extract_strided_slice %add3A {offsets = [784, 0], sizes = [8, 512], strides = [1, 1]} : vector<1024x512xf32> to vector<8x512xf32>
    %add3A_200 = arith.addf %add3A_198, %slice3A_199 : vector<8x512xf32>
    %slice3A_201 = vector.extract_strided_slice %add3A {offsets = [792, 0], sizes = [8, 512], strides = [1, 1]} : vector<1024x512xf32> to vector<8x512xf32>
    %add3A_202 = arith.addf %add3A_200, %slice3A_201 : vector<8x512xf32>
    %slice3A_203 = vector.extract_strided_slice %add3A {offsets = [800, 0], sizes = [8, 512], strides = [1, 1]} : vector<1024x512xf32> to vector<8x512xf32>
    %add3A_204 = arith.addf %add3A_202, %slice3A_203 : vector<8x512xf32>
    %slice3A_205 = vector.extract_strided_slice %add3A {offsets = [808, 0], sizes = [8, 512], strides = [1, 1]} : vector<1024x512xf32> to vector<8x512xf32>
    %add3A_206 = arith.addf %add3A_204, %slice3A_205 : vector<8x512xf32>
    %slice3A_207 = vector.extract_strided_slice %add3A {offsets = [816, 0], sizes = [8, 512], strides = [1, 1]} : vector<1024x512xf32> to vector<8x512xf32>
    %add3A_208 = arith.addf %add3A_206, %slice3A_207 : vector<8x512xf32>
    %slice3A_209 = vector.extract_strided_slice %add3A {offsets = [824, 0], sizes = [8, 512], strides = [1, 1]} : vector<1024x512xf32> to vector<8x512xf32>
    %add3A_210 = arith.addf %add3A_208, %slice3A_209 : vector<8x512xf32>
    %slice3A_211 = vector.extract_strided_slice %add3A {offsets = [832, 0], sizes = [8, 512], strides = [1, 1]} : vector<1024x512xf32> to vector<8x512xf32>
    %add3A_212 = arith.addf %add3A_210, %slice3A_211 : vector<8x512xf32>
    %slice3A_213 = vector.extract_strided_slice %add3A {offsets = [840, 0], sizes = [8, 512], strides = [1, 1]} : vector<1024x512xf32> to vector<8x512xf32>
    %add3A_214 = arith.addf %add3A_212, %slice3A_213 : vector<8x512xf32>
    %slice3A_215 = vector.extract_strided_slice %add3A {offsets = [848, 0], sizes = [8, 512], strides = [1, 1]} : vector<1024x512xf32> to vector<8x512xf32>
    %add3A_216 = arith.addf %add3A_214, %slice3A_215 : vector<8x512xf32>
    %slice3A_217 = vector.extract_strided_slice %add3A {offsets = [856, 0], sizes = [8, 512], strides = [1, 1]} : vector<1024x512xf32> to vector<8x512xf32>
    %add3A_218 = arith.addf %add3A_216, %slice3A_217 : vector<8x512xf32>
    %slice3A_219 = vector.extract_strided_slice %add3A {offsets = [864, 0], sizes = [8, 512], strides = [1, 1]} : vector<1024x512xf32> to vector<8x512xf32>
    %add3A_220 = arith.addf %add3A_218, %slice3A_219 : vector<8x512xf32>
    %slice3A_221 = vector.extract_strided_slice %add3A {offsets = [872, 0], sizes = [8, 512], strides = [1, 1]} : vector<1024x512xf32> to vector<8x512xf32>
    %add3A_222 = arith.addf %add3A_220, %slice3A_221 : vector<8x512xf32>
    %slice3A_223 = vector.extract_strided_slice %add3A {offsets = [880, 0], sizes = [8, 512], strides = [1, 1]} : vector<1024x512xf32> to vector<8x512xf32>
    %add3A_224 = arith.addf %add3A_222, %slice3A_223 : vector<8x512xf32>
    %slice3A_225 = vector.extract_strided_slice %add3A {offsets = [888, 0], sizes = [8, 512], strides = [1, 1]} : vector<1024x512xf32> to vector<8x512xf32>
    %add3A_226 = arith.addf %add3A_224, %slice3A_225 : vector<8x512xf32>
    %slice3A_227 = vector.extract_strided_slice %add3A {offsets = [896, 0], sizes = [8, 512], strides = [1, 1]} : vector<1024x512xf32> to vector<8x512xf32>
    %add3A_228 = arith.addf %add3A_226, %slice3A_227 : vector<8x512xf32>
    %slice3A_229 = vector.extract_strided_slice %add3A {offsets = [904, 0], sizes = [8, 512], strides = [1, 1]} : vector<1024x512xf32> to vector<8x512xf32>
    %add3A_230 = arith.addf %add3A_228, %slice3A_229 : vector<8x512xf32>
    %slice3A_231 = vector.extract_strided_slice %add3A {offsets = [912, 0], sizes = [8, 512], strides = [1, 1]} : vector<1024x512xf32> to vector<8x512xf32>
    %add3A_232 = arith.addf %add3A_230, %slice3A_231 : vector<8x512xf32>
    %slice3A_233 = vector.extract_strided_slice %add3A {offsets = [920, 0], sizes = [8, 512], strides = [1, 1]} : vector<1024x512xf32> to vector<8x512xf32>
    %add3A_234 = arith.addf %add3A_232, %slice3A_233 : vector<8x512xf32>
    %slice3A_235 = vector.extract_strided_slice %add3A {offsets = [928, 0], sizes = [8, 512], strides = [1, 1]} : vector<1024x512xf32> to vector<8x512xf32>
    %add3A_236 = arith.addf %add3A_234, %slice3A_235 : vector<8x512xf32>
    %slice3A_237 = vector.extract_strided_slice %add3A {offsets = [936, 0], sizes = [8, 512], strides = [1, 1]} : vector<1024x512xf32> to vector<8x512xf32>
    %add3A_238 = arith.addf %add3A_236, %slice3A_237 : vector<8x512xf32>
    %slice3A_239 = vector.extract_strided_slice %add3A {offsets = [944, 0], sizes = [8, 512], strides = [1, 1]} : vector<1024x512xf32> to vector<8x512xf32>
    %add3A_240 = arith.addf %add3A_238, %slice3A_239 : vector<8x512xf32>
    %slice3A_241 = vector.extract_strided_slice %add3A {offsets = [952, 0], sizes = [8, 512], strides = [1, 1]} : vector<1024x512xf32> to vector<8x512xf32>
    %add3A_242 = arith.addf %add3A_240, %slice3A_241 : vector<8x512xf32>
    %slice3A_243 = vector.extract_strided_slice %add3A {offsets = [960, 0], sizes = [8, 512], strides = [1, 1]} : vector<1024x512xf32> to vector<8x512xf32>
    %add3A_244 = arith.addf %add3A_242, %slice3A_243 : vector<8x512xf32>
    %slice3A_245 = vector.extract_strided_slice %add3A {offsets = [968, 0], sizes = [8, 512], strides = [1, 1]} : vector<1024x512xf32> to vector<8x512xf32>
    %add3A_246 = arith.addf %add3A_244, %slice3A_245 : vector<8x512xf32>
    %slice3A_247 = vector.extract_strided_slice %add3A {offsets = [976, 0], sizes = [8, 512], strides = [1, 1]} : vector<1024x512xf32> to vector<8x512xf32>
    %add3A_248 = arith.addf %add3A_246, %slice3A_247 : vector<8x512xf32>
    %slice3A_249 = vector.extract_strided_slice %add3A {offsets = [984, 0], sizes = [8, 512], strides = [1, 1]} : vector<1024x512xf32> to vector<8x512xf32>
    %add3A_250 = arith.addf %add3A_248, %slice3A_249 : vector<8x512xf32>
    %slice3A_251 = vector.extract_strided_slice %add3A {offsets = [992, 0], sizes = [8, 512], strides = [1, 1]} : vector<1024x512xf32> to vector<8x512xf32>
    %add3A_252 = arith.addf %add3A_250, %slice3A_251 : vector<8x512xf32>
    %slice3A_253 = vector.extract_strided_slice %add3A {offsets = [1000, 0], sizes = [8, 512], strides = [1, 1]} : vector<1024x512xf32> to vector<8x512xf32>
    %add3A_254 = arith.addf %add3A_252, %slice3A_253 : vector<8x512xf32>
    %slice3A_255 = vector.extract_strided_slice %add3A {offsets = [1008, 0], sizes = [8, 512], strides = [1, 1]} : vector<1024x512xf32> to vector<8x512xf32>
    %add3A_256 = arith.addf %add3A_254, %slice3A_255 : vector<8x512xf32>
    %slice3A_257 = vector.extract_strided_slice %add3A {offsets = [1016, 0], sizes = [8, 512], strides = [1, 1]} : vector<1024x512xf32> to vector<8x512xf32>
    %add3A_258 = arith.addf %add3A_256, %slice3A_257 : vector<8x512xf32>
    %slice3A_259 = vector.extract_strided_slice %add3A_258 {offsets = [0, 0], sizes = [4, 512], strides = [1, 1]} : vector<8x512xf32> to vector<4x512xf32>
    %slice3A_260 = vector.extract_strided_slice %add3A_258 {offsets = [4, 0], sizes = [4, 512], strides = [1, 1]} : vector<8x512xf32> to vector<4x512xf32>
    %add3A_261 = arith.addf %slice3A_259, %slice3A_260 : vector<4x512xf32>
    %slice3A_262 = vector.extract_strided_slice %add3A_261 {offsets = [0, 0], sizes = [2, 512], strides = [1, 1]} : vector<4x512xf32> to vector<2x512xf32>
    %slice3A_263 = vector.extract_strided_slice %add3A_261 {offsets = [2, 0], sizes = [2, 512], strides = [1, 1]} : vector<4x512xf32> to vector<2x512xf32>
    %add3A_264 = arith.addf %slice3A_262, %slice3A_263 : vector<2x512xf32>
    %slice3A_265 = vector.extract_strided_slice %add3A_264 {offsets = [0, 0], sizes = [1, 512], strides = [1, 1]} : vector<2x512xf32> to vector<1x512xf32>
    %slice3A_266 = vector.extract_strided_slice %add3A_264 {offsets = [1, 0], sizes = [1, 512], strides = [1, 1]} : vector<2x512xf32> to vector<1x512xf32>
    %add3A_267 = arith.addf %slice3A_265, %slice3A_266 : vector<1x512xf32>
    %div3A = arith.constant 1.024000e+03 : f32
    %div3A_268 = vector.broadcast %div3A : f32 to vector<1x512xf32>
    %div3A_269 = arith.divf %add3A_267, %div3A_268 : vector<1x512xf32>
    %sub3A = vector.broadcast %div3A_269 : vector<1x512xf32> to vector<1024x512xf32>
    %sub3A_270 = arith.subf %add3A, %sub3A : vector<1024x512xf32>
    %mul3A = arith.mulf %sub3A_270, %sub3A_270 : vector<1024x512xf32>
    %slice3A_271 = vector.extract_strided_slice %mul3A {offsets = [0, 0], sizes = [8, 512], strides = [1, 1]} : vector<1024x512xf32> to vector<8x512xf32>
    %slice3A_272 = vector.extract_strided_slice %mul3A {offsets = [8, 0], sizes = [8, 512], strides = [1, 1]} : vector<1024x512xf32> to vector<8x512xf32>
    %add3A_273 = arith.addf %slice3A_271, %slice3A_272 : vector<8x512xf32>
    %slice3A_274 = vector.extract_strided_slice %mul3A {offsets = [16, 0], sizes = [8, 512], strides = [1, 1]} : vector<1024x512xf32> to vector<8x512xf32>
    %add3A_275 = arith.addf %add3A_273, %slice3A_274 : vector<8x512xf32>
    %slice3A_276 = vector.extract_strided_slice %mul3A {offsets = [24, 0], sizes = [8, 512], strides = [1, 1]} : vector<1024x512xf32> to vector<8x512xf32>
    %add3A_277 = arith.addf %add3A_275, %slice3A_276 : vector<8x512xf32>
    %slice3A_278 = vector.extract_strided_slice %mul3A {offsets = [32, 0], sizes = [8, 512], strides = [1, 1]} : vector<1024x512xf32> to vector<8x512xf32>
    %add3A_279 = arith.addf %add3A_277, %slice3A_278 : vector<8x512xf32>
    %slice3A_280 = vector.extract_strided_slice %mul3A {offsets = [40, 0], sizes = [8, 512], strides = [1, 1]} : vector<1024x512xf32> to vector<8x512xf32>
    %add3A_281 = arith.addf %add3A_279, %slice3A_280 : vector<8x512xf32>
    %slice3A_282 = vector.extract_strided_slice %mul3A {offsets = [48, 0], sizes = [8, 512], strides = [1, 1]} : vector<1024x512xf32> to vector<8x512xf32>
    %add3A_283 = arith.addf %add3A_281, %slice3A_282 : vector<8x512xf32>
    %slice3A_284 = vector.extract_strided_slice %mul3A {offsets = [56, 0], sizes = [8, 512], strides = [1, 1]} : vector<1024x512xf32> to vector<8x512xf32>
    %add3A_285 = arith.addf %add3A_283, %slice3A_284 : vector<8x512xf32>
    %slice3A_286 = vector.extract_strided_slice %mul3A {offsets = [64, 0], sizes = [8, 512], strides = [1, 1]} : vector<1024x512xf32> to vector<8x512xf32>
    %add3A_287 = arith.addf %add3A_285, %slice3A_286 : vector<8x512xf32>
    %slice3A_288 = vector.extract_strided_slice %mul3A {offsets = [72, 0], sizes = [8, 512], strides = [1, 1]} : vector<1024x512xf32> to vector<8x512xf32>
    %add3A_289 = arith.addf %add3A_287, %slice3A_288 : vector<8x512xf32>
    %slice3A_290 = vector.extract_strided_slice %mul3A {offsets = [80, 0], sizes = [8, 512], strides = [1, 1]} : vector<1024x512xf32> to vector<8x512xf32>
    %add3A_291 = arith.addf %add3A_289, %slice3A_290 : vector<8x512xf32>
    %slice3A_292 = vector.extract_strided_slice %mul3A {offsets = [88, 0], sizes = [8, 512], strides = [1, 1]} : vector<1024x512xf32> to vector<8x512xf32>
    %add3A_293 = arith.addf %add3A_291, %slice3A_292 : vector<8x512xf32>
    %slice3A_294 = vector.extract_strided_slice %mul3A {offsets = [96, 0], sizes = [8, 512], strides = [1, 1]} : vector<1024x512xf32> to vector<8x512xf32>
    %add3A_295 = arith.addf %add3A_293, %slice3A_294 : vector<8x512xf32>
    %slice3A_296 = vector.extract_strided_slice %mul3A {offsets = [104, 0], sizes = [8, 512], strides = [1, 1]} : vector<1024x512xf32> to vector<8x512xf32>
    %add3A_297 = arith.addf %add3A_295, %slice3A_296 : vector<8x512xf32>
    %slice3A_298 = vector.extract_strided_slice %mul3A {offsets = [112, 0], sizes = [8, 512], strides = [1, 1]} : vector<1024x512xf32> to vector<8x512xf32>
    %add3A_299 = arith.addf %add3A_297, %slice3A_298 : vector<8x512xf32>
    %slice3A_300 = vector.extract_strided_slice %mul3A {offsets = [120, 0], sizes = [8, 512], strides = [1, 1]} : vector<1024x512xf32> to vector<8x512xf32>
    %add3A_301 = arith.addf %add3A_299, %slice3A_300 : vector<8x512xf32>
    %slice3A_302 = vector.extract_strided_slice %mul3A {offsets = [128, 0], sizes = [8, 512], strides = [1, 1]} : vector<1024x512xf32> to vector<8x512xf32>
    %add3A_303 = arith.addf %add3A_301, %slice3A_302 : vector<8x512xf32>
    %slice3A_304 = vector.extract_strided_slice %mul3A {offsets = [136, 0], sizes = [8, 512], strides = [1, 1]} : vector<1024x512xf32> to vector<8x512xf32>
    %add3A_305 = arith.addf %add3A_303, %slice3A_304 : vector<8x512xf32>
    %slice3A_306 = vector.extract_strided_slice %mul3A {offsets = [144, 0], sizes = [8, 512], strides = [1, 1]} : vector<1024x512xf32> to vector<8x512xf32>
    %add3A_307 = arith.addf %add3A_305, %slice3A_306 : vector<8x512xf32>
    %slice3A_308 = vector.extract_strided_slice %mul3A {offsets = [152, 0], sizes = [8, 512], strides = [1, 1]} : vector<1024x512xf32> to vector<8x512xf32>
    %add3A_309 = arith.addf %add3A_307, %slice3A_308 : vector<8x512xf32>
    %slice3A_310 = vector.extract_strided_slice %mul3A {offsets = [160, 0], sizes = [8, 512], strides = [1, 1]} : vector<1024x512xf32> to vector<8x512xf32>
    %add3A_311 = arith.addf %add3A_309, %slice3A_310 : vector<8x512xf32>
    %slice3A_312 = vector.extract_strided_slice %mul3A {offsets = [168, 0], sizes = [8, 512], strides = [1, 1]} : vector<1024x512xf32> to vector<8x512xf32>
    %add3A_313 = arith.addf %add3A_311, %slice3A_312 : vector<8x512xf32>
    %slice3A_314 = vector.extract_strided_slice %mul3A {offsets = [176, 0], sizes = [8, 512], strides = [1, 1]} : vector<1024x512xf32> to vector<8x512xf32>
    %add3A_315 = arith.addf %add3A_313, %slice3A_314 : vector<8x512xf32>
    %slice3A_316 = vector.extract_strided_slice %mul3A {offsets = [184, 0], sizes = [8, 512], strides = [1, 1]} : vector<1024x512xf32> to vector<8x512xf32>
    %add3A_317 = arith.addf %add3A_315, %slice3A_316 : vector<8x512xf32>
    %slice3A_318 = vector.extract_strided_slice %mul3A {offsets = [192, 0], sizes = [8, 512], strides = [1, 1]} : vector<1024x512xf32> to vector<8x512xf32>
    %add3A_319 = arith.addf %add3A_317, %slice3A_318 : vector<8x512xf32>
    %slice3A_320 = vector.extract_strided_slice %mul3A {offsets = [200, 0], sizes = [8, 512], strides = [1, 1]} : vector<1024x512xf32> to vector<8x512xf32>
    %add3A_321 = arith.addf %add3A_319, %slice3A_320 : vector<8x512xf32>
    %slice3A_322 = vector.extract_strided_slice %mul3A {offsets = [208, 0], sizes = [8, 512], strides = [1, 1]} : vector<1024x512xf32> to vector<8x512xf32>
    %add3A_323 = arith.addf %add3A_321, %slice3A_322 : vector<8x512xf32>
    %slice3A_324 = vector.extract_strided_slice %mul3A {offsets = [216, 0], sizes = [8, 512], strides = [1, 1]} : vector<1024x512xf32> to vector<8x512xf32>
    %add3A_325 = arith.addf %add3A_323, %slice3A_324 : vector<8x512xf32>
    %slice3A_326 = vector.extract_strided_slice %mul3A {offsets = [224, 0], sizes = [8, 512], strides = [1, 1]} : vector<1024x512xf32> to vector<8x512xf32>
    %add3A_327 = arith.addf %add3A_325, %slice3A_326 : vector<8x512xf32>
    %slice3A_328 = vector.extract_strided_slice %mul3A {offsets = [232, 0], sizes = [8, 512], strides = [1, 1]} : vector<1024x512xf32> to vector<8x512xf32>
    %add3A_329 = arith.addf %add3A_327, %slice3A_328 : vector<8x512xf32>
    %slice3A_330 = vector.extract_strided_slice %mul3A {offsets = [240, 0], sizes = [8, 512], strides = [1, 1]} : vector<1024x512xf32> to vector<8x512xf32>
    %add3A_331 = arith.addf %add3A_329, %slice3A_330 : vector<8x512xf32>
    %slice3A_332 = vector.extract_strided_slice %mul3A {offsets = [248, 0], sizes = [8, 512], strides = [1, 1]} : vector<1024x512xf32> to vector<8x512xf32>
    %add3A_333 = arith.addf %add3A_331, %slice3A_332 : vector<8x512xf32>
    %slice3A_334 = vector.extract_strided_slice %mul3A {offsets = [256, 0], sizes = [8, 512], strides = [1, 1]} : vector<1024x512xf32> to vector<8x512xf32>
    %add3A_335 = arith.addf %add3A_333, %slice3A_334 : vector<8x512xf32>
    %slice3A_336 = vector.extract_strided_slice %mul3A {offsets = [264, 0], sizes = [8, 512], strides = [1, 1]} : vector<1024x512xf32> to vector<8x512xf32>
    %add3A_337 = arith.addf %add3A_335, %slice3A_336 : vector<8x512xf32>
    %slice3A_338 = vector.extract_strided_slice %mul3A {offsets = [272, 0], sizes = [8, 512], strides = [1, 1]} : vector<1024x512xf32> to vector<8x512xf32>
    %add3A_339 = arith.addf %add3A_337, %slice3A_338 : vector<8x512xf32>
    %slice3A_340 = vector.extract_strided_slice %mul3A {offsets = [280, 0], sizes = [8, 512], strides = [1, 1]} : vector<1024x512xf32> to vector<8x512xf32>
    %add3A_341 = arith.addf %add3A_339, %slice3A_340 : vector<8x512xf32>
    %slice3A_342 = vector.extract_strided_slice %mul3A {offsets = [288, 0], sizes = [8, 512], strides = [1, 1]} : vector<1024x512xf32> to vector<8x512xf32>
    %add3A_343 = arith.addf %add3A_341, %slice3A_342 : vector<8x512xf32>
    %slice3A_344 = vector.extract_strided_slice %mul3A {offsets = [296, 0], sizes = [8, 512], strides = [1, 1]} : vector<1024x512xf32> to vector<8x512xf32>
    %add3A_345 = arith.addf %add3A_343, %slice3A_344 : vector<8x512xf32>
    %slice3A_346 = vector.extract_strided_slice %mul3A {offsets = [304, 0], sizes = [8, 512], strides = [1, 1]} : vector<1024x512xf32> to vector<8x512xf32>
    %add3A_347 = arith.addf %add3A_345, %slice3A_346 : vector<8x512xf32>
    %slice3A_348 = vector.extract_strided_slice %mul3A {offsets = [312, 0], sizes = [8, 512], strides = [1, 1]} : vector<1024x512xf32> to vector<8x512xf32>
    %add3A_349 = arith.addf %add3A_347, %slice3A_348 : vector<8x512xf32>
    %slice3A_350 = vector.extract_strided_slice %mul3A {offsets = [320, 0], sizes = [8, 512], strides = [1, 1]} : vector<1024x512xf32> to vector<8x512xf32>
    %add3A_351 = arith.addf %add3A_349, %slice3A_350 : vector<8x512xf32>
    %slice3A_352 = vector.extract_strided_slice %mul3A {offsets = [328, 0], sizes = [8, 512], strides = [1, 1]} : vector<1024x512xf32> to vector<8x512xf32>
    %add3A_353 = arith.addf %add3A_351, %slice3A_352 : vector<8x512xf32>
    %slice3A_354 = vector.extract_strided_slice %mul3A {offsets = [336, 0], sizes = [8, 512], strides = [1, 1]} : vector<1024x512xf32> to vector<8x512xf32>
    %add3A_355 = arith.addf %add3A_353, %slice3A_354 : vector<8x512xf32>
    %slice3A_356 = vector.extract_strided_slice %mul3A {offsets = [344, 0], sizes = [8, 512], strides = [1, 1]} : vector<1024x512xf32> to vector<8x512xf32>
    %add3A_357 = arith.addf %add3A_355, %slice3A_356 : vector<8x512xf32>
    %slice3A_358 = vector.extract_strided_slice %mul3A {offsets = [352, 0], sizes = [8, 512], strides = [1, 1]} : vector<1024x512xf32> to vector<8x512xf32>
    %add3A_359 = arith.addf %add3A_357, %slice3A_358 : vector<8x512xf32>
    %slice3A_360 = vector.extract_strided_slice %mul3A {offsets = [360, 0], sizes = [8, 512], strides = [1, 1]} : vector<1024x512xf32> to vector<8x512xf32>
    %add3A_361 = arith.addf %add3A_359, %slice3A_360 : vector<8x512xf32>
    %slice3A_362 = vector.extract_strided_slice %mul3A {offsets = [368, 0], sizes = [8, 512], strides = [1, 1]} : vector<1024x512xf32> to vector<8x512xf32>
    %add3A_363 = arith.addf %add3A_361, %slice3A_362 : vector<8x512xf32>
    %slice3A_364 = vector.extract_strided_slice %mul3A {offsets = [376, 0], sizes = [8, 512], strides = [1, 1]} : vector<1024x512xf32> to vector<8x512xf32>
    %add3A_365 = arith.addf %add3A_363, %slice3A_364 : vector<8x512xf32>
    %slice3A_366 = vector.extract_strided_slice %mul3A {offsets = [384, 0], sizes = [8, 512], strides = [1, 1]} : vector<1024x512xf32> to vector<8x512xf32>
    %add3A_367 = arith.addf %add3A_365, %slice3A_366 : vector<8x512xf32>
    %slice3A_368 = vector.extract_strided_slice %mul3A {offsets = [392, 0], sizes = [8, 512], strides = [1, 1]} : vector<1024x512xf32> to vector<8x512xf32>
    %add3A_369 = arith.addf %add3A_367, %slice3A_368 : vector<8x512xf32>
    %slice3A_370 = vector.extract_strided_slice %mul3A {offsets = [400, 0], sizes = [8, 512], strides = [1, 1]} : vector<1024x512xf32> to vector<8x512xf32>
    %add3A_371 = arith.addf %add3A_369, %slice3A_370 : vector<8x512xf32>
    %slice3A_372 = vector.extract_strided_slice %mul3A {offsets = [408, 0], sizes = [8, 512], strides = [1, 1]} : vector<1024x512xf32> to vector<8x512xf32>
    %add3A_373 = arith.addf %add3A_371, %slice3A_372 : vector<8x512xf32>
    %slice3A_374 = vector.extract_strided_slice %mul3A {offsets = [416, 0], sizes = [8, 512], strides = [1, 1]} : vector<1024x512xf32> to vector<8x512xf32>
    %add3A_375 = arith.addf %add3A_373, %slice3A_374 : vector<8x512xf32>
    %slice3A_376 = vector.extract_strided_slice %mul3A {offsets = [424, 0], sizes = [8, 512], strides = [1, 1]} : vector<1024x512xf32> to vector<8x512xf32>
    %add3A_377 = arith.addf %add3A_375, %slice3A_376 : vector<8x512xf32>
    %slice3A_378 = vector.extract_strided_slice %mul3A {offsets = [432, 0], sizes = [8, 512], strides = [1, 1]} : vector<1024x512xf32> to vector<8x512xf32>
    %add3A_379 = arith.addf %add3A_377, %slice3A_378 : vector<8x512xf32>
    %slice3A_380 = vector.extract_strided_slice %mul3A {offsets = [440, 0], sizes = [8, 512], strides = [1, 1]} : vector<1024x512xf32> to vector<8x512xf32>
    %add3A_381 = arith.addf %add3A_379, %slice3A_380 : vector<8x512xf32>
    %slice3A_382 = vector.extract_strided_slice %mul3A {offsets = [448, 0], sizes = [8, 512], strides = [1, 1]} : vector<1024x512xf32> to vector<8x512xf32>
    %add3A_383 = arith.addf %add3A_381, %slice3A_382 : vector<8x512xf32>
    %slice3A_384 = vector.extract_strided_slice %mul3A {offsets = [456, 0], sizes = [8, 512], strides = [1, 1]} : vector<1024x512xf32> to vector<8x512xf32>
    %add3A_385 = arith.addf %add3A_383, %slice3A_384 : vector<8x512xf32>
    %slice3A_386 = vector.extract_strided_slice %mul3A {offsets = [464, 0], sizes = [8, 512], strides = [1, 1]} : vector<1024x512xf32> to vector<8x512xf32>
    %add3A_387 = arith.addf %add3A_385, %slice3A_386 : vector<8x512xf32>
    %slice3A_388 = vector.extract_strided_slice %mul3A {offsets = [472, 0], sizes = [8, 512], strides = [1, 1]} : vector<1024x512xf32> to vector<8x512xf32>
    %add3A_389 = arith.addf %add3A_387, %slice3A_388 : vector<8x512xf32>
    %slice3A_390 = vector.extract_strided_slice %mul3A {offsets = [480, 0], sizes = [8, 512], strides = [1, 1]} : vector<1024x512xf32> to vector<8x512xf32>
    %add3A_391 = arith.addf %add3A_389, %slice3A_390 : vector<8x512xf32>
    %slice3A_392 = vector.extract_strided_slice %mul3A {offsets = [488, 0], sizes = [8, 512], strides = [1, 1]} : vector<1024x512xf32> to vector<8x512xf32>
    %add3A_393 = arith.addf %add3A_391, %slice3A_392 : vector<8x512xf32>
    %slice3A_394 = vector.extract_strided_slice %mul3A {offsets = [496, 0], sizes = [8, 512], strides = [1, 1]} : vector<1024x512xf32> to vector<8x512xf32>
    %add3A_395 = arith.addf %add3A_393, %slice3A_394 : vector<8x512xf32>
    %slice3A_396 = vector.extract_strided_slice %mul3A {offsets = [504, 0], sizes = [8, 512], strides = [1, 1]} : vector<1024x512xf32> to vector<8x512xf32>
    %add3A_397 = arith.addf %add3A_395, %slice3A_396 : vector<8x512xf32>
    %slice3A_398 = vector.extract_strided_slice %mul3A {offsets = [512, 0], sizes = [8, 512], strides = [1, 1]} : vector<1024x512xf32> to vector<8x512xf32>
    %add3A_399 = arith.addf %add3A_397, %slice3A_398 : vector<8x512xf32>
    %slice3A_400 = vector.extract_strided_slice %mul3A {offsets = [520, 0], sizes = [8, 512], strides = [1, 1]} : vector<1024x512xf32> to vector<8x512xf32>
    %add3A_401 = arith.addf %add3A_399, %slice3A_400 : vector<8x512xf32>
    %slice3A_402 = vector.extract_strided_slice %mul3A {offsets = [528, 0], sizes = [8, 512], strides = [1, 1]} : vector<1024x512xf32> to vector<8x512xf32>
    %add3A_403 = arith.addf %add3A_401, %slice3A_402 : vector<8x512xf32>
    %slice3A_404 = vector.extract_strided_slice %mul3A {offsets = [536, 0], sizes = [8, 512], strides = [1, 1]} : vector<1024x512xf32> to vector<8x512xf32>
    %add3A_405 = arith.addf %add3A_403, %slice3A_404 : vector<8x512xf32>
    %slice3A_406 = vector.extract_strided_slice %mul3A {offsets = [544, 0], sizes = [8, 512], strides = [1, 1]} : vector<1024x512xf32> to vector<8x512xf32>
    %add3A_407 = arith.addf %add3A_405, %slice3A_406 : vector<8x512xf32>
    %slice3A_408 = vector.extract_strided_slice %mul3A {offsets = [552, 0], sizes = [8, 512], strides = [1, 1]} : vector<1024x512xf32> to vector<8x512xf32>
    %add3A_409 = arith.addf %add3A_407, %slice3A_408 : vector<8x512xf32>
    %slice3A_410 = vector.extract_strided_slice %mul3A {offsets = [560, 0], sizes = [8, 512], strides = [1, 1]} : vector<1024x512xf32> to vector<8x512xf32>
    %add3A_411 = arith.addf %add3A_409, %slice3A_410 : vector<8x512xf32>
    %slice3A_412 = vector.extract_strided_slice %mul3A {offsets = [568, 0], sizes = [8, 512], strides = [1, 1]} : vector<1024x512xf32> to vector<8x512xf32>
    %add3A_413 = arith.addf %add3A_411, %slice3A_412 : vector<8x512xf32>
    %slice3A_414 = vector.extract_strided_slice %mul3A {offsets = [576, 0], sizes = [8, 512], strides = [1, 1]} : vector<1024x512xf32> to vector<8x512xf32>
    %add3A_415 = arith.addf %add3A_413, %slice3A_414 : vector<8x512xf32>
    %slice3A_416 = vector.extract_strided_slice %mul3A {offsets = [584, 0], sizes = [8, 512], strides = [1, 1]} : vector<1024x512xf32> to vector<8x512xf32>
    %add3A_417 = arith.addf %add3A_415, %slice3A_416 : vector<8x512xf32>
    %slice3A_418 = vector.extract_strided_slice %mul3A {offsets = [592, 0], sizes = [8, 512], strides = [1, 1]} : vector<1024x512xf32> to vector<8x512xf32>
    %add3A_419 = arith.addf %add3A_417, %slice3A_418 : vector<8x512xf32>
    %slice3A_420 = vector.extract_strided_slice %mul3A {offsets = [600, 0], sizes = [8, 512], strides = [1, 1]} : vector<1024x512xf32> to vector<8x512xf32>
    %add3A_421 = arith.addf %add3A_419, %slice3A_420 : vector<8x512xf32>
    %slice3A_422 = vector.extract_strided_slice %mul3A {offsets = [608, 0], sizes = [8, 512], strides = [1, 1]} : vector<1024x512xf32> to vector<8x512xf32>
    %add3A_423 = arith.addf %add3A_421, %slice3A_422 : vector<8x512xf32>
    %slice3A_424 = vector.extract_strided_slice %mul3A {offsets = [616, 0], sizes = [8, 512], strides = [1, 1]} : vector<1024x512xf32> to vector<8x512xf32>
    %add3A_425 = arith.addf %add3A_423, %slice3A_424 : vector<8x512xf32>
    %slice3A_426 = vector.extract_strided_slice %mul3A {offsets = [624, 0], sizes = [8, 512], strides = [1, 1]} : vector<1024x512xf32> to vector<8x512xf32>
    %add3A_427 = arith.addf %add3A_425, %slice3A_426 : vector<8x512xf32>
    %slice3A_428 = vector.extract_strided_slice %mul3A {offsets = [632, 0], sizes = [8, 512], strides = [1, 1]} : vector<1024x512xf32> to vector<8x512xf32>
    %add3A_429 = arith.addf %add3A_427, %slice3A_428 : vector<8x512xf32>
    %slice3A_430 = vector.extract_strided_slice %mul3A {offsets = [640, 0], sizes = [8, 512], strides = [1, 1]} : vector<1024x512xf32> to vector<8x512xf32>
    %add3A_431 = arith.addf %add3A_429, %slice3A_430 : vector<8x512xf32>
    %slice3A_432 = vector.extract_strided_slice %mul3A {offsets = [648, 0], sizes = [8, 512], strides = [1, 1]} : vector<1024x512xf32> to vector<8x512xf32>
    %add3A_433 = arith.addf %add3A_431, %slice3A_432 : vector<8x512xf32>
    %slice3A_434 = vector.extract_strided_slice %mul3A {offsets = [656, 0], sizes = [8, 512], strides = [1, 1]} : vector<1024x512xf32> to vector<8x512xf32>
    %add3A_435 = arith.addf %add3A_433, %slice3A_434 : vector<8x512xf32>
    %slice3A_436 = vector.extract_strided_slice %mul3A {offsets = [664, 0], sizes = [8, 512], strides = [1, 1]} : vector<1024x512xf32> to vector<8x512xf32>
    %add3A_437 = arith.addf %add3A_435, %slice3A_436 : vector<8x512xf32>
    %slice3A_438 = vector.extract_strided_slice %mul3A {offsets = [672, 0], sizes = [8, 512], strides = [1, 1]} : vector<1024x512xf32> to vector<8x512xf32>
    %add3A_439 = arith.addf %add3A_437, %slice3A_438 : vector<8x512xf32>
    %slice3A_440 = vector.extract_strided_slice %mul3A {offsets = [680, 0], sizes = [8, 512], strides = [1, 1]} : vector<1024x512xf32> to vector<8x512xf32>
    %add3A_441 = arith.addf %add3A_439, %slice3A_440 : vector<8x512xf32>
    %slice3A_442 = vector.extract_strided_slice %mul3A {offsets = [688, 0], sizes = [8, 512], strides = [1, 1]} : vector<1024x512xf32> to vector<8x512xf32>
    %add3A_443 = arith.addf %add3A_441, %slice3A_442 : vector<8x512xf32>
    %slice3A_444 = vector.extract_strided_slice %mul3A {offsets = [696, 0], sizes = [8, 512], strides = [1, 1]} : vector<1024x512xf32> to vector<8x512xf32>
    %add3A_445 = arith.addf %add3A_443, %slice3A_444 : vector<8x512xf32>
    %slice3A_446 = vector.extract_strided_slice %mul3A {offsets = [704, 0], sizes = [8, 512], strides = [1, 1]} : vector<1024x512xf32> to vector<8x512xf32>
    %add3A_447 = arith.addf %add3A_445, %slice3A_446 : vector<8x512xf32>
    %slice3A_448 = vector.extract_strided_slice %mul3A {offsets = [712, 0], sizes = [8, 512], strides = [1, 1]} : vector<1024x512xf32> to vector<8x512xf32>
    %add3A_449 = arith.addf %add3A_447, %slice3A_448 : vector<8x512xf32>
    %slice3A_450 = vector.extract_strided_slice %mul3A {offsets = [720, 0], sizes = [8, 512], strides = [1, 1]} : vector<1024x512xf32> to vector<8x512xf32>
    %add3A_451 = arith.addf %add3A_449, %slice3A_450 : vector<8x512xf32>
    %slice3A_452 = vector.extract_strided_slice %mul3A {offsets = [728, 0], sizes = [8, 512], strides = [1, 1]} : vector<1024x512xf32> to vector<8x512xf32>
    %add3A_453 = arith.addf %add3A_451, %slice3A_452 : vector<8x512xf32>
    %slice3A_454 = vector.extract_strided_slice %mul3A {offsets = [736, 0], sizes = [8, 512], strides = [1, 1]} : vector<1024x512xf32> to vector<8x512xf32>
    %add3A_455 = arith.addf %add3A_453, %slice3A_454 : vector<8x512xf32>
    %slice3A_456 = vector.extract_strided_slice %mul3A {offsets = [744, 0], sizes = [8, 512], strides = [1, 1]} : vector<1024x512xf32> to vector<8x512xf32>
    %add3A_457 = arith.addf %add3A_455, %slice3A_456 : vector<8x512xf32>
    %slice3A_458 = vector.extract_strided_slice %mul3A {offsets = [752, 0], sizes = [8, 512], strides = [1, 1]} : vector<1024x512xf32> to vector<8x512xf32>
    %add3A_459 = arith.addf %add3A_457, %slice3A_458 : vector<8x512xf32>
    %slice3A_460 = vector.extract_strided_slice %mul3A {offsets = [760, 0], sizes = [8, 512], strides = [1, 1]} : vector<1024x512xf32> to vector<8x512xf32>
    %add3A_461 = arith.addf %add3A_459, %slice3A_460 : vector<8x512xf32>
    %slice3A_462 = vector.extract_strided_slice %mul3A {offsets = [768, 0], sizes = [8, 512], strides = [1, 1]} : vector<1024x512xf32> to vector<8x512xf32>
    %add3A_463 = arith.addf %add3A_461, %slice3A_462 : vector<8x512xf32>
    %slice3A_464 = vector.extract_strided_slice %mul3A {offsets = [776, 0], sizes = [8, 512], strides = [1, 1]} : vector<1024x512xf32> to vector<8x512xf32>
    %add3A_465 = arith.addf %add3A_463, %slice3A_464 : vector<8x512xf32>
    %slice3A_466 = vector.extract_strided_slice %mul3A {offsets = [784, 0], sizes = [8, 512], strides = [1, 1]} : vector<1024x512xf32> to vector<8x512xf32>
    %add3A_467 = arith.addf %add3A_465, %slice3A_466 : vector<8x512xf32>
    %slice3A_468 = vector.extract_strided_slice %mul3A {offsets = [792, 0], sizes = [8, 512], strides = [1, 1]} : vector<1024x512xf32> to vector<8x512xf32>
    %add3A_469 = arith.addf %add3A_467, %slice3A_468 : vector<8x512xf32>
    %slice3A_470 = vector.extract_strided_slice %mul3A {offsets = [800, 0], sizes = [8, 512], strides = [1, 1]} : vector<1024x512xf32> to vector<8x512xf32>
    %add3A_471 = arith.addf %add3A_469, %slice3A_470 : vector<8x512xf32>
    %slice3A_472 = vector.extract_strided_slice %mul3A {offsets = [808, 0], sizes = [8, 512], strides = [1, 1]} : vector<1024x512xf32> to vector<8x512xf32>
    %add3A_473 = arith.addf %add3A_471, %slice3A_472 : vector<8x512xf32>
    %slice3A_474 = vector.extract_strided_slice %mul3A {offsets = [816, 0], sizes = [8, 512], strides = [1, 1]} : vector<1024x512xf32> to vector<8x512xf32>
    %add3A_475 = arith.addf %add3A_473, %slice3A_474 : vector<8x512xf32>
    %slice3A_476 = vector.extract_strided_slice %mul3A {offsets = [824, 0], sizes = [8, 512], strides = [1, 1]} : vector<1024x512xf32> to vector<8x512xf32>
    %add3A_477 = arith.addf %add3A_475, %slice3A_476 : vector<8x512xf32>
    %slice3A_478 = vector.extract_strided_slice %mul3A {offsets = [832, 0], sizes = [8, 512], strides = [1, 1]} : vector<1024x512xf32> to vector<8x512xf32>
    %add3A_479 = arith.addf %add3A_477, %slice3A_478 : vector<8x512xf32>
    %slice3A_480 = vector.extract_strided_slice %mul3A {offsets = [840, 0], sizes = [8, 512], strides = [1, 1]} : vector<1024x512xf32> to vector<8x512xf32>
    %add3A_481 = arith.addf %add3A_479, %slice3A_480 : vector<8x512xf32>
    %slice3A_482 = vector.extract_strided_slice %mul3A {offsets = [848, 0], sizes = [8, 512], strides = [1, 1]} : vector<1024x512xf32> to vector<8x512xf32>
    %add3A_483 = arith.addf %add3A_481, %slice3A_482 : vector<8x512xf32>
    %slice3A_484 = vector.extract_strided_slice %mul3A {offsets = [856, 0], sizes = [8, 512], strides = [1, 1]} : vector<1024x512xf32> to vector<8x512xf32>
    %add3A_485 = arith.addf %add3A_483, %slice3A_484 : vector<8x512xf32>
    %slice3A_486 = vector.extract_strided_slice %mul3A {offsets = [864, 0], sizes = [8, 512], strides = [1, 1]} : vector<1024x512xf32> to vector<8x512xf32>
    %add3A_487 = arith.addf %add3A_485, %slice3A_486 : vector<8x512xf32>
    %slice3A_488 = vector.extract_strided_slice %mul3A {offsets = [872, 0], sizes = [8, 512], strides = [1, 1]} : vector<1024x512xf32> to vector<8x512xf32>
    %add3A_489 = arith.addf %add3A_487, %slice3A_488 : vector<8x512xf32>
    %slice3A_490 = vector.extract_strided_slice %mul3A {offsets = [880, 0], sizes = [8, 512], strides = [1, 1]} : vector<1024x512xf32> to vector<8x512xf32>
    %add3A_491 = arith.addf %add3A_489, %slice3A_490 : vector<8x512xf32>
    %slice3A_492 = vector.extract_strided_slice %mul3A {offsets = [888, 0], sizes = [8, 512], strides = [1, 1]} : vector<1024x512xf32> to vector<8x512xf32>
    %add3A_493 = arith.addf %add3A_491, %slice3A_492 : vector<8x512xf32>
    %slice3A_494 = vector.extract_strided_slice %mul3A {offsets = [896, 0], sizes = [8, 512], strides = [1, 1]} : vector<1024x512xf32> to vector<8x512xf32>
    %add3A_495 = arith.addf %add3A_493, %slice3A_494 : vector<8x512xf32>
    %slice3A_496 = vector.extract_strided_slice %mul3A {offsets = [904, 0], sizes = [8, 512], strides = [1, 1]} : vector<1024x512xf32> to vector<8x512xf32>
    %add3A_497 = arith.addf %add3A_495, %slice3A_496 : vector<8x512xf32>
    %slice3A_498 = vector.extract_strided_slice %mul3A {offsets = [912, 0], sizes = [8, 512], strides = [1, 1]} : vector<1024x512xf32> to vector<8x512xf32>
    %add3A_499 = arith.addf %add3A_497, %slice3A_498 : vector<8x512xf32>
    %slice3A_500 = vector.extract_strided_slice %mul3A {offsets = [920, 0], sizes = [8, 512], strides = [1, 1]} : vector<1024x512xf32> to vector<8x512xf32>
    %add3A_501 = arith.addf %add3A_499, %slice3A_500 : vector<8x512xf32>
    %slice3A_502 = vector.extract_strided_slice %mul3A {offsets = [928, 0], sizes = [8, 512], strides = [1, 1]} : vector<1024x512xf32> to vector<8x512xf32>
    %add3A_503 = arith.addf %add3A_501, %slice3A_502 : vector<8x512xf32>
    %slice3A_504 = vector.extract_strided_slice %mul3A {offsets = [936, 0], sizes = [8, 512], strides = [1, 1]} : vector<1024x512xf32> to vector<8x512xf32>
    %add3A_505 = arith.addf %add3A_503, %slice3A_504 : vector<8x512xf32>
    %slice3A_506 = vector.extract_strided_slice %mul3A {offsets = [944, 0], sizes = [8, 512], strides = [1, 1]} : vector<1024x512xf32> to vector<8x512xf32>
    %add3A_507 = arith.addf %add3A_505, %slice3A_506 : vector<8x512xf32>
    %slice3A_508 = vector.extract_strided_slice %mul3A {offsets = [952, 0], sizes = [8, 512], strides = [1, 1]} : vector<1024x512xf32> to vector<8x512xf32>
    %add3A_509 = arith.addf %add3A_507, %slice3A_508 : vector<8x512xf32>
    %slice3A_510 = vector.extract_strided_slice %mul3A {offsets = [960, 0], sizes = [8, 512], strides = [1, 1]} : vector<1024x512xf32> to vector<8x512xf32>
    %add3A_511 = arith.addf %add3A_509, %slice3A_510 : vector<8x512xf32>
    %slice3A_512 = vector.extract_strided_slice %mul3A {offsets = [968, 0], sizes = [8, 512], strides = [1, 1]} : vector<1024x512xf32> to vector<8x512xf32>
    %add3A_513 = arith.addf %add3A_511, %slice3A_512 : vector<8x512xf32>
    %slice3A_514 = vector.extract_strided_slice %mul3A {offsets = [976, 0], sizes = [8, 512], strides = [1, 1]} : vector<1024x512xf32> to vector<8x512xf32>
    %add3A_515 = arith.addf %add3A_513, %slice3A_514 : vector<8x512xf32>
    %slice3A_516 = vector.extract_strided_slice %mul3A {offsets = [984, 0], sizes = [8, 512], strides = [1, 1]} : vector<1024x512xf32> to vector<8x512xf32>
    %add3A_517 = arith.addf %add3A_515, %slice3A_516 : vector<8x512xf32>
    %slice3A_518 = vector.extract_strided_slice %mul3A {offsets = [992, 0], sizes = [8, 512], strides = [1, 1]} : vector<1024x512xf32> to vector<8x512xf32>
    %add3A_519 = arith.addf %add3A_517, %slice3A_518 : vector<8x512xf32>
    %slice3A_520 = vector.extract_strided_slice %mul3A {offsets = [1000, 0], sizes = [8, 512], strides = [1, 1]} : vector<1024x512xf32> to vector<8x512xf32>
    %add3A_521 = arith.addf %add3A_519, %slice3A_520 : vector<8x512xf32>
    %slice3A_522 = vector.extract_strided_slice %mul3A {offsets = [1008, 0], sizes = [8, 512], strides = [1, 1]} : vector<1024x512xf32> to vector<8x512xf32>
    %add3A_523 = arith.addf %add3A_521, %slice3A_522 : vector<8x512xf32>
    %slice3A_524 = vector.extract_strided_slice %mul3A {offsets = [1016, 0], sizes = [8, 512], strides = [1, 1]} : vector<1024x512xf32> to vector<8x512xf32>
    %add3A_525 = arith.addf %add3A_523, %slice3A_524 : vector<8x512xf32>
    %slice3A_526 = vector.extract_strided_slice %add3A_525 {offsets = [0, 0], sizes = [4, 512], strides = [1, 1]} : vector<8x512xf32> to vector<4x512xf32>
    %slice3A_527 = vector.extract_strided_slice %add3A_525 {offsets = [4, 0], sizes = [4, 512], strides = [1, 1]} : vector<8x512xf32> to vector<4x512xf32>
    %add3A_528 = arith.addf %slice3A_526, %slice3A_527 : vector<4x512xf32>
    %slice3A_529 = vector.extract_strided_slice %add3A_528 {offsets = [0, 0], sizes = [2, 512], strides = [1, 1]} : vector<4x512xf32> to vector<2x512xf32>
    %slice3A_530 = vector.extract_strided_slice %add3A_528 {offsets = [2, 0], sizes = [2, 512], strides = [1, 1]} : vector<4x512xf32> to vector<2x512xf32>
    %add3A_531 = arith.addf %slice3A_529, %slice3A_530 : vector<2x512xf32>
    %slice3A_532 = vector.extract_strided_slice %add3A_531 {offsets = [0, 0], sizes = [1, 512], strides = [1, 1]} : vector<2x512xf32> to vector<1x512xf32>
    %slice3A_533 = vector.extract_strided_slice %add3A_531 {offsets = [1, 0], sizes = [1, 512], strides = [1, 1]} : vector<2x512xf32> to vector<1x512xf32>
    %add3A_534 = arith.addf %slice3A_532, %slice3A_533 : vector<1x512xf32>
    %div3A_535 = arith.constant 1.024000e+03 : f32
    %div3A_536 = vector.broadcast %div3A_535 : f32 to vector<1x512xf32>
    %div3A_537 = arith.divf %add3A_534, %div3A_536 : vector<1x512xf32>
    %swap3A = arith.constant 0 : index
    %swap3A_538 = arith.constant 0 : index
    %swap3A_539 = vector.load %arg3[%swap3A, %swap3A_538] : memref<1x512xf32, #tpu.memory_space<vmem>>, vector<1x512xf32>
    tpu.vector_store %arg3[%swap3A, %swap3A_538], %div3A_269 {strides = array<i32>} : memref<1x512xf32, #tpu.memory_space<vmem>>, vector<1x512xf32>,
    %swap3A_540 = arith.constant 0 : index
    %swap3A_541 = arith.constant 0 : index
    %swap3A_542 = vector.load %arg4[%swap3A_540, %swap3A_541] : memref<1x512xf32, #tpu.memory_space<vmem>>, vector<1x512xf32>
    tpu.vector_store %arg4[%swap3A_540, %swap3A_541], %div3A_537 {strides = array<i32>} : memref<1x512xf32, #tpu.memory_space<vmem>>, vector<1x512xf32>,
    return
  }
  func.func @transform_0(%arg0: i32) -> (i32, i32) {
    %c0_i32 = arith.constant 0 : i32
    %c0_i32_0 = arith.constant 0 : i32
    return %c0_i32, %arg0 : i32, i32
  }
  func.func @transform_1(%arg0: i32) -> (i32, i32) {
    %jit3A = arith.constant 4 : i32
    %eq3A = arith.constant 0 : i32
    %eq3A_0 = arith.cmpi eq, %jit3A, %eq3A : i32
    %jit3A_1 = arith.constant 1 : i32
    %select_n3A = arith.select %eq3A_0, %jit3A_1, %jit3A : i32
    %rem3A = arith.remsi %arg0, %select_n3A : i32
    %ne3A = arith.constant 0 : i32
    %ne3A_2 = arith.cmpi ne, %rem3A, %ne3A : i32
    %lt3A = arith.constant 0 : i32
    %lt3A_3 = arith.cmpi slt, %rem3A, %lt3A : i32
    %lt3A_4 = arith.constant 0 : i32
    %lt3A_5 = arith.cmpi slt, %select_n3A, %lt3A_4 : i32
    %ne3A_6 = arith.xori %lt3A_3, %lt3A_5 : i1
    %and3A = arith.andi %ne3A_6, %ne3A_2 : i1
    %add3A = arith.addi %rem3A, %select_n3A : i32
    %select_n3A_7 = arith.select %and3A, %add3A, %rem3A : i32
    %c0_i32 = arith.constant 0 : i32
    %c0_i32_8 = arith.constant 0 : i32
    return %c0_i32, %select_n3A_7 : i32, i32
  }
  func.func @transform_2(%arg0: i32) -> (i32, i32) {
    %c0_i32 = arith.constant 0 : i32
    %c0_i32_0 = arith.constant 0 : i32
    return %c0_i32, %arg0 : i32, i32
  }
  func.func @transform_3(%arg0: i32) -> (i32, i32) {
    %c0_i32 = arith.constant 0 : i32
    %c0_i32_0 = arith.constant 0 : i32
    return %c0_i32, %arg0 : i32, i32
  }
}

module attributes {stable_mosaic.version = 14 : i64} {
  func.func @_k2_body(%arg0: i32, %arg1: memref<512x1024xf32, #tpu.memory_space<vmem>>, %arg2: memref<512x1024xf32, #tpu.memory_space<vmem>>, %arg3: memref<1024x1024xf32, #tpu.memory_space<vmem>>, %arg4: memref<1024x1024xf32, #tpu.memory_space<vmem>>, %arg5: memref<1024x1024xf32, #tpu.memory_space<vmem>>, %arg6: memref<1x1024xf32, #tpu.memory_space<vmem>>, %arg7: memref<1x1024xf32, #tpu.memory_space<vmem>>, %arg8: memref<1x1024xf32, #tpu.memory_space<vmem>>, %arg9: memref<1x1024xf32, #tpu.memory_space<vmem>>, %arg10: memref<1x1024xf32, #tpu.memory_space<vmem>>, %arg11: memref<512x64xf32, #tpu.memory_space<vmem>>, %arg12: memref<512x64xf32, #tpu.memory_space<vmem>>, %arg13: memref<512x1xf32, #tpu.memory_space<vmem>>, %arg14: memref<512x1xf32, #tpu.memory_space<vmem>>, %arg15: memref<512x1024xf32, #tpu.memory_space<vmem>>, %arg16: memref<512x1024xf32, #tpu.memory_space<vmem>>, %arg17: memref<512x1024xf32, #tpu.memory_space<vmem>>, %arg18: memref<512x1024xf32, #tpu.memory_space<vmem>>) attributes {dimension_semantics = [#tpu.dimension_semantics<arbitrary>], iteration_bounds = array<i64: 8>, scalar_prefetch = 0 : i64, scratch_operands = 0 : i64, tpu.core_type = #tpu.core_type<tc>, window_params = [{transform_indices = @transform_0, window_bounds = array<i64: 512, 1024>}, {transform_indices = @transform_1, window_bounds = array<i64: 512, 1024>}, {pipeline_mode = #tpu.pipeline_mode<synchronous>, transform_indices = @transform_2, window_bounds = array<i64: 1024, 1024>}, {pipeline_mode = #tpu.pipeline_mode<synchronous>, transform_indices = @transform_3, window_bounds = array<i64: 1024, 1024>}, {pipeline_mode = #tpu.pipeline_mode<synchronous>, transform_indices = @transform_4, window_bounds = array<i64: 1024, 1024>}, {pipeline_mode = #tpu.pipeline_mode<synchronous>, transform_indices = @transform_5, window_bounds = array<i64: 1, 1024>}, {pipeline_mode = #tpu.pipeline_mode<synchronous>, transform_indices = @transform_6, window_bounds = array<i64: 1, 1024>}, {pipeline_mode = #tpu.pipeline_mode<synchronous>, transform_indices = @transform_7, window_bounds = array<i64: 1, 1024>}, {pipeline_mode = #tpu.pipeline_mode<synchronous>, transform_indices = @transform_8, window_bounds = array<i64: 1, 1024>}, {pipeline_mode = #tpu.pipeline_mode<synchronous>, transform_indices = @transform_9, window_bounds = array<i64: 1, 1024>}, {transform_indices = @transform_10, window_bounds = array<i64: 512, 64>}, {transform_indices = @transform_11, window_bounds = array<i64: 512, 64>}, {transform_indices = @transform_12, window_bounds = array<i64: 512, 1>}, {transform_indices = @transform_13, window_bounds = array<i64: 512, 1>}, {transform_indices = @transform_14, window_bounds = array<i64: 512, 1024>}, {transform_indices = @transform_15, window_bounds = array<i64: 512, 1024>}, {transform_indices = @transform_16, window_bounds = array<i64: 512, 1024>}, {transform_indices = @transform_17, window_bounds = array<i64: 512, 1024>}]} {
    %get3A = arith.constant 0 : index
    %get3A_0 = arith.constant 0 : index
    %get3A_1 = vector.load %arg1[%get3A, %get3A_0] : memref<512x1024xf32, #tpu.memory_space<vmem>>, vector<512x1024xf32>
    %get3A_2 = arith.constant 0 : index
    %get3A_3 = arith.constant 0 : index
    %get3A_4 = vector.load %arg2[%get3A_2, %get3A_3] : memref<512x1024xf32, #tpu.memory_space<vmem>>, vector<512x1024xf32>
    %add3A = arith.addf %get3A_1, %get3A_4 : vector<512x1024xf32>
    %swap3A = arith.constant 0 : index
    %swap3A_5 = arith.constant 0 : index
    %swap3A_6 = vector.load %arg15[%swap3A, %swap3A_5] : memref<512x1024xf32, #tpu.memory_space<vmem>>, vector<512x1024xf32>
    tpu.vector_store %arg15[%swap3A, %swap3A_5], %add3A {strides = array<i32>} : memref<512x1024xf32, #tpu.memory_space<vmem>>, vector<512x1024xf32>,
    %get3A_7 = arith.constant 0 : index
    %get3A_8 = arith.constant 0 : index
    %get3A_9 = vector.load %arg13[%get3A_7, %get3A_8] : memref<512x1xf32, #tpu.memory_space<vmem>>, vector<512x1xf32>
    %sub3A = vector.broadcast %get3A_9 : vector<512x1xf32> to vector<512x1024xf32>
    %sub3A_10 = arith.subf %add3A, %sub3A : vector<512x1024xf32>
    %get3A_11 = arith.constant 0 : index
    %get3A_12 = arith.constant 0 : index
    %get3A_13 = vector.load %arg14[%get3A_11, %get3A_12] : memref<512x1xf32, #tpu.memory_space<vmem>>, vector<512x1xf32>
    %add3A_14 = arith.constant 9.99999974E-6 : f32
    %add3A_15 = vector.broadcast %add3A_14 : f32 to vector<512x1xf32>
    %add3A_16 = arith.addf %get3A_13, %add3A_15 : vector<512x1xf32>
    %sqrt3A = math.sqrt %add3A_16 : vector<512x1xf32>
    %div3A = vector.broadcast %sqrt3A : vector<512x1xf32> to vector<512x1024xf32>
    %div3A_17 = arith.divf %sub3A_10, %div3A : vector<512x1024xf32>
    %get3A_18 = arith.constant 0 : index
    %get3A_19 = arith.constant 0 : index
    %get3A_20 = vector.load %arg9[%get3A_18, %get3A_19] : memref<1x1024xf32, #tpu.memory_space<vmem>>, vector<1x1024xf32>
    %mul3A = vector.broadcast %get3A_20 : vector<1x1024xf32> to vector<512x1024xf32>
    %mul3A_21 = arith.mulf %div3A_17, %mul3A : vector<512x1024xf32>
    %get3A_22 = arith.constant 0 : index
    %get3A_23 = arith.constant 0 : index
    %get3A_24 = vector.load %arg10[%get3A_22, %get3A_23] : memref<1x1024xf32, #tpu.memory_space<vmem>>, vector<1x1024xf32>
    %add3A_25 = vector.broadcast %get3A_24 : vector<1x1024xf32> to vector<512x1024xf32>
    %add3A_26 = arith.addf %mul3A_21, %add3A_25 : vector<512x1024xf32>
    %get3A_27 = arith.constant 0 : index
    %get3A_28 = arith.constant 0 : index
    %get3A_29 = vector.load %arg11[%get3A_27, %get3A_28] : memref<512x64xf32, #tpu.memory_space<vmem>>, vector<512x64xf32>
    %get3A_30 = arith.constant 0 : index
    %get3A_31 = arith.constant 0 : index
    %get3A_32 = vector.load %arg12[%get3A_30, %get3A_31] : memref<512x64xf32, #tpu.memory_space<vmem>>, vector<512x64xf32>
    %convert_element_type3A = arith.truncf %add3A_26 : vector<512x1024xf32> to vector<512x1024xbf16>
    %get3A_33 = arith.constant 0 : index
    %get3A_34 = arith.constant 0 : index
    %get3A_35 = vector.load %arg3[%get3A_33, %get3A_34] : memref<1024x1024xf32, #tpu.memory_space<vmem>>, vector<1024x1024xf32>
    %dot_general3A = arith.constant dense<0.000000e+00> : vector<512x1024xf32>
    %dot_general3A_36 = tpu.matmul %convert_element_type3A, %get3A_35, %dot_general3A {dimension_numbers = #tpu.dot_dimension_numbers<[1], [0], [0], [1], [0, 0, 1, 1], [], []>, transpose_lhs_hint = false} : vector<512x1024xbf16>, vector<1024x1024xf32>, vector<512x1024xf32> -> vector<512x1024xf32>
    %get3A_37 = arith.constant 0 : index
    %get3A_38 = arith.constant 0 : index
    %get3A_39 = vector.load %arg6[%get3A_37, %get3A_38] : memref<1x1024xf32, #tpu.memory_space<vmem>>, vector<1x1024xf32>
    %add3A_40 = vector.broadcast %get3A_39 : vector<1x1024xf32> to vector<512x1024xf32>
    %add3A_41 = arith.addf %dot_general3A_36, %add3A_40 : vector<512x1024xf32>
    %slice3A = vector.extract_strided_slice %add3A_41 {offsets = [0, 0], sizes = [512, 64], strides = [1, 1]} : vector<512x1024xf32> to vector<512x64xf32>
    %slice3A_42 = vector.extract_strided_slice %add3A_41 {offsets = [0, 64], sizes = [512, 64], strides = [1, 1]} : vector<512x1024xf32> to vector<512x64xf32>
    %mul3A_43 = arith.mulf %slice3A, %get3A_29 : vector<512x64xf32>
    %mul3A_44 = arith.mulf %slice3A_42, %get3A_32 : vector<512x64xf32>
    %sub3A_45 = arith.subf %mul3A_43, %mul3A_44 : vector<512x64xf32>
    %mul3A_46 = arith.mulf %slice3A, %get3A_32 : vector<512x64xf32>
    %mul3A_47 = arith.mulf %slice3A_42, %get3A_29 : vector<512x64xf32>
    %add3A_48 = arith.addf %mul3A_46, %mul3A_47 : vector<512x64xf32>
    %slice3A_49 = vector.extract_strided_slice %add3A_41 {offsets = [0, 128], sizes = [512, 64], strides = [1, 1]} : vector<512x1024xf32> to vector<512x64xf32>
    %slice3A_50 = vector.extract_strided_slice %add3A_41 {offsets = [0, 192], sizes = [512, 64], strides = [1, 1]} : vector<512x1024xf32> to vector<512x64xf32>
    %mul3A_51 = arith.mulf %slice3A_49, %get3A_29 : vector<512x64xf32>
    %mul3A_52 = arith.mulf %slice3A_50, %get3A_32 : vector<512x64xf32>
    %sub3A_53 = arith.subf %mul3A_51, %mul3A_52 : vector<512x64xf32>
    %mul3A_54 = arith.mulf %slice3A_49, %get3A_32 : vector<512x64xf32>
    %mul3A_55 = arith.mulf %slice3A_50, %get3A_29 : vector<512x64xf32>
    %add3A_56 = arith.addf %mul3A_54, %mul3A_55 : vector<512x64xf32>
    %slice3A_57 = vector.extract_strided_slice %add3A_41 {offsets = [0, 256], sizes = [512, 64], strides = [1, 1]} : vector<512x1024xf32> to vector<512x64xf32>
    %slice3A_58 = vector.extract_strided_slice %add3A_41 {offsets = [0, 320], sizes = [512, 64], strides = [1, 1]} : vector<512x1024xf32> to vector<512x64xf32>
    %mul3A_59 = arith.mulf %slice3A_57, %get3A_29 : vector<512x64xf32>
    %mul3A_60 = arith.mulf %slice3A_58, %get3A_32 : vector<512x64xf32>
    %sub3A_61 = arith.subf %mul3A_59, %mul3A_60 : vector<512x64xf32>
    %mul3A_62 = arith.mulf %slice3A_57, %get3A_32 : vector<512x64xf32>
    %mul3A_63 = arith.mulf %slice3A_58, %get3A_29 : vector<512x64xf32>
    %add3A_64 = arith.addf %mul3A_62, %mul3A_63 : vector<512x64xf32>
    %slice3A_65 = vector.extract_strided_slice %add3A_41 {offsets = [0, 384], sizes = [512, 64], strides = [1, 1]} : vector<512x1024xf32> to vector<512x64xf32>
    %slice3A_66 = vector.extract_strided_slice %add3A_41 {offsets = [0, 448], sizes = [512, 64], strides = [1, 1]} : vector<512x1024xf32> to vector<512x64xf32>
    %mul3A_67 = arith.mulf %slice3A_65, %get3A_29 : vector<512x64xf32>
    %mul3A_68 = arith.mulf %slice3A_66, %get3A_32 : vector<512x64xf32>
    %sub3A_69 = arith.subf %mul3A_67, %mul3A_68 : vector<512x64xf32>
    %mul3A_70 = arith.mulf %slice3A_65, %get3A_32 : vector<512x64xf32>
    %mul3A_71 = arith.mulf %slice3A_66, %get3A_29 : vector<512x64xf32>
    %add3A_72 = arith.addf %mul3A_70, %mul3A_71 : vector<512x64xf32>
    %slice3A_73 = vector.extract_strided_slice %add3A_41 {offsets = [0, 512], sizes = [512, 64], strides = [1, 1]} : vector<512x1024xf32> to vector<512x64xf32>
    %slice3A_74 = vector.extract_strided_slice %add3A_41 {offsets = [0, 576], sizes = [512, 64], strides = [1, 1]} : vector<512x1024xf32> to vector<512x64xf32>
    %mul3A_75 = arith.mulf %slice3A_73, %get3A_29 : vector<512x64xf32>
    %mul3A_76 = arith.mulf %slice3A_74, %get3A_32 : vector<512x64xf32>
    %sub3A_77 = arith.subf %mul3A_75, %mul3A_76 : vector<512x64xf32>
    %mul3A_78 = arith.mulf %slice3A_73, %get3A_32 : vector<512x64xf32>
    %mul3A_79 = arith.mulf %slice3A_74, %get3A_29 : vector<512x64xf32>
    %add3A_80 = arith.addf %mul3A_78, %mul3A_79 : vector<512x64xf32>
    %slice3A_81 = vector.extract_strided_slice %add3A_41 {offsets = [0, 640], sizes = [512, 64], strides = [1, 1]} : vector<512x1024xf32> to vector<512x64xf32>
    %slice3A_82 = vector.extract_strided_slice %add3A_41 {offsets = [0, 704], sizes = [512, 64], strides = [1, 1]} : vector<512x1024xf32> to vector<512x64xf32>
    %mul3A_83 = arith.mulf %slice3A_81, %get3A_29 : vector<512x64xf32>
    %mul3A_84 = arith.mulf %slice3A_82, %get3A_32 : vector<512x64xf32>
    %sub3A_85 = arith.subf %mul3A_83, %mul3A_84 : vector<512x64xf32>
    %mul3A_86 = arith.mulf %slice3A_81, %get3A_32 : vector<512x64xf32>
    %mul3A_87 = arith.mulf %slice3A_82, %get3A_29 : vector<512x64xf32>
    %add3A_88 = arith.addf %mul3A_86, %mul3A_87 : vector<512x64xf32>
    %slice3A_89 = vector.extract_strided_slice %add3A_41 {offsets = [0, 768], sizes = [512, 64], strides = [1, 1]} : vector<512x1024xf32> to vector<512x64xf32>
    %slice3A_90 = vector.extract_strided_slice %add3A_41 {offsets = [0, 832], sizes = [512, 64], strides = [1, 1]} : vector<512x1024xf32> to vector<512x64xf32>
    %mul3A_91 = arith.mulf %slice3A_89, %get3A_29 : vector<512x64xf32>
    %mul3A_92 = arith.mulf %slice3A_90, %get3A_32 : vector<512x64xf32>
    %sub3A_93 = arith.subf %mul3A_91, %mul3A_92 : vector<512x64xf32>
    %mul3A_94 = arith.mulf %slice3A_89, %get3A_32 : vector<512x64xf32>
    %mul3A_95 = arith.mulf %slice3A_90, %get3A_29 : vector<512x64xf32>
    %add3A_96 = arith.addf %mul3A_94, %mul3A_95 : vector<512x64xf32>
    %slice3A_97 = vector.extract_strided_slice %add3A_41 {offsets = [0, 896], sizes = [512, 64], strides = [1, 1]} : vector<512x1024xf32> to vector<512x64xf32>
    %slice3A_98 = vector.extract_strided_slice %add3A_41 {offsets = [0, 960], sizes = [512, 64], strides = [1, 1]} : vector<512x1024xf32> to vector<512x64xf32>
    %mul3A_99 = arith.mulf %slice3A_97, %get3A_29 : vector<512x64xf32>
    %mul3A_100 = arith.mulf %slice3A_98, %get3A_32 : vector<512x64xf32>
    %sub3A_101 = arith.subf %mul3A_99, %mul3A_100 : vector<512x64xf32>
    %mul3A_102 = arith.mulf %slice3A_97, %get3A_32 : vector<512x64xf32>
    %mul3A_103 = arith.mulf %slice3A_98, %get3A_29 : vector<512x64xf32>
    %add3A_104 = arith.addf %mul3A_102, %mul3A_103 : vector<512x64xf32>
    %concatenate3A = tpu.concatenate %sub3A_45, %add3A_48, %sub3A_53, %add3A_56, %sub3A_61, %add3A_64, %sub3A_69, %add3A_72, %sub3A_77, %add3A_80, %sub3A_85, %add3A_88, %sub3A_93, %add3A_96, %sub3A_101, %add3A_104 in 1 : vector<512x64xf32>, vector<512x64xf32>, vector<512x64xf32>, vector<512x64xf32>, vector<512x64xf32>, vector<512x64xf32>, vector<512x64xf32>, vector<512x64xf32>, vector<512x64xf32>, vector<512x64xf32>, vector<512x64xf32>, vector<512x64xf32>, vector<512x64xf32>, vector<512x64xf32>, vector<512x64xf32>, vector<512x64xf32> -> vector<512x1024xf32>
    %swap3A_105 = arith.constant 0 : index
    %swap3A_106 = arith.constant 0 : index
    %swap3A_107 = vector.load %arg16[%swap3A_105, %swap3A_106] : memref<512x1024xf32, #tpu.memory_space<vmem>>, vector<512x1024xf32>
    tpu.vector_store %arg16[%swap3A_105, %swap3A_106], %concatenate3A {strides = array<i32>} : memref<512x1024xf32, #tpu.memory_space<vmem>>, vector<512x1024xf32>,
    %get3A_108 = arith.constant 0 : index
    %get3A_109 = arith.constant 0 : index
    %get3A_110 = vector.load %arg4[%get3A_108, %get3A_109] : memref<1024x1024xf32, #tpu.memory_space<vmem>>, vector<1024x1024xf32>
    %dot_general3A_111 = arith.constant dense<0.000000e+00> : vector<512x1024xf32>
    %dot_general3A_112 = tpu.matmul %convert_element_type3A, %get3A_110, %dot_general3A_111 {dimension_numbers = #tpu.dot_dimension_numbers<[1], [0], [0], [1], [0, 0, 1, 1], [], []>, transpose_lhs_hint = false} : vector<512x1024xbf16>, vector<1024x1024xf32>, vector<512x1024xf32> -> vector<512x1024xf32>
    %get3A_113 = arith.constant 0 : index
    %get3A_114 = arith.constant 0 : index
    %get3A_115 = vector.load %arg7[%get3A_113, %get3A_114] : memref<1x1024xf32, #tpu.memory_space<vmem>>, vector<1x1024xf32>
    %add3A_116 = vector.broadcast %get3A_115 : vector<1x1024xf32> to vector<512x1024xf32>
    %add3A_117 = arith.addf %dot_general3A_112, %add3A_116 : vector<512x1024xf32>
    %slice3A_118 = vector.extract_strided_slice %add3A_117 {offsets = [0, 0], sizes = [512, 64], strides = [1, 1]} : vector<512x1024xf32> to vector<512x64xf32>
    %slice3A_119 = vector.extract_strided_slice %add3A_117 {offsets = [0, 64], sizes = [512, 64], strides = [1, 1]} : vector<512x1024xf32> to vector<512x64xf32>
    %mul3A_120 = arith.mulf %slice3A_118, %get3A_29 : vector<512x64xf32>
    %mul3A_121 = arith.mulf %slice3A_119, %get3A_32 : vector<512x64xf32>
    %sub3A_122 = arith.subf %mul3A_120, %mul3A_121 : vector<512x64xf32>
    %mul3A_123 = arith.mulf %slice3A_118, %get3A_32 : vector<512x64xf32>
    %mul3A_124 = arith.mulf %slice3A_119, %get3A_29 : vector<512x64xf32>
    %add3A_125 = arith.addf %mul3A_123, %mul3A_124 : vector<512x64xf32>
    %slice3A_126 = vector.extract_strided_slice %add3A_117 {offsets = [0, 128], sizes = [512, 64], strides = [1, 1]} : vector<512x1024xf32> to vector<512x64xf32>
    %slice3A_127 = vector.extract_strided_slice %add3A_117 {offsets = [0, 192], sizes = [512, 64], strides = [1, 1]} : vector<512x1024xf32> to vector<512x64xf32>
    %mul3A_128 = arith.mulf %slice3A_126, %get3A_29 : vector<512x64xf32>
    %mul3A_129 = arith.mulf %slice3A_127, %get3A_32 : vector<512x64xf32>
    %sub3A_130 = arith.subf %mul3A_128, %mul3A_129 : vector<512x64xf32>
    %mul3A_131 = arith.mulf %slice3A_126, %get3A_32 : vector<512x64xf32>
    %mul3A_132 = arith.mulf %slice3A_127, %get3A_29 : vector<512x64xf32>
    %add3A_133 = arith.addf %mul3A_131, %mul3A_132 : vector<512x64xf32>
    %slice3A_134 = vector.extract_strided_slice %add3A_117 {offsets = [0, 256], sizes = [512, 64], strides = [1, 1]} : vector<512x1024xf32> to vector<512x64xf32>
    %slice3A_135 = vector.extract_strided_slice %add3A_117 {offsets = [0, 320], sizes = [512, 64], strides = [1, 1]} : vector<512x1024xf32> to vector<512x64xf32>
    %mul3A_136 = arith.mulf %slice3A_134, %get3A_29 : vector<512x64xf32>
    %mul3A_137 = arith.mulf %slice3A_135, %get3A_32 : vector<512x64xf32>
    %sub3A_138 = arith.subf %mul3A_136, %mul3A_137 : vector<512x64xf32>
    %mul3A_139 = arith.mulf %slice3A_134, %get3A_32 : vector<512x64xf32>
    %mul3A_140 = arith.mulf %slice3A_135, %get3A_29 : vector<512x64xf32>
    %add3A_141 = arith.addf %mul3A_139, %mul3A_140 : vector<512x64xf32>
    %slice3A_142 = vector.extract_strided_slice %add3A_117 {offsets = [0, 384], sizes = [512, 64], strides = [1, 1]} : vector<512x1024xf32> to vector<512x64xf32>
    %slice3A_143 = vector.extract_strided_slice %add3A_117 {offsets = [0, 448], sizes = [512, 64], strides = [1, 1]} : vector<512x1024xf32> to vector<512x64xf32>
    %mul3A_144 = arith.mulf %slice3A_142, %get3A_29 : vector<512x64xf32>
    %mul3A_145 = arith.mulf %slice3A_143, %get3A_32 : vector<512x64xf32>
    %sub3A_146 = arith.subf %mul3A_144, %mul3A_145 : vector<512x64xf32>
    %mul3A_147 = arith.mulf %slice3A_142, %get3A_32 : vector<512x64xf32>
    %mul3A_148 = arith.mulf %slice3A_143, %get3A_29 : vector<512x64xf32>
    %add3A_149 = arith.addf %mul3A_147, %mul3A_148 : vector<512x64xf32>
    %slice3A_150 = vector.extract_strided_slice %add3A_117 {offsets = [0, 512], sizes = [512, 64], strides = [1, 1]} : vector<512x1024xf32> to vector<512x64xf32>
    %slice3A_151 = vector.extract_strided_slice %add3A_117 {offsets = [0, 576], sizes = [512, 64], strides = [1, 1]} : vector<512x1024xf32> to vector<512x64xf32>
    %mul3A_152 = arith.mulf %slice3A_150, %get3A_29 : vector<512x64xf32>
    %mul3A_153 = arith.mulf %slice3A_151, %get3A_32 : vector<512x64xf32>
    %sub3A_154 = arith.subf %mul3A_152, %mul3A_153 : vector<512x64xf32>
    %mul3A_155 = arith.mulf %slice3A_150, %get3A_32 : vector<512x64xf32>
    %mul3A_156 = arith.mulf %slice3A_151, %get3A_29 : vector<512x64xf32>
    %add3A_157 = arith.addf %mul3A_155, %mul3A_156 : vector<512x64xf32>
    %slice3A_158 = vector.extract_strided_slice %add3A_117 {offsets = [0, 640], sizes = [512, 64], strides = [1, 1]} : vector<512x1024xf32> to vector<512x64xf32>
    %slice3A_159 = vector.extract_strided_slice %add3A_117 {offsets = [0, 704], sizes = [512, 64], strides = [1, 1]} : vector<512x1024xf32> to vector<512x64xf32>
    %mul3A_160 = arith.mulf %slice3A_158, %get3A_29 : vector<512x64xf32>
    %mul3A_161 = arith.mulf %slice3A_159, %get3A_32 : vector<512x64xf32>
    %sub3A_162 = arith.subf %mul3A_160, %mul3A_161 : vector<512x64xf32>
    %mul3A_163 = arith.mulf %slice3A_158, %get3A_32 : vector<512x64xf32>
    %mul3A_164 = arith.mulf %slice3A_159, %get3A_29 : vector<512x64xf32>
    %add3A_165 = arith.addf %mul3A_163, %mul3A_164 : vector<512x64xf32>
    %slice3A_166 = vector.extract_strided_slice %add3A_117 {offsets = [0, 768], sizes = [512, 64], strides = [1, 1]} : vector<512x1024xf32> to vector<512x64xf32>
    %slice3A_167 = vector.extract_strided_slice %add3A_117 {offsets = [0, 832], sizes = [512, 64], strides = [1, 1]} : vector<512x1024xf32> to vector<512x64xf32>
    %mul3A_168 = arith.mulf %slice3A_166, %get3A_29 : vector<512x64xf32>
    %mul3A_169 = arith.mulf %slice3A_167, %get3A_32 : vector<512x64xf32>
    %sub3A_170 = arith.subf %mul3A_168, %mul3A_169 : vector<512x64xf32>
    %mul3A_171 = arith.mulf %slice3A_166, %get3A_32 : vector<512x64xf32>
    %mul3A_172 = arith.mulf %slice3A_167, %get3A_29 : vector<512x64xf32>
    %add3A_173 = arith.addf %mul3A_171, %mul3A_172 : vector<512x64xf32>
    %slice3A_174 = vector.extract_strided_slice %add3A_117 {offsets = [0, 896], sizes = [512, 64], strides = [1, 1]} : vector<512x1024xf32> to vector<512x64xf32>
    %slice3A_175 = vector.extract_strided_slice %add3A_117 {offsets = [0, 960], sizes = [512, 64], strides = [1, 1]} : vector<512x1024xf32> to vector<512x64xf32>
    %mul3A_176 = arith.mulf %slice3A_174, %get3A_29 : vector<512x64xf32>
    %mul3A_177 = arith.mulf %slice3A_175, %get3A_32 : vector<512x64xf32>
    %sub3A_178 = arith.subf %mul3A_176, %mul3A_177 : vector<512x64xf32>
    %mul3A_179 = arith.mulf %slice3A_174, %get3A_32 : vector<512x64xf32>
    %mul3A_180 = arith.mulf %slice3A_175, %get3A_29 : vector<512x64xf32>
    %add3A_181 = arith.addf %mul3A_179, %mul3A_180 : vector<512x64xf32>
    %concatenate3A_182 = tpu.concatenate %sub3A_122, %add3A_125, %sub3A_130, %add3A_133, %sub3A_138, %add3A_141, %sub3A_146, %add3A_149, %sub3A_154, %add3A_157, %sub3A_162, %add3A_165, %sub3A_170, %add3A_173, %sub3A_178, %add3A_181 in 1 : vector<512x64xf32>, vector<512x64xf32>, vector<512x64xf32>, vector<512x64xf32>, vector<512x64xf32>, vector<512x64xf32>, vector<512x64xf32>, vector<512x64xf32>, vector<512x64xf32>, vector<512x64xf32>, vector<512x64xf32>, vector<512x64xf32>, vector<512x64xf32>, vector<512x64xf32>, vector<512x64xf32>, vector<512x64xf32> -> vector<512x1024xf32>
    %swap3A_183 = arith.constant 0 : index
    %swap3A_184 = arith.constant 0 : index
    %swap3A_185 = vector.load %arg17[%swap3A_183, %swap3A_184] : memref<512x1024xf32, #tpu.memory_space<vmem>>, vector<512x1024xf32>
    tpu.vector_store %arg17[%swap3A_183, %swap3A_184], %concatenate3A_182 {strides = array<i32>} : memref<512x1024xf32, #tpu.memory_space<vmem>>, vector<512x1024xf32>,
    %get3A_186 = arith.constant 0 : index
    %get3A_187 = arith.constant 0 : index
    %get3A_188 = vector.load %arg5[%get3A_186, %get3A_187] : memref<1024x1024xf32, #tpu.memory_space<vmem>>, vector<1024x1024xf32>
    %dot_general3A_189 = arith.constant dense<0.000000e+00> : vector<512x1024xf32>
    %dot_general3A_190 = tpu.matmul %convert_element_type3A, %get3A_188, %dot_general3A_189 {dimension_numbers = #tpu.dot_dimension_numbers<[1], [0], [0], [1], [0, 0, 1, 1], [], []>, transpose_lhs_hint = false} : vector<512x1024xbf16>, vector<1024x1024xf32>, vector<512x1024xf32> -> vector<512x1024xf32>
    %get3A_191 = arith.constant 0 : index
    %get3A_192 = arith.constant 0 : index
    %get3A_193 = vector.load %arg8[%get3A_191, %get3A_192] : memref<1x1024xf32, #tpu.memory_space<vmem>>, vector<1x1024xf32>
    %add3A_194 = vector.broadcast %get3A_193 : vector<1x1024xf32> to vector<512x1024xf32>
    %add3A_195 = arith.addf %dot_general3A_190, %add3A_194 : vector<512x1024xf32>
    %swap3A_196 = arith.constant 0 : index
    %swap3A_197 = arith.constant 0 : index
    %swap3A_198 = vector.load %arg18[%swap3A_196, %swap3A_197] : memref<512x1024xf32, #tpu.memory_space<vmem>>, vector<512x1024xf32>
    tpu.vector_store %arg18[%swap3A_196, %swap3A_197], %add3A_195 {strides = array<i32>} : memref<512x1024xf32, #tpu.memory_space<vmem>>, vector<512x1024xf32>,
    return
  }
  func.func @transform_0(%arg0: i32) -> (i32, i32) {
    %c0_i32 = arith.constant 0 : i32
    %c0_i32_0 = arith.constant 0 : i32
    return %arg0, %c0_i32 : i32, i32
  }
  func.func @transform_1(%arg0: i32) -> (i32, i32) {
    %jit3A = arith.constant 4 : i32
    %eq3A = arith.constant 0 : i32
    %eq3A_0 = arith.cmpi eq, %jit3A, %eq3A : i32
    %jit3A_1 = arith.constant 1 : i32
    %select_n3A = arith.select %eq3A_0, %jit3A_1, %jit3A : i32
    %rem3A = arith.remsi %arg0, %select_n3A : i32
    %ne3A = arith.constant 0 : i32
    %ne3A_2 = arith.cmpi ne, %rem3A, %ne3A : i32
    %lt3A = arith.constant 0 : i32
    %lt3A_3 = arith.cmpi slt, %rem3A, %lt3A : i32
    %lt3A_4 = arith.constant 0 : i32
    %lt3A_5 = arith.cmpi slt, %select_n3A, %lt3A_4 : i32
    %ne3A_6 = arith.xori %lt3A_3, %lt3A_5 : i1
    %and3A = arith.andi %ne3A_6, %ne3A_2 : i1
    %add3A = arith.addi %rem3A, %select_n3A : i32
    %select_n3A_7 = arith.select %and3A, %add3A, %rem3A : i32
    %c0_i32 = arith.constant 0 : i32
    %c0_i32_8 = arith.constant 0 : i32
    return %select_n3A_7, %c0_i32 : i32, i32
  }
  func.func @transform_2(%arg0: i32) -> (i32, i32) {
    %c0_i32 = arith.constant 0 : i32
    %c0_i32_0 = arith.constant 0 : i32
    %c0_i32_1 = arith.constant 0 : i32
    return %c0_i32, %c0_i32_0 : i32, i32
  }
  func.func @transform_3(%arg0: i32) -> (i32, i32) {
    %c0_i32 = arith.constant 0 : i32
    %c0_i32_0 = arith.constant 0 : i32
    %c0_i32_1 = arith.constant 0 : i32
    return %c0_i32, %c0_i32_0 : i32, i32
  }
  func.func @transform_4(%arg0: i32) -> (i32, i32) {
    %c0_i32 = arith.constant 0 : i32
    %c0_i32_0 = arith.constant 0 : i32
    %c0_i32_1 = arith.constant 0 : i32
    return %c0_i32, %c0_i32_0 : i32, i32
  }
  func.func @transform_5(%arg0: i32) -> (i32, i32) {
    %c0_i32 = arith.constant 0 : i32
    %c0_i32_0 = arith.constant 0 : i32
    %c0_i32_1 = arith.constant 0 : i32
    return %c0_i32, %c0_i32_0 : i32, i32
  }
  func.func @transform_6(%arg0: i32) -> (i32, i32) {
    %c0_i32 = arith.constant 0 : i32
    %c0_i32_0 = arith.constant 0 : i32
    %c0_i32_1 = arith.constant 0 : i32
    return %c0_i32, %c0_i32_0 : i32, i32
  }
  func.func @transform_7(%arg0: i32) -> (i32, i32) {
    %c0_i32 = arith.constant 0 : i32
    %c0_i32_0 = arith.constant 0 : i32
    %c0_i32_1 = arith.constant 0 : i32
    return %c0_i32, %c0_i32_0 : i32, i32
  }
  func.func @transform_8(%arg0: i32) -> (i32, i32) {
    %c0_i32 = arith.constant 0 : i32
    %c0_i32_0 = arith.constant 0 : i32
    %c0_i32_1 = arith.constant 0 : i32
    return %c0_i32, %c0_i32_0 : i32, i32
  }
  func.func @transform_9(%arg0: i32) -> (i32, i32) {
    %c0_i32 = arith.constant 0 : i32
    %c0_i32_0 = arith.constant 0 : i32
    %c0_i32_1 = arith.constant 0 : i32
    return %c0_i32, %c0_i32_0 : i32, i32
  }
  func.func @transform_10(%arg0: i32) -> (i32, i32) {
    %jit3A = arith.constant 4 : i32
    %eq3A = arith.constant 0 : i32
    %eq3A_0 = arith.cmpi eq, %jit3A, %eq3A : i32
    %jit3A_1 = arith.constant 1 : i32
    %select_n3A = arith.select %eq3A_0, %jit3A_1, %jit3A : i32
    %rem3A = arith.remsi %arg0, %select_n3A : i32
    %ne3A = arith.constant 0 : i32
    %ne3A_2 = arith.cmpi ne, %rem3A, %ne3A : i32
    %lt3A = arith.constant 0 : i32
    %lt3A_3 = arith.cmpi slt, %rem3A, %lt3A : i32
    %lt3A_4 = arith.constant 0 : i32
    %lt3A_5 = arith.cmpi slt, %select_n3A, %lt3A_4 : i32
    %ne3A_6 = arith.xori %lt3A_3, %lt3A_5 : i1
    %and3A = arith.andi %ne3A_6, %ne3A_2 : i1
    %add3A = arith.addi %rem3A, %select_n3A : i32
    %select_n3A_7 = arith.select %and3A, %add3A, %rem3A : i32
    %c0_i32 = arith.constant 0 : i32
    %c0_i32_8 = arith.constant 0 : i32
    return %select_n3A_7, %c0_i32 : i32, i32
  }
  func.func @transform_11(%arg0: i32) -> (i32, i32) {
    %jit3A = arith.constant 4 : i32
    %eq3A = arith.constant 0 : i32
    %eq3A_0 = arith.cmpi eq, %jit3A, %eq3A : i32
    %jit3A_1 = arith.constant 1 : i32
    %select_n3A = arith.select %eq3A_0, %jit3A_1, %jit3A : i32
    %rem3A = arith.remsi %arg0, %select_n3A : i32
    %ne3A = arith.constant 0 : i32
    %ne3A_2 = arith.cmpi ne, %rem3A, %ne3A : i32
    %lt3A = arith.constant 0 : i32
    %lt3A_3 = arith.cmpi slt, %rem3A, %lt3A : i32
    %lt3A_4 = arith.constant 0 : i32
    %lt3A_5 = arith.cmpi slt, %select_n3A, %lt3A_4 : i32
    %ne3A_6 = arith.xori %lt3A_3, %lt3A_5 : i1
    %and3A = arith.andi %ne3A_6, %ne3A_2 : i1
    %add3A = arith.addi %rem3A, %select_n3A : i32
    %select_n3A_7 = arith.select %and3A, %add3A, %rem3A : i32
    %c0_i32 = arith.constant 0 : i32
    %c0_i32_8 = arith.constant 0 : i32
    return %select_n3A_7, %c0_i32 : i32, i32
  }
  func.func @transform_12(%arg0: i32) -> (i32, i32) {
    %c0_i32 = arith.constant 0 : i32
    %c0_i32_0 = arith.constant 0 : i32
    return %arg0, %c0_i32 : i32, i32
  }
  func.func @transform_13(%arg0: i32) -> (i32, i32) {
    %c0_i32 = arith.constant 0 : i32
    %c0_i32_0 = arith.constant 0 : i32
    return %arg0, %c0_i32 : i32, i32
  }
  func.func @transform_14(%arg0: i32) -> (i32, i32) {
    %c0_i32 = arith.constant 0 : i32
    %c0_i32_0 = arith.constant 0 : i32
    return %arg0, %c0_i32 : i32, i32
  }
  func.func @transform_15(%arg0: i32) -> (i32, i32) {
    %c0_i32 = arith.constant 0 : i32
    %c0_i32_0 = arith.constant 0 : i32
    return %arg0, %c0_i32 : i32, i32
  }
  func.func @transform_16(%arg0: i32) -> (i32, i32) {
    %c0_i32 = arith.constant 0 : i32
    %c0_i32_0 = arith.constant 0 : i32
    return %arg0, %c0_i32 : i32, i32
  }
  func.func @transform_17(%arg0: i32) -> (i32, i32) {
    %c0_i32 = arith.constant 0 : i32
    %c0_i32_0 = arith.constant 0 : i32
    return %arg0, %c0_i32 : i32, i32
  }
}

module attributes {stable_mosaic.version = 14 : i64} {
  func.func @_k3_body(%arg0: i32, %arg1: i32, %arg2: i32, %arg3: memref<512x128xf32, #tpu.memory_space<vmem>>, %arg4: memref<2048x128xf32, #tpu.memory_space<vmem>>, %arg5: memref<2048x128xf32, #tpu.memory_space<vmem>>, %arg6: memref<1x1x512x2048xf32, #tpu.memory_space<vmem>>, %arg7: memref<512x128xf32, #tpu.memory_space<vmem>>) attributes {dimension_semantics = [#tpu.dimension_semantics<arbitrary>, #tpu.dimension_semantics<arbitrary>, #tpu.dimension_semantics<arbitrary>], iteration_bounds = array<i64: 2, 8, 4>, scalar_prefetch = 0 : i64, scratch_operands = 0 : i64, tpu.core_type = #tpu.core_type<tc>, window_params = [{transform_indices = @transform_0, window_bounds = array<i64: 512, 128>}, {transform_indices = @transform_1, window_bounds = array<i64: 2048, 128>}, {transform_indices = @transform_2, window_bounds = array<i64: 2048, 128>}, {transform_indices = @transform_3, window_bounds = array<i64: 1, 1, 512, 2048>}, {transform_indices = @transform_4, window_bounds = array<i64: 512, 128>}]} {
    %get3A = arith.constant 0 : index
    %get3A_0 = arith.constant 0 : index
    %get3A_1 = vector.load %arg3[%get3A, %get3A_0] : memref<512x128xf32, #tpu.memory_space<vmem>>, vector<512x128xf32>
    %get3A_2 = arith.constant 0 : index
    %get3A_3 = arith.constant 0 : index
    %get3A_4 = vector.load %arg4[%get3A_2, %get3A_3] : memref<2048x128xf32, #tpu.memory_space<vmem>>, vector<2048x128xf32>
    %dot_general3A = arith.constant dense<0.000000e+00> : vector<512x2048xf32>
    %dot_general3A_5 = tpu.matmul %get3A_1, %get3A_4, %dot_general3A {dimension_numbers = #tpu.dot_dimension_numbers<[1], [1], [0], [0], [0, 0, 1, 0], [], []>, transpose_lhs_hint = false} : vector<512x128xf32>, vector<2048x128xf32>, vector<512x2048xf32> -> vector<512x2048xf32>
    %mul3A = arith.constant 0.0883883461 : f32
    %mul3A_6 = vector.broadcast %mul3A : f32 to vector<512x2048xf32>
    %mul3A_7 = arith.mulf %dot_general3A_5, %mul3A_6 : vector<512x2048xf32>
    %reduce_max3A = arith.constant dense<0xFF800000> : vector<512xf32>
    %reduce_max3A_8 = vector.multi_reduction <maximumf>, %mul3A_7, %reduce_max3A [1] : vector<512x2048xf32> to vector<512xf32>
    %broadcast_in_dim3A = vector.shape_cast %reduce_max3A_8 : vector<512xf32> to vector<512x1xf32>
    %sub3A = vector.broadcast %broadcast_in_dim3A : vector<512x1xf32> to vector<512x2048xf32>
    %sub3A_9 = arith.subf %mul3A_7, %sub3A : vector<512x2048xf32>
    %exp3A = math.exp %sub3A_9 : vector<512x2048xf32>
    %reduce_sum3A = arith.constant dense<0.000000e+00> : vector<512xf32>
    %reduce_sum3A_10 = vector.multi_reduction <add>, %exp3A, %reduce_sum3A [1] : vector<512x2048xf32> to vector<512xf32>
    %broadcast_in_dim3A_11 = vector.shape_cast %reduce_sum3A_10 : vector<512xf32> to vector<512x1xf32>
    %div3A = vector.broadcast %broadcast_in_dim3A_11 : vector<512x1xf32> to vector<512x2048xf32>
    %div3A_12 = arith.divf %exp3A, %div3A : vector<512x2048xf32>
    %swap3A = arith.constant 0 : index
    %swap3A_13 = arith.constant 0 : index
    %swap3A_14 = arith.constant 0 : index
    %swap3A_15 = arith.constant 0 : index
    %swap3A_16 = vector.load %arg6[%swap3A, %swap3A_13, %swap3A_14, %swap3A_15] : memref<1x1x512x2048xf32, #tpu.memory_space<vmem>>, vector<1x1x512x2048xf32>
    %swap3A_17 = vector.shape_cast %swap3A_16 : vector<1x1x512x2048xf32> to vector<512x2048xf32>
    %swap3A_18 = vector.shape_cast %div3A_12 : vector<512x2048xf32> to vector<1x1x512x2048xf32>
    tpu.vector_store %arg6[%swap3A, %swap3A_13, %swap3A_14, %swap3A_15], %swap3A_18 {strides = array<i32>} : memref<1x1x512x2048xf32, #tpu.memory_space<vmem>>, vector<1x1x512x2048xf32>,
    %broadcast_in_dim3A_19 = arith.constant 0xFF800000 : f32
    %broadcast_in_dim3A_20 = vector.broadcast %broadcast_in_dim3A_19 : f32 to vector<512x1xf32>
    %broadcast_in_dim3A_21 = arith.constant 0.000000e+00 : f32
    %broadcast_in_dim3A_22 = vector.broadcast %broadcast_in_dim3A_21 : f32 to vector<512x1xf32>
    %broadcast_in_dim3A_23 = arith.constant 0.000000e+00 : f32
    %broadcast_in_dim3A_24 = vector.broadcast %broadcast_in_dim3A_23 : f32 to vector<512x128xf32>
    %slice3A = vector.extract_strided_slice %mul3A_7 {offsets = [0, 0], sizes = [512, 1024], strides = [1, 1]} : vector<512x2048xf32> to vector<512x1024xf32>
    %reduce_max3A_25 = arith.constant dense<0xFF800000> : vector<512xf32>
    %reduce_max3A_26 = vector.multi_reduction <maximumf>, %slice3A, %reduce_max3A_25 [1] : vector<512x1024xf32> to vector<512xf32>
    %broadcast_in_dim3A_27 = vector.shape_cast %reduce_max3A_26 : vector<512xf32> to vector<512x1xf32>
    %max3A = arith.maximumf %broadcast_in_dim3A_20, %broadcast_in_dim3A_27 : vector<512x1xf32>
    %eq3A = arith.cmpf oeq, %broadcast_in_dim3A_20, %max3A : vector<512x1xf32>
    %sub3A_28 = arith.subf %broadcast_in_dim3A_20, %max3A : vector<512x1xf32>
    %jit3A = arith.constant 0.000000e+00 : f32
    %broadcast_in_dim3A_29 = vector.broadcast %jit3A : f32 to vector<512x1xf32>
    %select_n3A = arith.select %eq3A, %broadcast_in_dim3A_29, %sub3A_28 : vector<512x1xi1>, vector<512x1xf32>
    %exp3A_30 = math.exp %select_n3A : vector<512x1xf32>
    %sub3A_31 = vector.broadcast %max3A : vector<512x1xf32> to vector<512x1024xf32>
    %sub3A_32 = arith.subf %slice3A, %sub3A_31 : vector<512x1024xf32>
    %exp3A_33 = math.exp %sub3A_32 : vector<512x1024xf32>
    %mul3A_34 = arith.mulf %exp3A_30, %broadcast_in_dim3A_22 : vector<512x1xf32>
    %reduce_sum3A_35 = arith.constant dense<0.000000e+00> : vector<512xf32>
    %reduce_sum3A_36 = vector.multi_reduction <add>, %exp3A_33, %reduce_sum3A_35 [1] : vector<512x1024xf32> to vector<512xf32>
    %broadcast_in_dim3A_37 = vector.shape_cast %reduce_sum3A_36 : vector<512xf32> to vector<512x1xf32>
    %add3A = arith.addf %mul3A_34, %broadcast_in_dim3A_37 : vector<512x1xf32>
    %get3A_38 = arith.constant 0 : index
    %get3A_39 = arith.constant 0 : index
    %get3A_40 = vector.load %arg5[%get3A_38, %get3A_39] : memref<2048x128xf32, #tpu.memory_space<vmem>>, vector<1024x128xf32>
    %dot_general3A_41 = arith.constant dense<0.000000e+00> : vector<512x128xf32>
    %dot_general3A_42 = tpu.matmul %exp3A_33, %get3A_40, %dot_general3A_41 {dimension_numbers = #tpu.dot_dimension_numbers<[1], [0], [0], [1], [0, 0, 1, 1], [], []>, transpose_lhs_hint = false} : vector<512x1024xf32>, vector<1024x128xf32>, vector<512x128xf32> -> vector<512x128xf32>
    %mul3A_43 = vector.broadcast %exp3A_30 : vector<512x1xf32> to vector<512x128xf32>
    %mul3A_44 = arith.mulf %mul3A_43, %broadcast_in_dim3A_24 : vector<512x128xf32>
    %add3A_45 = arith.addf %dot_general3A_42, %mul3A_44 : vector<512x128xf32>
    %slice3A_46 = vector.extract_strided_slice %mul3A_7 {offsets = [0, 1024], sizes = [512, 1024], strides = [1, 1]} : vector<512x2048xf32> to vector<512x1024xf32>
    %reduce_max3A_47 = arith.constant dense<0xFF800000> : vector<512xf32>
    %reduce_max3A_48 = vector.multi_reduction <maximumf>, %slice3A_46, %reduce_max3A_47 [1] : vector<512x1024xf32> to vector<512xf32>
    %broadcast_in_dim3A_49 = vector.shape_cast %reduce_max3A_48 : vector<512xf32> to vector<512x1xf32>
    %max3A_50 = arith.maximumf %max3A, %broadcast_in_dim3A_49 : vector<512x1xf32>
    %eq3A_51 = arith.cmpf oeq, %max3A, %max3A_50 : vector<512x1xf32>
    %sub3A_52 = arith.subf %max3A, %max3A_50 : vector<512x1xf32>
    %jit3A_53 = arith.constant 0.000000e+00 : f32
    %broadcast_in_dim3A_54 = vector.broadcast %jit3A_53 : f32 to vector<512x1xf32>
    %select_n3A_55 = arith.select %eq3A_51, %broadcast_in_dim3A_54, %sub3A_52 : vector<512x1xi1>, vector<512x1xf32>
    %exp3A_56 = math.exp %select_n3A_55 : vector<512x1xf32>
    %sub3A_57 = vector.broadcast %max3A_50 : vector<512x1xf32> to vector<512x1024xf32>
    %sub3A_58 = arith.subf %slice3A_46, %sub3A_57 : vector<512x1024xf32>
    %exp3A_59 = math.exp %sub3A_58 : vector<512x1024xf32>
    %mul3A_60 = arith.mulf %exp3A_56, %add3A : vector<512x1xf32>
    %reduce_sum3A_61 = arith.constant dense<0.000000e+00> : vector<512xf32>
    %reduce_sum3A_62 = vector.multi_reduction <add>, %exp3A_59, %reduce_sum3A_61 [1] : vector<512x1024xf32> to vector<512xf32>
    %broadcast_in_dim3A_63 = vector.shape_cast %reduce_sum3A_62 : vector<512xf32> to vector<512x1xf32>
    %add3A_64 = arith.addf %mul3A_60, %broadcast_in_dim3A_63 : vector<512x1xf32>
    %get3A_65 = arith.constant 1024 : index
    %get3A_66 = arith.constant 0 : index
    %get3A_67 = vector.load %arg5[%get3A_65, %get3A_66] : memref<2048x128xf32, #tpu.memory_space<vmem>>, vector<1024x128xf32>
    %dot_general3A_68 = arith.constant dense<0.000000e+00> : vector<512x128xf32>
    %dot_general3A_69 = tpu.matmul %exp3A_59, %get3A_67, %dot_general3A_68 {dimension_numbers = #tpu.dot_dimension_numbers<[1], [0], [0], [1], [0, 0, 1, 1], [], []>, transpose_lhs_hint = false} : vector<512x1024xf32>, vector<1024x128xf32>, vector<512x128xf32> -> vector<512x128xf32>
    %mul3A_70 = vector.broadcast %exp3A_56 : vector<512x1xf32> to vector<512x128xf32>
    %mul3A_71 = arith.mulf %mul3A_70, %add3A_45 : vector<512x128xf32>
    %add3A_72 = arith.addf %dot_general3A_69, %mul3A_71 : vector<512x128xf32>
    %div3A_73 = arith.constant 1.000000e+00 : f32
    %div3A_74 = vector.broadcast %div3A_73 : f32 to vector<512x1xf32>
    %div3A_75 = arith.divf %div3A_74, %add3A_64 : vector<512x1xf32>
    %mul3A_76 = vector.broadcast %div3A_75 : vector<512x1xf32> to vector<512x128xf32>
    %mul3A_77 = arith.mulf %add3A_72, %mul3A_76 : vector<512x128xf32>
    %swap3A_78 = arith.constant 0 : index
    %swap3A_79 = arith.constant 0 : index
    %swap3A_80 = vector.load %arg7[%swap3A_78, %swap3A_79] : memref<512x128xf32, #tpu.memory_space<vmem>>, vector<512x128xf32>
    tpu.vector_store %arg7[%swap3A_78, %swap3A_79], %mul3A_77 {strides = array<i32>} : memref<512x128xf32, #tpu.memory_space<vmem>>, vector<512x128xf32>,
    return
  }
  func.func @transform_0(%arg0: i32, %arg1: i32, %arg2: i32) -> (i32, i32) {
    %mul3A = arith.constant 4 : i32
    %mul3A_0 = arith.muli %arg0, %mul3A : i32
    %add3A = arith.addi %mul3A_0, %arg2 : i32
    %c0_i32 = arith.constant 0 : i32
    return %add3A, %arg1 : i32, i32
  }
  func.func @transform_1(%arg0: i32, %arg1: i32, %arg2: i32) -> (i32, i32) {
    %c0_i32 = arith.constant 0 : i32
    return %arg0, %arg1 : i32, i32
  }
  func.func @transform_2(%arg0: i32, %arg1: i32, %arg2: i32) -> (i32, i32) {
    %c0_i32 = arith.constant 0 : i32
    return %arg0, %arg1 : i32, i32
  }
  func.func @transform_3(%arg0: i32, %arg1: i32, %arg2: i32) -> (i32, i32, i32, i32) {
    %c0_i32 = arith.constant 0 : i32
    %c0_i32_0 = arith.constant 0 : i32
    return %arg0, %arg1, %arg2, %c0_i32 : i32, i32, i32, i32
  }
  func.func @transform_4(%arg0: i32, %arg1: i32, %arg2: i32) -> (i32, i32) {
    %mul3A = arith.constant 4 : i32
    %mul3A_0 = arith.muli %arg0, %mul3A : i32
    %add3A = arith.addi %mul3A_0, %arg2 : i32
    %c0_i32 = arith.constant 0 : i32
    return %add3A, %arg1 : i32, i32
  }
}

module attributes {stable_mosaic.version = 14 : i64} {
  func.func @_k4a_body(%arg0: i32, %arg1: memref<512x1024xf32, #tpu.memory_space<vmem>>, %arg2: memref<512x1024xf32, #tpu.memory_space<vmem>>, %arg3: memref<1024x1024xf32, #tpu.memory_space<vmem>>, %arg4: memref<1x1024xf32, #tpu.memory_space<vmem>>, %arg5: memref<512x1024xf32, #tpu.memory_space<vmem>>) attributes {dimension_semantics = [#tpu.dimension_semantics<arbitrary>], iteration_bounds = array<i64: 8>, scalar_prefetch = 0 : i64, scratch_operands = 0 : i64, tpu.core_type = #tpu.core_type<tc>, window_params = [{transform_indices = @transform_0, window_bounds = array<i64: 512, 1024>}, {transform_indices = @transform_1, window_bounds = array<i64: 512, 1024>}, {pipeline_mode = #tpu.pipeline_mode<synchronous>, transform_indices = @transform_2, window_bounds = array<i64: 1024, 1024>}, {pipeline_mode = #tpu.pipeline_mode<synchronous>, transform_indices = @transform_3, window_bounds = array<i64: 1, 1024>}, {transform_indices = @transform_4, window_bounds = array<i64: 512, 1024>}]} {
    %get3A = arith.constant 0 : index
    %get3A_0 = arith.constant 0 : index
    %get3A_1 = vector.load %arg2[%get3A, %get3A_0] : memref<512x1024xf32, #tpu.memory_space<vmem>>, vector<512x1024xf32>
    %convert_element_type3A = arith.truncf %get3A_1 : vector<512x1024xf32> to vector<512x1024xbf16>
    %get3A_2 = arith.constant 0 : index
    %get3A_3 = arith.constant 0 : index
    %get3A_4 = vector.load %arg3[%get3A_2, %get3A_3] : memref<1024x1024xf32, #tpu.memory_space<vmem>>, vector<1024x1024xf32>
    %convert_element_type3A_5 = arith.truncf %get3A_4 : vector<1024x1024xf32> to vector<1024x1024xbf16>
    %get3A_6 = arith.constant 0 : index
    %get3A_7 = arith.constant 0 : index
    %get3A_8 = vector.load %arg3[%get3A_6, %get3A_7] : memref<1024x1024xf32, #tpu.memory_space<vmem>>, vector<1024x1024xf32>
    %convert_element_type3A_9 = arith.extf %convert_element_type3A_5 : vector<1024x1024xbf16> to vector<1024x1024xf32>
    %sub3A = arith.subf %get3A_8, %convert_element_type3A_9 : vector<1024x1024xf32>
    %convert_element_type3A_10 = arith.truncf %sub3A : vector<1024x1024xf32> to vector<1024x1024xbf16>
    %dot_general3A = arith.constant dense<0.000000e+00> : vector<512x1024xf32>
    %dot_general3A_11 = tpu.matmul %convert_element_type3A, %convert_element_type3A_5, %dot_general3A {dimension_numbers = #tpu.dot_dimension_numbers<[1], [0], [0], [1], [0, 0, 1, 1], [], []>, transpose_lhs_hint = false} : vector<512x1024xbf16>, vector<1024x1024xbf16>, vector<512x1024xf32> -> vector<512x1024xf32>
    %dot_general3A_12 = arith.constant dense<0.000000e+00> : vector<512x1024xf32>
    %dot_general3A_13 = tpu.matmul %convert_element_type3A, %convert_element_type3A_10, %dot_general3A_12 {dimension_numbers = #tpu.dot_dimension_numbers<[1], [0], [0], [1], [0, 0, 1, 1], [], []>, transpose_lhs_hint = false} : vector<512x1024xbf16>, vector<1024x1024xbf16>, vector<512x1024xf32> -> vector<512x1024xf32>
    %add3A = arith.addf %dot_general3A_11, %dot_general3A_13 : vector<512x1024xf32>
    %get3A_14 = arith.constant 0 : index
    %get3A_15 = arith.constant 0 : index
    %get3A_16 = vector.load %arg4[%get3A_14, %get3A_15] : memref<1x1024xf32, #tpu.memory_space<vmem>>, vector<1x1024xf32>
    %add3A_17 = vector.broadcast %get3A_16 : vector<1x1024xf32> to vector<512x1024xf32>
    %add3A_18 = arith.addf %add3A, %add3A_17 : vector<512x1024xf32>
    %get3A_19 = arith.constant 0 : index
    %get3A_20 = arith.constant 0 : index
    %get3A_21 = vector.load %arg1[%get3A_19, %get3A_20] : memref<512x1024xf32, #tpu.memory_space<vmem>>, vector<512x1024xf32>
    %add3A_22 = arith.addf %get3A_21, %add3A_18 : vector<512x1024xf32>
    %swap3A = arith.constant 0 : index
    %swap3A_23 = arith.constant 0 : index
    %swap3A_24 = vector.load %arg5[%swap3A, %swap3A_23] : memref<512x1024xf32, #tpu.memory_space<vmem>>, vector<512x1024xf32>
    tpu.vector_store %arg5[%swap3A, %swap3A_23], %add3A_22 {strides = array<i32>} : memref<512x1024xf32, #tpu.memory_space<vmem>>, vector<512x1024xf32>,
    return
  }
  func.func @transform_0(%arg0: i32) -> (i32, i32) {
    %c0_i32 = arith.constant 0 : i32
    %c0_i32_0 = arith.constant 0 : i32
    return %arg0, %c0_i32 : i32, i32
  }
  func.func @transform_1(%arg0: i32) -> (i32, i32) {
    %c0_i32 = arith.constant 0 : i32
    %c0_i32_0 = arith.constant 0 : i32
    return %arg0, %c0_i32 : i32, i32
  }
  func.func @transform_2(%arg0: i32) -> (i32, i32) {
    %c0_i32 = arith.constant 0 : i32
    %c0_i32_0 = arith.constant 0 : i32
    %c0_i32_1 = arith.constant 0 : i32
    return %c0_i32, %c0_i32_0 : i32, i32
  }
  func.func @transform_3(%arg0: i32) -> (i32, i32) {
    %c0_i32 = arith.constant 0 : i32
    %c0_i32_0 = arith.constant 0 : i32
    %c0_i32_1 = arith.constant 0 : i32
    return %c0_i32, %c0_i32_0 : i32, i32
  }
  func.func @transform_4(%arg0: i32) -> (i32, i32) {
    %c0_i32 = arith.constant 0 : i32
    %c0_i32_0 = arith.constant 0 : i32
    return %arg0, %c0_i32 : i32, i32
  }
}

module attributes {stable_mosaic.version = 14 : i64} {
  func.func @_statsB_body(%arg0: i32, %arg1: memref<1024x512xf32, #tpu.memory_space<vmem>>, %arg2: memref<1x512xf32, #tpu.memory_space<vmem>>, %arg3: memref<1x512xf32, #tpu.memory_space<vmem>>) attributes {dimension_semantics = [#tpu.dimension_semantics<arbitrary>], iteration_bounds = array<i64: 8>, scalar_prefetch = 0 : i64, scratch_operands = 0 : i64, tpu.core_type = #tpu.core_type<tc>, window_params = [{transform_indices = @transform_0, window_bounds = array<i64: 1024, 512>}, {transform_indices = @transform_1, window_bounds = array<i64: 1, 512>}, {transform_indices = @transform_2, window_bounds = array<i64: 1, 512>}]} {
    %get3A = arith.constant 0 : index
    %get3A_0 = arith.constant 0 : index
    %get3A_1 = vector.load %arg1[%get3A, %get3A_0] : memref<1024x512xf32, #tpu.memory_space<vmem>>, vector<1024x512xf32>
    %slice3A = vector.extract_strided_slice %get3A_1 {offsets = [0, 0], sizes = [8, 512], strides = [1, 1]} : vector<1024x512xf32> to vector<8x512xf32>
    %slice3A_2 = vector.extract_strided_slice %get3A_1 {offsets = [8, 0], sizes = [8, 512], strides = [1, 1]} : vector<1024x512xf32> to vector<8x512xf32>
    %add3A = arith.addf %slice3A, %slice3A_2 : vector<8x512xf32>
    %slice3A_3 = vector.extract_strided_slice %get3A_1 {offsets = [16, 0], sizes = [8, 512], strides = [1, 1]} : vector<1024x512xf32> to vector<8x512xf32>
    %add3A_4 = arith.addf %add3A, %slice3A_3 : vector<8x512xf32>
    %slice3A_5 = vector.extract_strided_slice %get3A_1 {offsets = [24, 0], sizes = [8, 512], strides = [1, 1]} : vector<1024x512xf32> to vector<8x512xf32>
    %add3A_6 = arith.addf %add3A_4, %slice3A_5 : vector<8x512xf32>
    %slice3A_7 = vector.extract_strided_slice %get3A_1 {offsets = [32, 0], sizes = [8, 512], strides = [1, 1]} : vector<1024x512xf32> to vector<8x512xf32>
    %add3A_8 = arith.addf %add3A_6, %slice3A_7 : vector<8x512xf32>
    %slice3A_9 = vector.extract_strided_slice %get3A_1 {offsets = [40, 0], sizes = [8, 512], strides = [1, 1]} : vector<1024x512xf32> to vector<8x512xf32>
    %add3A_10 = arith.addf %add3A_8, %slice3A_9 : vector<8x512xf32>
    %slice3A_11 = vector.extract_strided_slice %get3A_1 {offsets = [48, 0], sizes = [8, 512], strides = [1, 1]} : vector<1024x512xf32> to vector<8x512xf32>
    %add3A_12 = arith.addf %add3A_10, %slice3A_11 : vector<8x512xf32>
    %slice3A_13 = vector.extract_strided_slice %get3A_1 {offsets = [56, 0], sizes = [8, 512], strides = [1, 1]} : vector<1024x512xf32> to vector<8x512xf32>
    %add3A_14 = arith.addf %add3A_12, %slice3A_13 : vector<8x512xf32>
    %slice3A_15 = vector.extract_strided_slice %get3A_1 {offsets = [64, 0], sizes = [8, 512], strides = [1, 1]} : vector<1024x512xf32> to vector<8x512xf32>
    %add3A_16 = arith.addf %add3A_14, %slice3A_15 : vector<8x512xf32>
    %slice3A_17 = vector.extract_strided_slice %get3A_1 {offsets = [72, 0], sizes = [8, 512], strides = [1, 1]} : vector<1024x512xf32> to vector<8x512xf32>
    %add3A_18 = arith.addf %add3A_16, %slice3A_17 : vector<8x512xf32>
    %slice3A_19 = vector.extract_strided_slice %get3A_1 {offsets = [80, 0], sizes = [8, 512], strides = [1, 1]} : vector<1024x512xf32> to vector<8x512xf32>
    %add3A_20 = arith.addf %add3A_18, %slice3A_19 : vector<8x512xf32>
    %slice3A_21 = vector.extract_strided_slice %get3A_1 {offsets = [88, 0], sizes = [8, 512], strides = [1, 1]} : vector<1024x512xf32> to vector<8x512xf32>
    %add3A_22 = arith.addf %add3A_20, %slice3A_21 : vector<8x512xf32>
    %slice3A_23 = vector.extract_strided_slice %get3A_1 {offsets = [96, 0], sizes = [8, 512], strides = [1, 1]} : vector<1024x512xf32> to vector<8x512xf32>
    %add3A_24 = arith.addf %add3A_22, %slice3A_23 : vector<8x512xf32>
    %slice3A_25 = vector.extract_strided_slice %get3A_1 {offsets = [104, 0], sizes = [8, 512], strides = [1, 1]} : vector<1024x512xf32> to vector<8x512xf32>
    %add3A_26 = arith.addf %add3A_24, %slice3A_25 : vector<8x512xf32>
    %slice3A_27 = vector.extract_strided_slice %get3A_1 {offsets = [112, 0], sizes = [8, 512], strides = [1, 1]} : vector<1024x512xf32> to vector<8x512xf32>
    %add3A_28 = arith.addf %add3A_26, %slice3A_27 : vector<8x512xf32>
    %slice3A_29 = vector.extract_strided_slice %get3A_1 {offsets = [120, 0], sizes = [8, 512], strides = [1, 1]} : vector<1024x512xf32> to vector<8x512xf32>
    %add3A_30 = arith.addf %add3A_28, %slice3A_29 : vector<8x512xf32>
    %slice3A_31 = vector.extract_strided_slice %get3A_1 {offsets = [128, 0], sizes = [8, 512], strides = [1, 1]} : vector<1024x512xf32> to vector<8x512xf32>
    %add3A_32 = arith.addf %add3A_30, %slice3A_31 : vector<8x512xf32>
    %slice3A_33 = vector.extract_strided_slice %get3A_1 {offsets = [136, 0], sizes = [8, 512], strides = [1, 1]} : vector<1024x512xf32> to vector<8x512xf32>
    %add3A_34 = arith.addf %add3A_32, %slice3A_33 : vector<8x512xf32>
    %slice3A_35 = vector.extract_strided_slice %get3A_1 {offsets = [144, 0], sizes = [8, 512], strides = [1, 1]} : vector<1024x512xf32> to vector<8x512xf32>
    %add3A_36 = arith.addf %add3A_34, %slice3A_35 : vector<8x512xf32>
    %slice3A_37 = vector.extract_strided_slice %get3A_1 {offsets = [152, 0], sizes = [8, 512], strides = [1, 1]} : vector<1024x512xf32> to vector<8x512xf32>
    %add3A_38 = arith.addf %add3A_36, %slice3A_37 : vector<8x512xf32>
    %slice3A_39 = vector.extract_strided_slice %get3A_1 {offsets = [160, 0], sizes = [8, 512], strides = [1, 1]} : vector<1024x512xf32> to vector<8x512xf32>
    %add3A_40 = arith.addf %add3A_38, %slice3A_39 : vector<8x512xf32>
    %slice3A_41 = vector.extract_strided_slice %get3A_1 {offsets = [168, 0], sizes = [8, 512], strides = [1, 1]} : vector<1024x512xf32> to vector<8x512xf32>
    %add3A_42 = arith.addf %add3A_40, %slice3A_41 : vector<8x512xf32>
    %slice3A_43 = vector.extract_strided_slice %get3A_1 {offsets = [176, 0], sizes = [8, 512], strides = [1, 1]} : vector<1024x512xf32> to vector<8x512xf32>
    %add3A_44 = arith.addf %add3A_42, %slice3A_43 : vector<8x512xf32>
    %slice3A_45 = vector.extract_strided_slice %get3A_1 {offsets = [184, 0], sizes = [8, 512], strides = [1, 1]} : vector<1024x512xf32> to vector<8x512xf32>
    %add3A_46 = arith.addf %add3A_44, %slice3A_45 : vector<8x512xf32>
    %slice3A_47 = vector.extract_strided_slice %get3A_1 {offsets = [192, 0], sizes = [8, 512], strides = [1, 1]} : vector<1024x512xf32> to vector<8x512xf32>
    %add3A_48 = arith.addf %add3A_46, %slice3A_47 : vector<8x512xf32>
    %slice3A_49 = vector.extract_strided_slice %get3A_1 {offsets = [200, 0], sizes = [8, 512], strides = [1, 1]} : vector<1024x512xf32> to vector<8x512xf32>
    %add3A_50 = arith.addf %add3A_48, %slice3A_49 : vector<8x512xf32>
    %slice3A_51 = vector.extract_strided_slice %get3A_1 {offsets = [208, 0], sizes = [8, 512], strides = [1, 1]} : vector<1024x512xf32> to vector<8x512xf32>
    %add3A_52 = arith.addf %add3A_50, %slice3A_51 : vector<8x512xf32>
    %slice3A_53 = vector.extract_strided_slice %get3A_1 {offsets = [216, 0], sizes = [8, 512], strides = [1, 1]} : vector<1024x512xf32> to vector<8x512xf32>
    %add3A_54 = arith.addf %add3A_52, %slice3A_53 : vector<8x512xf32>
    %slice3A_55 = vector.extract_strided_slice %get3A_1 {offsets = [224, 0], sizes = [8, 512], strides = [1, 1]} : vector<1024x512xf32> to vector<8x512xf32>
    %add3A_56 = arith.addf %add3A_54, %slice3A_55 : vector<8x512xf32>
    %slice3A_57 = vector.extract_strided_slice %get3A_1 {offsets = [232, 0], sizes = [8, 512], strides = [1, 1]} : vector<1024x512xf32> to vector<8x512xf32>
    %add3A_58 = arith.addf %add3A_56, %slice3A_57 : vector<8x512xf32>
    %slice3A_59 = vector.extract_strided_slice %get3A_1 {offsets = [240, 0], sizes = [8, 512], strides = [1, 1]} : vector<1024x512xf32> to vector<8x512xf32>
    %add3A_60 = arith.addf %add3A_58, %slice3A_59 : vector<8x512xf32>
    %slice3A_61 = vector.extract_strided_slice %get3A_1 {offsets = [248, 0], sizes = [8, 512], strides = [1, 1]} : vector<1024x512xf32> to vector<8x512xf32>
    %add3A_62 = arith.addf %add3A_60, %slice3A_61 : vector<8x512xf32>
    %slice3A_63 = vector.extract_strided_slice %get3A_1 {offsets = [256, 0], sizes = [8, 512], strides = [1, 1]} : vector<1024x512xf32> to vector<8x512xf32>
    %add3A_64 = arith.addf %add3A_62, %slice3A_63 : vector<8x512xf32>
    %slice3A_65 = vector.extract_strided_slice %get3A_1 {offsets = [264, 0], sizes = [8, 512], strides = [1, 1]} : vector<1024x512xf32> to vector<8x512xf32>
    %add3A_66 = arith.addf %add3A_64, %slice3A_65 : vector<8x512xf32>
    %slice3A_67 = vector.extract_strided_slice %get3A_1 {offsets = [272, 0], sizes = [8, 512], strides = [1, 1]} : vector<1024x512xf32> to vector<8x512xf32>
    %add3A_68 = arith.addf %add3A_66, %slice3A_67 : vector<8x512xf32>
    %slice3A_69 = vector.extract_strided_slice %get3A_1 {offsets = [280, 0], sizes = [8, 512], strides = [1, 1]} : vector<1024x512xf32> to vector<8x512xf32>
    %add3A_70 = arith.addf %add3A_68, %slice3A_69 : vector<8x512xf32>
    %slice3A_71 = vector.extract_strided_slice %get3A_1 {offsets = [288, 0], sizes = [8, 512], strides = [1, 1]} : vector<1024x512xf32> to vector<8x512xf32>
    %add3A_72 = arith.addf %add3A_70, %slice3A_71 : vector<8x512xf32>
    %slice3A_73 = vector.extract_strided_slice %get3A_1 {offsets = [296, 0], sizes = [8, 512], strides = [1, 1]} : vector<1024x512xf32> to vector<8x512xf32>
    %add3A_74 = arith.addf %add3A_72, %slice3A_73 : vector<8x512xf32>
    %slice3A_75 = vector.extract_strided_slice %get3A_1 {offsets = [304, 0], sizes = [8, 512], strides = [1, 1]} : vector<1024x512xf32> to vector<8x512xf32>
    %add3A_76 = arith.addf %add3A_74, %slice3A_75 : vector<8x512xf32>
    %slice3A_77 = vector.extract_strided_slice %get3A_1 {offsets = [312, 0], sizes = [8, 512], strides = [1, 1]} : vector<1024x512xf32> to vector<8x512xf32>
    %add3A_78 = arith.addf %add3A_76, %slice3A_77 : vector<8x512xf32>
    %slice3A_79 = vector.extract_strided_slice %get3A_1 {offsets = [320, 0], sizes = [8, 512], strides = [1, 1]} : vector<1024x512xf32> to vector<8x512xf32>
    %add3A_80 = arith.addf %add3A_78, %slice3A_79 : vector<8x512xf32>
    %slice3A_81 = vector.extract_strided_slice %get3A_1 {offsets = [328, 0], sizes = [8, 512], strides = [1, 1]} : vector<1024x512xf32> to vector<8x512xf32>
    %add3A_82 = arith.addf %add3A_80, %slice3A_81 : vector<8x512xf32>
    %slice3A_83 = vector.extract_strided_slice %get3A_1 {offsets = [336, 0], sizes = [8, 512], strides = [1, 1]} : vector<1024x512xf32> to vector<8x512xf32>
    %add3A_84 = arith.addf %add3A_82, %slice3A_83 : vector<8x512xf32>
    %slice3A_85 = vector.extract_strided_slice %get3A_1 {offsets = [344, 0], sizes = [8, 512], strides = [1, 1]} : vector<1024x512xf32> to vector<8x512xf32>
    %add3A_86 = arith.addf %add3A_84, %slice3A_85 : vector<8x512xf32>
    %slice3A_87 = vector.extract_strided_slice %get3A_1 {offsets = [352, 0], sizes = [8, 512], strides = [1, 1]} : vector<1024x512xf32> to vector<8x512xf32>
    %add3A_88 = arith.addf %add3A_86, %slice3A_87 : vector<8x512xf32>
    %slice3A_89 = vector.extract_strided_slice %get3A_1 {offsets = [360, 0], sizes = [8, 512], strides = [1, 1]} : vector<1024x512xf32> to vector<8x512xf32>
    %add3A_90 = arith.addf %add3A_88, %slice3A_89 : vector<8x512xf32>
    %slice3A_91 = vector.extract_strided_slice %get3A_1 {offsets = [368, 0], sizes = [8, 512], strides = [1, 1]} : vector<1024x512xf32> to vector<8x512xf32>
    %add3A_92 = arith.addf %add3A_90, %slice3A_91 : vector<8x512xf32>
    %slice3A_93 = vector.extract_strided_slice %get3A_1 {offsets = [376, 0], sizes = [8, 512], strides = [1, 1]} : vector<1024x512xf32> to vector<8x512xf32>
    %add3A_94 = arith.addf %add3A_92, %slice3A_93 : vector<8x512xf32>
    %slice3A_95 = vector.extract_strided_slice %get3A_1 {offsets = [384, 0], sizes = [8, 512], strides = [1, 1]} : vector<1024x512xf32> to vector<8x512xf32>
    %add3A_96 = arith.addf %add3A_94, %slice3A_95 : vector<8x512xf32>
    %slice3A_97 = vector.extract_strided_slice %get3A_1 {offsets = [392, 0], sizes = [8, 512], strides = [1, 1]} : vector<1024x512xf32> to vector<8x512xf32>
    %add3A_98 = arith.addf %add3A_96, %slice3A_97 : vector<8x512xf32>
    %slice3A_99 = vector.extract_strided_slice %get3A_1 {offsets = [400, 0], sizes = [8, 512], strides = [1, 1]} : vector<1024x512xf32> to vector<8x512xf32>
    %add3A_100 = arith.addf %add3A_98, %slice3A_99 : vector<8x512xf32>
    %slice3A_101 = vector.extract_strided_slice %get3A_1 {offsets = [408, 0], sizes = [8, 512], strides = [1, 1]} : vector<1024x512xf32> to vector<8x512xf32>
    %add3A_102 = arith.addf %add3A_100, %slice3A_101 : vector<8x512xf32>
    %slice3A_103 = vector.extract_strided_slice %get3A_1 {offsets = [416, 0], sizes = [8, 512], strides = [1, 1]} : vector<1024x512xf32> to vector<8x512xf32>
    %add3A_104 = arith.addf %add3A_102, %slice3A_103 : vector<8x512xf32>
    %slice3A_105 = vector.extract_strided_slice %get3A_1 {offsets = [424, 0], sizes = [8, 512], strides = [1, 1]} : vector<1024x512xf32> to vector<8x512xf32>
    %add3A_106 = arith.addf %add3A_104, %slice3A_105 : vector<8x512xf32>
    %slice3A_107 = vector.extract_strided_slice %get3A_1 {offsets = [432, 0], sizes = [8, 512], strides = [1, 1]} : vector<1024x512xf32> to vector<8x512xf32>
    %add3A_108 = arith.addf %add3A_106, %slice3A_107 : vector<8x512xf32>
    %slice3A_109 = vector.extract_strided_slice %get3A_1 {offsets = [440, 0], sizes = [8, 512], strides = [1, 1]} : vector<1024x512xf32> to vector<8x512xf32>
    %add3A_110 = arith.addf %add3A_108, %slice3A_109 : vector<8x512xf32>
    %slice3A_111 = vector.extract_strided_slice %get3A_1 {offsets = [448, 0], sizes = [8, 512], strides = [1, 1]} : vector<1024x512xf32> to vector<8x512xf32>
    %add3A_112 = arith.addf %add3A_110, %slice3A_111 : vector<8x512xf32>
    %slice3A_113 = vector.extract_strided_slice %get3A_1 {offsets = [456, 0], sizes = [8, 512], strides = [1, 1]} : vector<1024x512xf32> to vector<8x512xf32>
    %add3A_114 = arith.addf %add3A_112, %slice3A_113 : vector<8x512xf32>
    %slice3A_115 = vector.extract_strided_slice %get3A_1 {offsets = [464, 0], sizes = [8, 512], strides = [1, 1]} : vector<1024x512xf32> to vector<8x512xf32>
    %add3A_116 = arith.addf %add3A_114, %slice3A_115 : vector<8x512xf32>
    %slice3A_117 = vector.extract_strided_slice %get3A_1 {offsets = [472, 0], sizes = [8, 512], strides = [1, 1]} : vector<1024x512xf32> to vector<8x512xf32>
    %add3A_118 = arith.addf %add3A_116, %slice3A_117 : vector<8x512xf32>
    %slice3A_119 = vector.extract_strided_slice %get3A_1 {offsets = [480, 0], sizes = [8, 512], strides = [1, 1]} : vector<1024x512xf32> to vector<8x512xf32>
    %add3A_120 = arith.addf %add3A_118, %slice3A_119 : vector<8x512xf32>
    %slice3A_121 = vector.extract_strided_slice %get3A_1 {offsets = [488, 0], sizes = [8, 512], strides = [1, 1]} : vector<1024x512xf32> to vector<8x512xf32>
    %add3A_122 = arith.addf %add3A_120, %slice3A_121 : vector<8x512xf32>
    %slice3A_123 = vector.extract_strided_slice %get3A_1 {offsets = [496, 0], sizes = [8, 512], strides = [1, 1]} : vector<1024x512xf32> to vector<8x512xf32>
    %add3A_124 = arith.addf %add3A_122, %slice3A_123 : vector<8x512xf32>
    %slice3A_125 = vector.extract_strided_slice %get3A_1 {offsets = [504, 0], sizes = [8, 512], strides = [1, 1]} : vector<1024x512xf32> to vector<8x512xf32>
    %add3A_126 = arith.addf %add3A_124, %slice3A_125 : vector<8x512xf32>
    %slice3A_127 = vector.extract_strided_slice %get3A_1 {offsets = [512, 0], sizes = [8, 512], strides = [1, 1]} : vector<1024x512xf32> to vector<8x512xf32>
    %add3A_128 = arith.addf %add3A_126, %slice3A_127 : vector<8x512xf32>
    %slice3A_129 = vector.extract_strided_slice %get3A_1 {offsets = [520, 0], sizes = [8, 512], strides = [1, 1]} : vector<1024x512xf32> to vector<8x512xf32>
    %add3A_130 = arith.addf %add3A_128, %slice3A_129 : vector<8x512xf32>
    %slice3A_131 = vector.extract_strided_slice %get3A_1 {offsets = [528, 0], sizes = [8, 512], strides = [1, 1]} : vector<1024x512xf32> to vector<8x512xf32>
    %add3A_132 = arith.addf %add3A_130, %slice3A_131 : vector<8x512xf32>
    %slice3A_133 = vector.extract_strided_slice %get3A_1 {offsets = [536, 0], sizes = [8, 512], strides = [1, 1]} : vector<1024x512xf32> to vector<8x512xf32>
    %add3A_134 = arith.addf %add3A_132, %slice3A_133 : vector<8x512xf32>
    %slice3A_135 = vector.extract_strided_slice %get3A_1 {offsets = [544, 0], sizes = [8, 512], strides = [1, 1]} : vector<1024x512xf32> to vector<8x512xf32>
    %add3A_136 = arith.addf %add3A_134, %slice3A_135 : vector<8x512xf32>
    %slice3A_137 = vector.extract_strided_slice %get3A_1 {offsets = [552, 0], sizes = [8, 512], strides = [1, 1]} : vector<1024x512xf32> to vector<8x512xf32>
    %add3A_138 = arith.addf %add3A_136, %slice3A_137 : vector<8x512xf32>
    %slice3A_139 = vector.extract_strided_slice %get3A_1 {offsets = [560, 0], sizes = [8, 512], strides = [1, 1]} : vector<1024x512xf32> to vector<8x512xf32>
    %add3A_140 = arith.addf %add3A_138, %slice3A_139 : vector<8x512xf32>
    %slice3A_141 = vector.extract_strided_slice %get3A_1 {offsets = [568, 0], sizes = [8, 512], strides = [1, 1]} : vector<1024x512xf32> to vector<8x512xf32>
    %add3A_142 = arith.addf %add3A_140, %slice3A_141 : vector<8x512xf32>
    %slice3A_143 = vector.extract_strided_slice %get3A_1 {offsets = [576, 0], sizes = [8, 512], strides = [1, 1]} : vector<1024x512xf32> to vector<8x512xf32>
    %add3A_144 = arith.addf %add3A_142, %slice3A_143 : vector<8x512xf32>
    %slice3A_145 = vector.extract_strided_slice %get3A_1 {offsets = [584, 0], sizes = [8, 512], strides = [1, 1]} : vector<1024x512xf32> to vector<8x512xf32>
    %add3A_146 = arith.addf %add3A_144, %slice3A_145 : vector<8x512xf32>
    %slice3A_147 = vector.extract_strided_slice %get3A_1 {offsets = [592, 0], sizes = [8, 512], strides = [1, 1]} : vector<1024x512xf32> to vector<8x512xf32>
    %add3A_148 = arith.addf %add3A_146, %slice3A_147 : vector<8x512xf32>
    %slice3A_149 = vector.extract_strided_slice %get3A_1 {offsets = [600, 0], sizes = [8, 512], strides = [1, 1]} : vector<1024x512xf32> to vector<8x512xf32>
    %add3A_150 = arith.addf %add3A_148, %slice3A_149 : vector<8x512xf32>
    %slice3A_151 = vector.extract_strided_slice %get3A_1 {offsets = [608, 0], sizes = [8, 512], strides = [1, 1]} : vector<1024x512xf32> to vector<8x512xf32>
    %add3A_152 = arith.addf %add3A_150, %slice3A_151 : vector<8x512xf32>
    %slice3A_153 = vector.extract_strided_slice %get3A_1 {offsets = [616, 0], sizes = [8, 512], strides = [1, 1]} : vector<1024x512xf32> to vector<8x512xf32>
    %add3A_154 = arith.addf %add3A_152, %slice3A_153 : vector<8x512xf32>
    %slice3A_155 = vector.extract_strided_slice %get3A_1 {offsets = [624, 0], sizes = [8, 512], strides = [1, 1]} : vector<1024x512xf32> to vector<8x512xf32>
    %add3A_156 = arith.addf %add3A_154, %slice3A_155 : vector<8x512xf32>
    %slice3A_157 = vector.extract_strided_slice %get3A_1 {offsets = [632, 0], sizes = [8, 512], strides = [1, 1]} : vector<1024x512xf32> to vector<8x512xf32>
    %add3A_158 = arith.addf %add3A_156, %slice3A_157 : vector<8x512xf32>
    %slice3A_159 = vector.extract_strided_slice %get3A_1 {offsets = [640, 0], sizes = [8, 512], strides = [1, 1]} : vector<1024x512xf32> to vector<8x512xf32>
    %add3A_160 = arith.addf %add3A_158, %slice3A_159 : vector<8x512xf32>
    %slice3A_161 = vector.extract_strided_slice %get3A_1 {offsets = [648, 0], sizes = [8, 512], strides = [1, 1]} : vector<1024x512xf32> to vector<8x512xf32>
    %add3A_162 = arith.addf %add3A_160, %slice3A_161 : vector<8x512xf32>
    %slice3A_163 = vector.extract_strided_slice %get3A_1 {offsets = [656, 0], sizes = [8, 512], strides = [1, 1]} : vector<1024x512xf32> to vector<8x512xf32>
    %add3A_164 = arith.addf %add3A_162, %slice3A_163 : vector<8x512xf32>
    %slice3A_165 = vector.extract_strided_slice %get3A_1 {offsets = [664, 0], sizes = [8, 512], strides = [1, 1]} : vector<1024x512xf32> to vector<8x512xf32>
    %add3A_166 = arith.addf %add3A_164, %slice3A_165 : vector<8x512xf32>
    %slice3A_167 = vector.extract_strided_slice %get3A_1 {offsets = [672, 0], sizes = [8, 512], strides = [1, 1]} : vector<1024x512xf32> to vector<8x512xf32>
    %add3A_168 = arith.addf %add3A_166, %slice3A_167 : vector<8x512xf32>
    %slice3A_169 = vector.extract_strided_slice %get3A_1 {offsets = [680, 0], sizes = [8, 512], strides = [1, 1]} : vector<1024x512xf32> to vector<8x512xf32>
    %add3A_170 = arith.addf %add3A_168, %slice3A_169 : vector<8x512xf32>
    %slice3A_171 = vector.extract_strided_slice %get3A_1 {offsets = [688, 0], sizes = [8, 512], strides = [1, 1]} : vector<1024x512xf32> to vector<8x512xf32>
    %add3A_172 = arith.addf %add3A_170, %slice3A_171 : vector<8x512xf32>
    %slice3A_173 = vector.extract_strided_slice %get3A_1 {offsets = [696, 0], sizes = [8, 512], strides = [1, 1]} : vector<1024x512xf32> to vector<8x512xf32>
    %add3A_174 = arith.addf %add3A_172, %slice3A_173 : vector<8x512xf32>
    %slice3A_175 = vector.extract_strided_slice %get3A_1 {offsets = [704, 0], sizes = [8, 512], strides = [1, 1]} : vector<1024x512xf32> to vector<8x512xf32>
    %add3A_176 = arith.addf %add3A_174, %slice3A_175 : vector<8x512xf32>
    %slice3A_177 = vector.extract_strided_slice %get3A_1 {offsets = [712, 0], sizes = [8, 512], strides = [1, 1]} : vector<1024x512xf32> to vector<8x512xf32>
    %add3A_178 = arith.addf %add3A_176, %slice3A_177 : vector<8x512xf32>
    %slice3A_179 = vector.extract_strided_slice %get3A_1 {offsets = [720, 0], sizes = [8, 512], strides = [1, 1]} : vector<1024x512xf32> to vector<8x512xf32>
    %add3A_180 = arith.addf %add3A_178, %slice3A_179 : vector<8x512xf32>
    %slice3A_181 = vector.extract_strided_slice %get3A_1 {offsets = [728, 0], sizes = [8, 512], strides = [1, 1]} : vector<1024x512xf32> to vector<8x512xf32>
    %add3A_182 = arith.addf %add3A_180, %slice3A_181 : vector<8x512xf32>
    %slice3A_183 = vector.extract_strided_slice %get3A_1 {offsets = [736, 0], sizes = [8, 512], strides = [1, 1]} : vector<1024x512xf32> to vector<8x512xf32>
    %add3A_184 = arith.addf %add3A_182, %slice3A_183 : vector<8x512xf32>
    %slice3A_185 = vector.extract_strided_slice %get3A_1 {offsets = [744, 0], sizes = [8, 512], strides = [1, 1]} : vector<1024x512xf32> to vector<8x512xf32>
    %add3A_186 = arith.addf %add3A_184, %slice3A_185 : vector<8x512xf32>
    %slice3A_187 = vector.extract_strided_slice %get3A_1 {offsets = [752, 0], sizes = [8, 512], strides = [1, 1]} : vector<1024x512xf32> to vector<8x512xf32>
    %add3A_188 = arith.addf %add3A_186, %slice3A_187 : vector<8x512xf32>
    %slice3A_189 = vector.extract_strided_slice %get3A_1 {offsets = [760, 0], sizes = [8, 512], strides = [1, 1]} : vector<1024x512xf32> to vector<8x512xf32>
    %add3A_190 = arith.addf %add3A_188, %slice3A_189 : vector<8x512xf32>
    %slice3A_191 = vector.extract_strided_slice %get3A_1 {offsets = [768, 0], sizes = [8, 512], strides = [1, 1]} : vector<1024x512xf32> to vector<8x512xf32>
    %add3A_192 = arith.addf %add3A_190, %slice3A_191 : vector<8x512xf32>
    %slice3A_193 = vector.extract_strided_slice %get3A_1 {offsets = [776, 0], sizes = [8, 512], strides = [1, 1]} : vector<1024x512xf32> to vector<8x512xf32>
    %add3A_194 = arith.addf %add3A_192, %slice3A_193 : vector<8x512xf32>
    %slice3A_195 = vector.extract_strided_slice %get3A_1 {offsets = [784, 0], sizes = [8, 512], strides = [1, 1]} : vector<1024x512xf32> to vector<8x512xf32>
    %add3A_196 = arith.addf %add3A_194, %slice3A_195 : vector<8x512xf32>
    %slice3A_197 = vector.extract_strided_slice %get3A_1 {offsets = [792, 0], sizes = [8, 512], strides = [1, 1]} : vector<1024x512xf32> to vector<8x512xf32>
    %add3A_198 = arith.addf %add3A_196, %slice3A_197 : vector<8x512xf32>
    %slice3A_199 = vector.extract_strided_slice %get3A_1 {offsets = [800, 0], sizes = [8, 512], strides = [1, 1]} : vector<1024x512xf32> to vector<8x512xf32>
    %add3A_200 = arith.addf %add3A_198, %slice3A_199 : vector<8x512xf32>
    %slice3A_201 = vector.extract_strided_slice %get3A_1 {offsets = [808, 0], sizes = [8, 512], strides = [1, 1]} : vector<1024x512xf32> to vector<8x512xf32>
    %add3A_202 = arith.addf %add3A_200, %slice3A_201 : vector<8x512xf32>
    %slice3A_203 = vector.extract_strided_slice %get3A_1 {offsets = [816, 0], sizes = [8, 512], strides = [1, 1]} : vector<1024x512xf32> to vector<8x512xf32>
    %add3A_204 = arith.addf %add3A_202, %slice3A_203 : vector<8x512xf32>
    %slice3A_205 = vector.extract_strided_slice %get3A_1 {offsets = [824, 0], sizes = [8, 512], strides = [1, 1]} : vector<1024x512xf32> to vector<8x512xf32>
    %add3A_206 = arith.addf %add3A_204, %slice3A_205 : vector<8x512xf32>
    %slice3A_207 = vector.extract_strided_slice %get3A_1 {offsets = [832, 0], sizes = [8, 512], strides = [1, 1]} : vector<1024x512xf32> to vector<8x512xf32>
    %add3A_208 = arith.addf %add3A_206, %slice3A_207 : vector<8x512xf32>
    %slice3A_209 = vector.extract_strided_slice %get3A_1 {offsets = [840, 0], sizes = [8, 512], strides = [1, 1]} : vector<1024x512xf32> to vector<8x512xf32>
    %add3A_210 = arith.addf %add3A_208, %slice3A_209 : vector<8x512xf32>
    %slice3A_211 = vector.extract_strided_slice %get3A_1 {offsets = [848, 0], sizes = [8, 512], strides = [1, 1]} : vector<1024x512xf32> to vector<8x512xf32>
    %add3A_212 = arith.addf %add3A_210, %slice3A_211 : vector<8x512xf32>
    %slice3A_213 = vector.extract_strided_slice %get3A_1 {offsets = [856, 0], sizes = [8, 512], strides = [1, 1]} : vector<1024x512xf32> to vector<8x512xf32>
    %add3A_214 = arith.addf %add3A_212, %slice3A_213 : vector<8x512xf32>
    %slice3A_215 = vector.extract_strided_slice %get3A_1 {offsets = [864, 0], sizes = [8, 512], strides = [1, 1]} : vector<1024x512xf32> to vector<8x512xf32>
    %add3A_216 = arith.addf %add3A_214, %slice3A_215 : vector<8x512xf32>
    %slice3A_217 = vector.extract_strided_slice %get3A_1 {offsets = [872, 0], sizes = [8, 512], strides = [1, 1]} : vector<1024x512xf32> to vector<8x512xf32>
    %add3A_218 = arith.addf %add3A_216, %slice3A_217 : vector<8x512xf32>
    %slice3A_219 = vector.extract_strided_slice %get3A_1 {offsets = [880, 0], sizes = [8, 512], strides = [1, 1]} : vector<1024x512xf32> to vector<8x512xf32>
    %add3A_220 = arith.addf %add3A_218, %slice3A_219 : vector<8x512xf32>
    %slice3A_221 = vector.extract_strided_slice %get3A_1 {offsets = [888, 0], sizes = [8, 512], strides = [1, 1]} : vector<1024x512xf32> to vector<8x512xf32>
    %add3A_222 = arith.addf %add3A_220, %slice3A_221 : vector<8x512xf32>
    %slice3A_223 = vector.extract_strided_slice %get3A_1 {offsets = [896, 0], sizes = [8, 512], strides = [1, 1]} : vector<1024x512xf32> to vector<8x512xf32>
    %add3A_224 = arith.addf %add3A_222, %slice3A_223 : vector<8x512xf32>
    %slice3A_225 = vector.extract_strided_slice %get3A_1 {offsets = [904, 0], sizes = [8, 512], strides = [1, 1]} : vector<1024x512xf32> to vector<8x512xf32>
    %add3A_226 = arith.addf %add3A_224, %slice3A_225 : vector<8x512xf32>
    %slice3A_227 = vector.extract_strided_slice %get3A_1 {offsets = [912, 0], sizes = [8, 512], strides = [1, 1]} : vector<1024x512xf32> to vector<8x512xf32>
    %add3A_228 = arith.addf %add3A_226, %slice3A_227 : vector<8x512xf32>
    %slice3A_229 = vector.extract_strided_slice %get3A_1 {offsets = [920, 0], sizes = [8, 512], strides = [1, 1]} : vector<1024x512xf32> to vector<8x512xf32>
    %add3A_230 = arith.addf %add3A_228, %slice3A_229 : vector<8x512xf32>
    %slice3A_231 = vector.extract_strided_slice %get3A_1 {offsets = [928, 0], sizes = [8, 512], strides = [1, 1]} : vector<1024x512xf32> to vector<8x512xf32>
    %add3A_232 = arith.addf %add3A_230, %slice3A_231 : vector<8x512xf32>
    %slice3A_233 = vector.extract_strided_slice %get3A_1 {offsets = [936, 0], sizes = [8, 512], strides = [1, 1]} : vector<1024x512xf32> to vector<8x512xf32>
    %add3A_234 = arith.addf %add3A_232, %slice3A_233 : vector<8x512xf32>
    %slice3A_235 = vector.extract_strided_slice %get3A_1 {offsets = [944, 0], sizes = [8, 512], strides = [1, 1]} : vector<1024x512xf32> to vector<8x512xf32>
    %add3A_236 = arith.addf %add3A_234, %slice3A_235 : vector<8x512xf32>
    %slice3A_237 = vector.extract_strided_slice %get3A_1 {offsets = [952, 0], sizes = [8, 512], strides = [1, 1]} : vector<1024x512xf32> to vector<8x512xf32>
    %add3A_238 = arith.addf %add3A_236, %slice3A_237 : vector<8x512xf32>
    %slice3A_239 = vector.extract_strided_slice %get3A_1 {offsets = [960, 0], sizes = [8, 512], strides = [1, 1]} : vector<1024x512xf32> to vector<8x512xf32>
    %add3A_240 = arith.addf %add3A_238, %slice3A_239 : vector<8x512xf32>
    %slice3A_241 = vector.extract_strided_slice %get3A_1 {offsets = [968, 0], sizes = [8, 512], strides = [1, 1]} : vector<1024x512xf32> to vector<8x512xf32>
    %add3A_242 = arith.addf %add3A_240, %slice3A_241 : vector<8x512xf32>
    %slice3A_243 = vector.extract_strided_slice %get3A_1 {offsets = [976, 0], sizes = [8, 512], strides = [1, 1]} : vector<1024x512xf32> to vector<8x512xf32>
    %add3A_244 = arith.addf %add3A_242, %slice3A_243 : vector<8x512xf32>
    %slice3A_245 = vector.extract_strided_slice %get3A_1 {offsets = [984, 0], sizes = [8, 512], strides = [1, 1]} : vector<1024x512xf32> to vector<8x512xf32>
    %add3A_246 = arith.addf %add3A_244, %slice3A_245 : vector<8x512xf32>
    %slice3A_247 = vector.extract_strided_slice %get3A_1 {offsets = [992, 0], sizes = [8, 512], strides = [1, 1]} : vector<1024x512xf32> to vector<8x512xf32>
    %add3A_248 = arith.addf %add3A_246, %slice3A_247 : vector<8x512xf32>
    %slice3A_249 = vector.extract_strided_slice %get3A_1 {offsets = [1000, 0], sizes = [8, 512], strides = [1, 1]} : vector<1024x512xf32> to vector<8x512xf32>
    %add3A_250 = arith.addf %add3A_248, %slice3A_249 : vector<8x512xf32>
    %slice3A_251 = vector.extract_strided_slice %get3A_1 {offsets = [1008, 0], sizes = [8, 512], strides = [1, 1]} : vector<1024x512xf32> to vector<8x512xf32>
    %add3A_252 = arith.addf %add3A_250, %slice3A_251 : vector<8x512xf32>
    %slice3A_253 = vector.extract_strided_slice %get3A_1 {offsets = [1016, 0], sizes = [8, 512], strides = [1, 1]} : vector<1024x512xf32> to vector<8x512xf32>
    %add3A_254 = arith.addf %add3A_252, %slice3A_253 : vector<8x512xf32>
    %slice3A_255 = vector.extract_strided_slice %add3A_254 {offsets = [0, 0], sizes = [4, 512], strides = [1, 1]} : vector<8x512xf32> to vector<4x512xf32>
    %slice3A_256 = vector.extract_strided_slice %add3A_254 {offsets = [4, 0], sizes = [4, 512], strides = [1, 1]} : vector<8x512xf32> to vector<4x512xf32>
    %add3A_257 = arith.addf %slice3A_255, %slice3A_256 : vector<4x512xf32>
    %slice3A_258 = vector.extract_strided_slice %add3A_257 {offsets = [0, 0], sizes = [2, 512], strides = [1, 1]} : vector<4x512xf32> to vector<2x512xf32>
    %slice3A_259 = vector.extract_strided_slice %add3A_257 {offsets = [2, 0], sizes = [2, 512], strides = [1, 1]} : vector<4x512xf32> to vector<2x512xf32>
    %add3A_260 = arith.addf %slice3A_258, %slice3A_259 : vector<2x512xf32>
    %slice3A_261 = vector.extract_strided_slice %add3A_260 {offsets = [0, 0], sizes = [1, 512], strides = [1, 1]} : vector<2x512xf32> to vector<1x512xf32>
    %slice3A_262 = vector.extract_strided_slice %add3A_260 {offsets = [1, 0], sizes = [1, 512], strides = [1, 1]} : vector<2x512xf32> to vector<1x512xf32>
    %add3A_263 = arith.addf %slice3A_261, %slice3A_262 : vector<1x512xf32>
    %div3A = arith.constant 1.024000e+03 : f32
    %div3A_264 = vector.broadcast %div3A : f32 to vector<1x512xf32>
    %div3A_265 = arith.divf %add3A_263, %div3A_264 : vector<1x512xf32>
    %sub3A = vector.broadcast %div3A_265 : vector<1x512xf32> to vector<1024x512xf32>
    %sub3A_266 = arith.subf %get3A_1, %sub3A : vector<1024x512xf32>
    %mul3A = arith.mulf %sub3A_266, %sub3A_266 : vector<1024x512xf32>
    %slice3A_267 = vector.extract_strided_slice %mul3A {offsets = [0, 0], sizes = [8, 512], strides = [1, 1]} : vector<1024x512xf32> to vector<8x512xf32>
    %slice3A_268 = vector.extract_strided_slice %mul3A {offsets = [8, 0], sizes = [8, 512], strides = [1, 1]} : vector<1024x512xf32> to vector<8x512xf32>
    %add3A_269 = arith.addf %slice3A_267, %slice3A_268 : vector<8x512xf32>
    %slice3A_270 = vector.extract_strided_slice %mul3A {offsets = [16, 0], sizes = [8, 512], strides = [1, 1]} : vector<1024x512xf32> to vector<8x512xf32>
    %add3A_271 = arith.addf %add3A_269, %slice3A_270 : vector<8x512xf32>
    %slice3A_272 = vector.extract_strided_slice %mul3A {offsets = [24, 0], sizes = [8, 512], strides = [1, 1]} : vector<1024x512xf32> to vector<8x512xf32>
    %add3A_273 = arith.addf %add3A_271, %slice3A_272 : vector<8x512xf32>
    %slice3A_274 = vector.extract_strided_slice %mul3A {offsets = [32, 0], sizes = [8, 512], strides = [1, 1]} : vector<1024x512xf32> to vector<8x512xf32>
    %add3A_275 = arith.addf %add3A_273, %slice3A_274 : vector<8x512xf32>
    %slice3A_276 = vector.extract_strided_slice %mul3A {offsets = [40, 0], sizes = [8, 512], strides = [1, 1]} : vector<1024x512xf32> to vector<8x512xf32>
    %add3A_277 = arith.addf %add3A_275, %slice3A_276 : vector<8x512xf32>
    %slice3A_278 = vector.extract_strided_slice %mul3A {offsets = [48, 0], sizes = [8, 512], strides = [1, 1]} : vector<1024x512xf32> to vector<8x512xf32>
    %add3A_279 = arith.addf %add3A_277, %slice3A_278 : vector<8x512xf32>
    %slice3A_280 = vector.extract_strided_slice %mul3A {offsets = [56, 0], sizes = [8, 512], strides = [1, 1]} : vector<1024x512xf32> to vector<8x512xf32>
    %add3A_281 = arith.addf %add3A_279, %slice3A_280 : vector<8x512xf32>
    %slice3A_282 = vector.extract_strided_slice %mul3A {offsets = [64, 0], sizes = [8, 512], strides = [1, 1]} : vector<1024x512xf32> to vector<8x512xf32>
    %add3A_283 = arith.addf %add3A_281, %slice3A_282 : vector<8x512xf32>
    %slice3A_284 = vector.extract_strided_slice %mul3A {offsets = [72, 0], sizes = [8, 512], strides = [1, 1]} : vector<1024x512xf32> to vector<8x512xf32>
    %add3A_285 = arith.addf %add3A_283, %slice3A_284 : vector<8x512xf32>
    %slice3A_286 = vector.extract_strided_slice %mul3A {offsets = [80, 0], sizes = [8, 512], strides = [1, 1]} : vector<1024x512xf32> to vector<8x512xf32>
    %add3A_287 = arith.addf %add3A_285, %slice3A_286 : vector<8x512xf32>
    %slice3A_288 = vector.extract_strided_slice %mul3A {offsets = [88, 0], sizes = [8, 512], strides = [1, 1]} : vector<1024x512xf32> to vector<8x512xf32>
    %add3A_289 = arith.addf %add3A_287, %slice3A_288 : vector<8x512xf32>
    %slice3A_290 = vector.extract_strided_slice %mul3A {offsets = [96, 0], sizes = [8, 512], strides = [1, 1]} : vector<1024x512xf32> to vector<8x512xf32>
    %add3A_291 = arith.addf %add3A_289, %slice3A_290 : vector<8x512xf32>
    %slice3A_292 = vector.extract_strided_slice %mul3A {offsets = [104, 0], sizes = [8, 512], strides = [1, 1]} : vector<1024x512xf32> to vector<8x512xf32>
    %add3A_293 = arith.addf %add3A_291, %slice3A_292 : vector<8x512xf32>
    %slice3A_294 = vector.extract_strided_slice %mul3A {offsets = [112, 0], sizes = [8, 512], strides = [1, 1]} : vector<1024x512xf32> to vector<8x512xf32>
    %add3A_295 = arith.addf %add3A_293, %slice3A_294 : vector<8x512xf32>
    %slice3A_296 = vector.extract_strided_slice %mul3A {offsets = [120, 0], sizes = [8, 512], strides = [1, 1]} : vector<1024x512xf32> to vector<8x512xf32>
    %add3A_297 = arith.addf %add3A_295, %slice3A_296 : vector<8x512xf32>
    %slice3A_298 = vector.extract_strided_slice %mul3A {offsets = [128, 0], sizes = [8, 512], strides = [1, 1]} : vector<1024x512xf32> to vector<8x512xf32>
    %add3A_299 = arith.addf %add3A_297, %slice3A_298 : vector<8x512xf32>
    %slice3A_300 = vector.extract_strided_slice %mul3A {offsets = [136, 0], sizes = [8, 512], strides = [1, 1]} : vector<1024x512xf32> to vector<8x512xf32>
    %add3A_301 = arith.addf %add3A_299, %slice3A_300 : vector<8x512xf32>
    %slice3A_302 = vector.extract_strided_slice %mul3A {offsets = [144, 0], sizes = [8, 512], strides = [1, 1]} : vector<1024x512xf32> to vector<8x512xf32>
    %add3A_303 = arith.addf %add3A_301, %slice3A_302 : vector<8x512xf32>
    %slice3A_304 = vector.extract_strided_slice %mul3A {offsets = [152, 0], sizes = [8, 512], strides = [1, 1]} : vector<1024x512xf32> to vector<8x512xf32>
    %add3A_305 = arith.addf %add3A_303, %slice3A_304 : vector<8x512xf32>
    %slice3A_306 = vector.extract_strided_slice %mul3A {offsets = [160, 0], sizes = [8, 512], strides = [1, 1]} : vector<1024x512xf32> to vector<8x512xf32>
    %add3A_307 = arith.addf %add3A_305, %slice3A_306 : vector<8x512xf32>
    %slice3A_308 = vector.extract_strided_slice %mul3A {offsets = [168, 0], sizes = [8, 512], strides = [1, 1]} : vector<1024x512xf32> to vector<8x512xf32>
    %add3A_309 = arith.addf %add3A_307, %slice3A_308 : vector<8x512xf32>
    %slice3A_310 = vector.extract_strided_slice %mul3A {offsets = [176, 0], sizes = [8, 512], strides = [1, 1]} : vector<1024x512xf32> to vector<8x512xf32>
    %add3A_311 = arith.addf %add3A_309, %slice3A_310 : vector<8x512xf32>
    %slice3A_312 = vector.extract_strided_slice %mul3A {offsets = [184, 0], sizes = [8, 512], strides = [1, 1]} : vector<1024x512xf32> to vector<8x512xf32>
    %add3A_313 = arith.addf %add3A_311, %slice3A_312 : vector<8x512xf32>
    %slice3A_314 = vector.extract_strided_slice %mul3A {offsets = [192, 0], sizes = [8, 512], strides = [1, 1]} : vector<1024x512xf32> to vector<8x512xf32>
    %add3A_315 = arith.addf %add3A_313, %slice3A_314 : vector<8x512xf32>
    %slice3A_316 = vector.extract_strided_slice %mul3A {offsets = [200, 0], sizes = [8, 512], strides = [1, 1]} : vector<1024x512xf32> to vector<8x512xf32>
    %add3A_317 = arith.addf %add3A_315, %slice3A_316 : vector<8x512xf32>
    %slice3A_318 = vector.extract_strided_slice %mul3A {offsets = [208, 0], sizes = [8, 512], strides = [1, 1]} : vector<1024x512xf32> to vector<8x512xf32>
    %add3A_319 = arith.addf %add3A_317, %slice3A_318 : vector<8x512xf32>
    %slice3A_320 = vector.extract_strided_slice %mul3A {offsets = [216, 0], sizes = [8, 512], strides = [1, 1]} : vector<1024x512xf32> to vector<8x512xf32>
    %add3A_321 = arith.addf %add3A_319, %slice3A_320 : vector<8x512xf32>
    %slice3A_322 = vector.extract_strided_slice %mul3A {offsets = [224, 0], sizes = [8, 512], strides = [1, 1]} : vector<1024x512xf32> to vector<8x512xf32>
    %add3A_323 = arith.addf %add3A_321, %slice3A_322 : vector<8x512xf32>
    %slice3A_324 = vector.extract_strided_slice %mul3A {offsets = [232, 0], sizes = [8, 512], strides = [1, 1]} : vector<1024x512xf32> to vector<8x512xf32>
    %add3A_325 = arith.addf %add3A_323, %slice3A_324 : vector<8x512xf32>
    %slice3A_326 = vector.extract_strided_slice %mul3A {offsets = [240, 0], sizes = [8, 512], strides = [1, 1]} : vector<1024x512xf32> to vector<8x512xf32>
    %add3A_327 = arith.addf %add3A_325, %slice3A_326 : vector<8x512xf32>
    %slice3A_328 = vector.extract_strided_slice %mul3A {offsets = [248, 0], sizes = [8, 512], strides = [1, 1]} : vector<1024x512xf32> to vector<8x512xf32>
    %add3A_329 = arith.addf %add3A_327, %slice3A_328 : vector<8x512xf32>
    %slice3A_330 = vector.extract_strided_slice %mul3A {offsets = [256, 0], sizes = [8, 512], strides = [1, 1]} : vector<1024x512xf32> to vector<8x512xf32>
    %add3A_331 = arith.addf %add3A_329, %slice3A_330 : vector<8x512xf32>
    %slice3A_332 = vector.extract_strided_slice %mul3A {offsets = [264, 0], sizes = [8, 512], strides = [1, 1]} : vector<1024x512xf32> to vector<8x512xf32>
    %add3A_333 = arith.addf %add3A_331, %slice3A_332 : vector<8x512xf32>
    %slice3A_334 = vector.extract_strided_slice %mul3A {offsets = [272, 0], sizes = [8, 512], strides = [1, 1]} : vector<1024x512xf32> to vector<8x512xf32>
    %add3A_335 = arith.addf %add3A_333, %slice3A_334 : vector<8x512xf32>
    %slice3A_336 = vector.extract_strided_slice %mul3A {offsets = [280, 0], sizes = [8, 512], strides = [1, 1]} : vector<1024x512xf32> to vector<8x512xf32>
    %add3A_337 = arith.addf %add3A_335, %slice3A_336 : vector<8x512xf32>
    %slice3A_338 = vector.extract_strided_slice %mul3A {offsets = [288, 0], sizes = [8, 512], strides = [1, 1]} : vector<1024x512xf32> to vector<8x512xf32>
    %add3A_339 = arith.addf %add3A_337, %slice3A_338 : vector<8x512xf32>
    %slice3A_340 = vector.extract_strided_slice %mul3A {offsets = [296, 0], sizes = [8, 512], strides = [1, 1]} : vector<1024x512xf32> to vector<8x512xf32>
    %add3A_341 = arith.addf %add3A_339, %slice3A_340 : vector<8x512xf32>
    %slice3A_342 = vector.extract_strided_slice %mul3A {offsets = [304, 0], sizes = [8, 512], strides = [1, 1]} : vector<1024x512xf32> to vector<8x512xf32>
    %add3A_343 = arith.addf %add3A_341, %slice3A_342 : vector<8x512xf32>
    %slice3A_344 = vector.extract_strided_slice %mul3A {offsets = [312, 0], sizes = [8, 512], strides = [1, 1]} : vector<1024x512xf32> to vector<8x512xf32>
    %add3A_345 = arith.addf %add3A_343, %slice3A_344 : vector<8x512xf32>
    %slice3A_346 = vector.extract_strided_slice %mul3A {offsets = [320, 0], sizes = [8, 512], strides = [1, 1]} : vector<1024x512xf32> to vector<8x512xf32>
    %add3A_347 = arith.addf %add3A_345, %slice3A_346 : vector<8x512xf32>
    %slice3A_348 = vector.extract_strided_slice %mul3A {offsets = [328, 0], sizes = [8, 512], strides = [1, 1]} : vector<1024x512xf32> to vector<8x512xf32>
    %add3A_349 = arith.addf %add3A_347, %slice3A_348 : vector<8x512xf32>
    %slice3A_350 = vector.extract_strided_slice %mul3A {offsets = [336, 0], sizes = [8, 512], strides = [1, 1]} : vector<1024x512xf32> to vector<8x512xf32>
    %add3A_351 = arith.addf %add3A_349, %slice3A_350 : vector<8x512xf32>
    %slice3A_352 = vector.extract_strided_slice %mul3A {offsets = [344, 0], sizes = [8, 512], strides = [1, 1]} : vector<1024x512xf32> to vector<8x512xf32>
    %add3A_353 = arith.addf %add3A_351, %slice3A_352 : vector<8x512xf32>
    %slice3A_354 = vector.extract_strided_slice %mul3A {offsets = [352, 0], sizes = [8, 512], strides = [1, 1]} : vector<1024x512xf32> to vector<8x512xf32>
    %add3A_355 = arith.addf %add3A_353, %slice3A_354 : vector<8x512xf32>
    %slice3A_356 = vector.extract_strided_slice %mul3A {offsets = [360, 0], sizes = [8, 512], strides = [1, 1]} : vector<1024x512xf32> to vector<8x512xf32>
    %add3A_357 = arith.addf %add3A_355, %slice3A_356 : vector<8x512xf32>
    %slice3A_358 = vector.extract_strided_slice %mul3A {offsets = [368, 0], sizes = [8, 512], strides = [1, 1]} : vector<1024x512xf32> to vector<8x512xf32>
    %add3A_359 = arith.addf %add3A_357, %slice3A_358 : vector<8x512xf32>
    %slice3A_360 = vector.extract_strided_slice %mul3A {offsets = [376, 0], sizes = [8, 512], strides = [1, 1]} : vector<1024x512xf32> to vector<8x512xf32>
    %add3A_361 = arith.addf %add3A_359, %slice3A_360 : vector<8x512xf32>
    %slice3A_362 = vector.extract_strided_slice %mul3A {offsets = [384, 0], sizes = [8, 512], strides = [1, 1]} : vector<1024x512xf32> to vector<8x512xf32>
    %add3A_363 = arith.addf %add3A_361, %slice3A_362 : vector<8x512xf32>
    %slice3A_364 = vector.extract_strided_slice %mul3A {offsets = [392, 0], sizes = [8, 512], strides = [1, 1]} : vector<1024x512xf32> to vector<8x512xf32>
    %add3A_365 = arith.addf %add3A_363, %slice3A_364 : vector<8x512xf32>
    %slice3A_366 = vector.extract_strided_slice %mul3A {offsets = [400, 0], sizes = [8, 512], strides = [1, 1]} : vector<1024x512xf32> to vector<8x512xf32>
    %add3A_367 = arith.addf %add3A_365, %slice3A_366 : vector<8x512xf32>
    %slice3A_368 = vector.extract_strided_slice %mul3A {offsets = [408, 0], sizes = [8, 512], strides = [1, 1]} : vector<1024x512xf32> to vector<8x512xf32>
    %add3A_369 = arith.addf %add3A_367, %slice3A_368 : vector<8x512xf32>
    %slice3A_370 = vector.extract_strided_slice %mul3A {offsets = [416, 0], sizes = [8, 512], strides = [1, 1]} : vector<1024x512xf32> to vector<8x512xf32>
    %add3A_371 = arith.addf %add3A_369, %slice3A_370 : vector<8x512xf32>
    %slice3A_372 = vector.extract_strided_slice %mul3A {offsets = [424, 0], sizes = [8, 512], strides = [1, 1]} : vector<1024x512xf32> to vector<8x512xf32>
    %add3A_373 = arith.addf %add3A_371, %slice3A_372 : vector<8x512xf32>
    %slice3A_374 = vector.extract_strided_slice %mul3A {offsets = [432, 0], sizes = [8, 512], strides = [1, 1]} : vector<1024x512xf32> to vector<8x512xf32>
    %add3A_375 = arith.addf %add3A_373, %slice3A_374 : vector<8x512xf32>
    %slice3A_376 = vector.extract_strided_slice %mul3A {offsets = [440, 0], sizes = [8, 512], strides = [1, 1]} : vector<1024x512xf32> to vector<8x512xf32>
    %add3A_377 = arith.addf %add3A_375, %slice3A_376 : vector<8x512xf32>
    %slice3A_378 = vector.extract_strided_slice %mul3A {offsets = [448, 0], sizes = [8, 512], strides = [1, 1]} : vector<1024x512xf32> to vector<8x512xf32>
    %add3A_379 = arith.addf %add3A_377, %slice3A_378 : vector<8x512xf32>
    %slice3A_380 = vector.extract_strided_slice %mul3A {offsets = [456, 0], sizes = [8, 512], strides = [1, 1]} : vector<1024x512xf32> to vector<8x512xf32>
    %add3A_381 = arith.addf %add3A_379, %slice3A_380 : vector<8x512xf32>
    %slice3A_382 = vector.extract_strided_slice %mul3A {offsets = [464, 0], sizes = [8, 512], strides = [1, 1]} : vector<1024x512xf32> to vector<8x512xf32>
    %add3A_383 = arith.addf %add3A_381, %slice3A_382 : vector<8x512xf32>
    %slice3A_384 = vector.extract_strided_slice %mul3A {offsets = [472, 0], sizes = [8, 512], strides = [1, 1]} : vector<1024x512xf32> to vector<8x512xf32>
    %add3A_385 = arith.addf %add3A_383, %slice3A_384 : vector<8x512xf32>
    %slice3A_386 = vector.extract_strided_slice %mul3A {offsets = [480, 0], sizes = [8, 512], strides = [1, 1]} : vector<1024x512xf32> to vector<8x512xf32>
    %add3A_387 = arith.addf %add3A_385, %slice3A_386 : vector<8x512xf32>
    %slice3A_388 = vector.extract_strided_slice %mul3A {offsets = [488, 0], sizes = [8, 512], strides = [1, 1]} : vector<1024x512xf32> to vector<8x512xf32>
    %add3A_389 = arith.addf %add3A_387, %slice3A_388 : vector<8x512xf32>
    %slice3A_390 = vector.extract_strided_slice %mul3A {offsets = [496, 0], sizes = [8, 512], strides = [1, 1]} : vector<1024x512xf32> to vector<8x512xf32>
    %add3A_391 = arith.addf %add3A_389, %slice3A_390 : vector<8x512xf32>
    %slice3A_392 = vector.extract_strided_slice %mul3A {offsets = [504, 0], sizes = [8, 512], strides = [1, 1]} : vector<1024x512xf32> to vector<8x512xf32>
    %add3A_393 = arith.addf %add3A_391, %slice3A_392 : vector<8x512xf32>
    %slice3A_394 = vector.extract_strided_slice %mul3A {offsets = [512, 0], sizes = [8, 512], strides = [1, 1]} : vector<1024x512xf32> to vector<8x512xf32>
    %add3A_395 = arith.addf %add3A_393, %slice3A_394 : vector<8x512xf32>
    %slice3A_396 = vector.extract_strided_slice %mul3A {offsets = [520, 0], sizes = [8, 512], strides = [1, 1]} : vector<1024x512xf32> to vector<8x512xf32>
    %add3A_397 = arith.addf %add3A_395, %slice3A_396 : vector<8x512xf32>
    %slice3A_398 = vector.extract_strided_slice %mul3A {offsets = [528, 0], sizes = [8, 512], strides = [1, 1]} : vector<1024x512xf32> to vector<8x512xf32>
    %add3A_399 = arith.addf %add3A_397, %slice3A_398 : vector<8x512xf32>
    %slice3A_400 = vector.extract_strided_slice %mul3A {offsets = [536, 0], sizes = [8, 512], strides = [1, 1]} : vector<1024x512xf32> to vector<8x512xf32>
    %add3A_401 = arith.addf %add3A_399, %slice3A_400 : vector<8x512xf32>
    %slice3A_402 = vector.extract_strided_slice %mul3A {offsets = [544, 0], sizes = [8, 512], strides = [1, 1]} : vector<1024x512xf32> to vector<8x512xf32>
    %add3A_403 = arith.addf %add3A_401, %slice3A_402 : vector<8x512xf32>
    %slice3A_404 = vector.extract_strided_slice %mul3A {offsets = [552, 0], sizes = [8, 512], strides = [1, 1]} : vector<1024x512xf32> to vector<8x512xf32>
    %add3A_405 = arith.addf %add3A_403, %slice3A_404 : vector<8x512xf32>
    %slice3A_406 = vector.extract_strided_slice %mul3A {offsets = [560, 0], sizes = [8, 512], strides = [1, 1]} : vector<1024x512xf32> to vector<8x512xf32>
    %add3A_407 = arith.addf %add3A_405, %slice3A_406 : vector<8x512xf32>
    %slice3A_408 = vector.extract_strided_slice %mul3A {offsets = [568, 0], sizes = [8, 512], strides = [1, 1]} : vector<1024x512xf32> to vector<8x512xf32>
    %add3A_409 = arith.addf %add3A_407, %slice3A_408 : vector<8x512xf32>
    %slice3A_410 = vector.extract_strided_slice %mul3A {offsets = [576, 0], sizes = [8, 512], strides = [1, 1]} : vector<1024x512xf32> to vector<8x512xf32>
    %add3A_411 = arith.addf %add3A_409, %slice3A_410 : vector<8x512xf32>
    %slice3A_412 = vector.extract_strided_slice %mul3A {offsets = [584, 0], sizes = [8, 512], strides = [1, 1]} : vector<1024x512xf32> to vector<8x512xf32>
    %add3A_413 = arith.addf %add3A_411, %slice3A_412 : vector<8x512xf32>
    %slice3A_414 = vector.extract_strided_slice %mul3A {offsets = [592, 0], sizes = [8, 512], strides = [1, 1]} : vector<1024x512xf32> to vector<8x512xf32>
    %add3A_415 = arith.addf %add3A_413, %slice3A_414 : vector<8x512xf32>
    %slice3A_416 = vector.extract_strided_slice %mul3A {offsets = [600, 0], sizes = [8, 512], strides = [1, 1]} : vector<1024x512xf32> to vector<8x512xf32>
    %add3A_417 = arith.addf %add3A_415, %slice3A_416 : vector<8x512xf32>
    %slice3A_418 = vector.extract_strided_slice %mul3A {offsets = [608, 0], sizes = [8, 512], strides = [1, 1]} : vector<1024x512xf32> to vector<8x512xf32>
    %add3A_419 = arith.addf %add3A_417, %slice3A_418 : vector<8x512xf32>
    %slice3A_420 = vector.extract_strided_slice %mul3A {offsets = [616, 0], sizes = [8, 512], strides = [1, 1]} : vector<1024x512xf32> to vector<8x512xf32>
    %add3A_421 = arith.addf %add3A_419, %slice3A_420 : vector<8x512xf32>
    %slice3A_422 = vector.extract_strided_slice %mul3A {offsets = [624, 0], sizes = [8, 512], strides = [1, 1]} : vector<1024x512xf32> to vector<8x512xf32>
    %add3A_423 = arith.addf %add3A_421, %slice3A_422 : vector<8x512xf32>
    %slice3A_424 = vector.extract_strided_slice %mul3A {offsets = [632, 0], sizes = [8, 512], strides = [1, 1]} : vector<1024x512xf32> to vector<8x512xf32>
    %add3A_425 = arith.addf %add3A_423, %slice3A_424 : vector<8x512xf32>
    %slice3A_426 = vector.extract_strided_slice %mul3A {offsets = [640, 0], sizes = [8, 512], strides = [1, 1]} : vector<1024x512xf32> to vector<8x512xf32>
    %add3A_427 = arith.addf %add3A_425, %slice3A_426 : vector<8x512xf32>
    %slice3A_428 = vector.extract_strided_slice %mul3A {offsets = [648, 0], sizes = [8, 512], strides = [1, 1]} : vector<1024x512xf32> to vector<8x512xf32>
    %add3A_429 = arith.addf %add3A_427, %slice3A_428 : vector<8x512xf32>
    %slice3A_430 = vector.extract_strided_slice %mul3A {offsets = [656, 0], sizes = [8, 512], strides = [1, 1]} : vector<1024x512xf32> to vector<8x512xf32>
    %add3A_431 = arith.addf %add3A_429, %slice3A_430 : vector<8x512xf32>
    %slice3A_432 = vector.extract_strided_slice %mul3A {offsets = [664, 0], sizes = [8, 512], strides = [1, 1]} : vector<1024x512xf32> to vector<8x512xf32>
    %add3A_433 = arith.addf %add3A_431, %slice3A_432 : vector<8x512xf32>
    %slice3A_434 = vector.extract_strided_slice %mul3A {offsets = [672, 0], sizes = [8, 512], strides = [1, 1]} : vector<1024x512xf32> to vector<8x512xf32>
    %add3A_435 = arith.addf %add3A_433, %slice3A_434 : vector<8x512xf32>
    %slice3A_436 = vector.extract_strided_slice %mul3A {offsets = [680, 0], sizes = [8, 512], strides = [1, 1]} : vector<1024x512xf32> to vector<8x512xf32>
    %add3A_437 = arith.addf %add3A_435, %slice3A_436 : vector<8x512xf32>
    %slice3A_438 = vector.extract_strided_slice %mul3A {offsets = [688, 0], sizes = [8, 512], strides = [1, 1]} : vector<1024x512xf32> to vector<8x512xf32>
    %add3A_439 = arith.addf %add3A_437, %slice3A_438 : vector<8x512xf32>
    %slice3A_440 = vector.extract_strided_slice %mul3A {offsets = [696, 0], sizes = [8, 512], strides = [1, 1]} : vector<1024x512xf32> to vector<8x512xf32>
    %add3A_441 = arith.addf %add3A_439, %slice3A_440 : vector<8x512xf32>
    %slice3A_442 = vector.extract_strided_slice %mul3A {offsets = [704, 0], sizes = [8, 512], strides = [1, 1]} : vector<1024x512xf32> to vector<8x512xf32>
    %add3A_443 = arith.addf %add3A_441, %slice3A_442 : vector<8x512xf32>
    %slice3A_444 = vector.extract_strided_slice %mul3A {offsets = [712, 0], sizes = [8, 512], strides = [1, 1]} : vector<1024x512xf32> to vector<8x512xf32>
    %add3A_445 = arith.addf %add3A_443, %slice3A_444 : vector<8x512xf32>
    %slice3A_446 = vector.extract_strided_slice %mul3A {offsets = [720, 0], sizes = [8, 512], strides = [1, 1]} : vector<1024x512xf32> to vector<8x512xf32>
    %add3A_447 = arith.addf %add3A_445, %slice3A_446 : vector<8x512xf32>
    %slice3A_448 = vector.extract_strided_slice %mul3A {offsets = [728, 0], sizes = [8, 512], strides = [1, 1]} : vector<1024x512xf32> to vector<8x512xf32>
    %add3A_449 = arith.addf %add3A_447, %slice3A_448 : vector<8x512xf32>
    %slice3A_450 = vector.extract_strided_slice %mul3A {offsets = [736, 0], sizes = [8, 512], strides = [1, 1]} : vector<1024x512xf32> to vector<8x512xf32>
    %add3A_451 = arith.addf %add3A_449, %slice3A_450 : vector<8x512xf32>
    %slice3A_452 = vector.extract_strided_slice %mul3A {offsets = [744, 0], sizes = [8, 512], strides = [1, 1]} : vector<1024x512xf32> to vector<8x512xf32>
    %add3A_453 = arith.addf %add3A_451, %slice3A_452 : vector<8x512xf32>
    %slice3A_454 = vector.extract_strided_slice %mul3A {offsets = [752, 0], sizes = [8, 512], strides = [1, 1]} : vector<1024x512xf32> to vector<8x512xf32>
    %add3A_455 = arith.addf %add3A_453, %slice3A_454 : vector<8x512xf32>
    %slice3A_456 = vector.extract_strided_slice %mul3A {offsets = [760, 0], sizes = [8, 512], strides = [1, 1]} : vector<1024x512xf32> to vector<8x512xf32>
    %add3A_457 = arith.addf %add3A_455, %slice3A_456 : vector<8x512xf32>
    %slice3A_458 = vector.extract_strided_slice %mul3A {offsets = [768, 0], sizes = [8, 512], strides = [1, 1]} : vector<1024x512xf32> to vector<8x512xf32>
    %add3A_459 = arith.addf %add3A_457, %slice3A_458 : vector<8x512xf32>
    %slice3A_460 = vector.extract_strided_slice %mul3A {offsets = [776, 0], sizes = [8, 512], strides = [1, 1]} : vector<1024x512xf32> to vector<8x512xf32>
    %add3A_461 = arith.addf %add3A_459, %slice3A_460 : vector<8x512xf32>
    %slice3A_462 = vector.extract_strided_slice %mul3A {offsets = [784, 0], sizes = [8, 512], strides = [1, 1]} : vector<1024x512xf32> to vector<8x512xf32>
    %add3A_463 = arith.addf %add3A_461, %slice3A_462 : vector<8x512xf32>
    %slice3A_464 = vector.extract_strided_slice %mul3A {offsets = [792, 0], sizes = [8, 512], strides = [1, 1]} : vector<1024x512xf32> to vector<8x512xf32>
    %add3A_465 = arith.addf %add3A_463, %slice3A_464 : vector<8x512xf32>
    %slice3A_466 = vector.extract_strided_slice %mul3A {offsets = [800, 0], sizes = [8, 512], strides = [1, 1]} : vector<1024x512xf32> to vector<8x512xf32>
    %add3A_467 = arith.addf %add3A_465, %slice3A_466 : vector<8x512xf32>
    %slice3A_468 = vector.extract_strided_slice %mul3A {offsets = [808, 0], sizes = [8, 512], strides = [1, 1]} : vector<1024x512xf32> to vector<8x512xf32>
    %add3A_469 = arith.addf %add3A_467, %slice3A_468 : vector<8x512xf32>
    %slice3A_470 = vector.extract_strided_slice %mul3A {offsets = [816, 0], sizes = [8, 512], strides = [1, 1]} : vector<1024x512xf32> to vector<8x512xf32>
    %add3A_471 = arith.addf %add3A_469, %slice3A_470 : vector<8x512xf32>
    %slice3A_472 = vector.extract_strided_slice %mul3A {offsets = [824, 0], sizes = [8, 512], strides = [1, 1]} : vector<1024x512xf32> to vector<8x512xf32>
    %add3A_473 = arith.addf %add3A_471, %slice3A_472 : vector<8x512xf32>
    %slice3A_474 = vector.extract_strided_slice %mul3A {offsets = [832, 0], sizes = [8, 512], strides = [1, 1]} : vector<1024x512xf32> to vector<8x512xf32>
    %add3A_475 = arith.addf %add3A_473, %slice3A_474 : vector<8x512xf32>
    %slice3A_476 = vector.extract_strided_slice %mul3A {offsets = [840, 0], sizes = [8, 512], strides = [1, 1]} : vector<1024x512xf32> to vector<8x512xf32>
    %add3A_477 = arith.addf %add3A_475, %slice3A_476 : vector<8x512xf32>
    %slice3A_478 = vector.extract_strided_slice %mul3A {offsets = [848, 0], sizes = [8, 512], strides = [1, 1]} : vector<1024x512xf32> to vector<8x512xf32>
    %add3A_479 = arith.addf %add3A_477, %slice3A_478 : vector<8x512xf32>
    %slice3A_480 = vector.extract_strided_slice %mul3A {offsets = [856, 0], sizes = [8, 512], strides = [1, 1]} : vector<1024x512xf32> to vector<8x512xf32>
    %add3A_481 = arith.addf %add3A_479, %slice3A_480 : vector<8x512xf32>
    %slice3A_482 = vector.extract_strided_slice %mul3A {offsets = [864, 0], sizes = [8, 512], strides = [1, 1]} : vector<1024x512xf32> to vector<8x512xf32>
    %add3A_483 = arith.addf %add3A_481, %slice3A_482 : vector<8x512xf32>
    %slice3A_484 = vector.extract_strided_slice %mul3A {offsets = [872, 0], sizes = [8, 512], strides = [1, 1]} : vector<1024x512xf32> to vector<8x512xf32>
    %add3A_485 = arith.addf %add3A_483, %slice3A_484 : vector<8x512xf32>
    %slice3A_486 = vector.extract_strided_slice %mul3A {offsets = [880, 0], sizes = [8, 512], strides = [1, 1]} : vector<1024x512xf32> to vector<8x512xf32>
    %add3A_487 = arith.addf %add3A_485, %slice3A_486 : vector<8x512xf32>
    %slice3A_488 = vector.extract_strided_slice %mul3A {offsets = [888, 0], sizes = [8, 512], strides = [1, 1]} : vector<1024x512xf32> to vector<8x512xf32>
    %add3A_489 = arith.addf %add3A_487, %slice3A_488 : vector<8x512xf32>
    %slice3A_490 = vector.extract_strided_slice %mul3A {offsets = [896, 0], sizes = [8, 512], strides = [1, 1]} : vector<1024x512xf32> to vector<8x512xf32>
    %add3A_491 = arith.addf %add3A_489, %slice3A_490 : vector<8x512xf32>
    %slice3A_492 = vector.extract_strided_slice %mul3A {offsets = [904, 0], sizes = [8, 512], strides = [1, 1]} : vector<1024x512xf32> to vector<8x512xf32>
    %add3A_493 = arith.addf %add3A_491, %slice3A_492 : vector<8x512xf32>
    %slice3A_494 = vector.extract_strided_slice %mul3A {offsets = [912, 0], sizes = [8, 512], strides = [1, 1]} : vector<1024x512xf32> to vector<8x512xf32>
    %add3A_495 = arith.addf %add3A_493, %slice3A_494 : vector<8x512xf32>
    %slice3A_496 = vector.extract_strided_slice %mul3A {offsets = [920, 0], sizes = [8, 512], strides = [1, 1]} : vector<1024x512xf32> to vector<8x512xf32>
    %add3A_497 = arith.addf %add3A_495, %slice3A_496 : vector<8x512xf32>
    %slice3A_498 = vector.extract_strided_slice %mul3A {offsets = [928, 0], sizes = [8, 512], strides = [1, 1]} : vector<1024x512xf32> to vector<8x512xf32>
    %add3A_499 = arith.addf %add3A_497, %slice3A_498 : vector<8x512xf32>
    %slice3A_500 = vector.extract_strided_slice %mul3A {offsets = [936, 0], sizes = [8, 512], strides = [1, 1]} : vector<1024x512xf32> to vector<8x512xf32>
    %add3A_501 = arith.addf %add3A_499, %slice3A_500 : vector<8x512xf32>
    %slice3A_502 = vector.extract_strided_slice %mul3A {offsets = [944, 0], sizes = [8, 512], strides = [1, 1]} : vector<1024x512xf32> to vector<8x512xf32>
    %add3A_503 = arith.addf %add3A_501, %slice3A_502 : vector<8x512xf32>
    %slice3A_504 = vector.extract_strided_slice %mul3A {offsets = [952, 0], sizes = [8, 512], strides = [1, 1]} : vector<1024x512xf32> to vector<8x512xf32>
    %add3A_505 = arith.addf %add3A_503, %slice3A_504 : vector<8x512xf32>
    %slice3A_506 = vector.extract_strided_slice %mul3A {offsets = [960, 0], sizes = [8, 512], strides = [1, 1]} : vector<1024x512xf32> to vector<8x512xf32>
    %add3A_507 = arith.addf %add3A_505, %slice3A_506 : vector<8x512xf32>
    %slice3A_508 = vector.extract_strided_slice %mul3A {offsets = [968, 0], sizes = [8, 512], strides = [1, 1]} : vector<1024x512xf32> to vector<8x512xf32>
    %add3A_509 = arith.addf %add3A_507, %slice3A_508 : vector<8x512xf32>
    %slice3A_510 = vector.extract_strided_slice %mul3A {offsets = [976, 0], sizes = [8, 512], strides = [1, 1]} : vector<1024x512xf32> to vector<8x512xf32>
    %add3A_511 = arith.addf %add3A_509, %slice3A_510 : vector<8x512xf32>
    %slice3A_512 = vector.extract_strided_slice %mul3A {offsets = [984, 0], sizes = [8, 512], strides = [1, 1]} : vector<1024x512xf32> to vector<8x512xf32>
    %add3A_513 = arith.addf %add3A_511, %slice3A_512 : vector<8x512xf32>
    %slice3A_514 = vector.extract_strided_slice %mul3A {offsets = [992, 0], sizes = [8, 512], strides = [1, 1]} : vector<1024x512xf32> to vector<8x512xf32>
    %add3A_515 = arith.addf %add3A_513, %slice3A_514 : vector<8x512xf32>
    %slice3A_516 = vector.extract_strided_slice %mul3A {offsets = [1000, 0], sizes = [8, 512], strides = [1, 1]} : vector<1024x512xf32> to vector<8x512xf32>
    %add3A_517 = arith.addf %add3A_515, %slice3A_516 : vector<8x512xf32>
    %slice3A_518 = vector.extract_strided_slice %mul3A {offsets = [1008, 0], sizes = [8, 512], strides = [1, 1]} : vector<1024x512xf32> to vector<8x512xf32>
    %add3A_519 = arith.addf %add3A_517, %slice3A_518 : vector<8x512xf32>
    %slice3A_520 = vector.extract_strided_slice %mul3A {offsets = [1016, 0], sizes = [8, 512], strides = [1, 1]} : vector<1024x512xf32> to vector<8x512xf32>
    %add3A_521 = arith.addf %add3A_519, %slice3A_520 : vector<8x512xf32>
    %slice3A_522 = vector.extract_strided_slice %add3A_521 {offsets = [0, 0], sizes = [4, 512], strides = [1, 1]} : vector<8x512xf32> to vector<4x512xf32>
    %slice3A_523 = vector.extract_strided_slice %add3A_521 {offsets = [4, 0], sizes = [4, 512], strides = [1, 1]} : vector<8x512xf32> to vector<4x512xf32>
    %add3A_524 = arith.addf %slice3A_522, %slice3A_523 : vector<4x512xf32>
    %slice3A_525 = vector.extract_strided_slice %add3A_524 {offsets = [0, 0], sizes = [2, 512], strides = [1, 1]} : vector<4x512xf32> to vector<2x512xf32>
    %slice3A_526 = vector.extract_strided_slice %add3A_524 {offsets = [2, 0], sizes = [2, 512], strides = [1, 1]} : vector<4x512xf32> to vector<2x512xf32>
    %add3A_527 = arith.addf %slice3A_525, %slice3A_526 : vector<2x512xf32>
    %slice3A_528 = vector.extract_strided_slice %add3A_527 {offsets = [0, 0], sizes = [1, 512], strides = [1, 1]} : vector<2x512xf32> to vector<1x512xf32>
    %slice3A_529 = vector.extract_strided_slice %add3A_527 {offsets = [1, 0], sizes = [1, 512], strides = [1, 1]} : vector<2x512xf32> to vector<1x512xf32>
    %add3A_530 = arith.addf %slice3A_528, %slice3A_529 : vector<1x512xf32>
    %div3A_531 = arith.constant 1.024000e+03 : f32
    %div3A_532 = vector.broadcast %div3A_531 : f32 to vector<1x512xf32>
    %div3A_533 = arith.divf %add3A_530, %div3A_532 : vector<1x512xf32>
    %swap3A = arith.constant 0 : index
    %swap3A_534 = arith.constant 0 : index
    %swap3A_535 = vector.load %arg2[%swap3A, %swap3A_534] : memref<1x512xf32, #tpu.memory_space<vmem>>, vector<1x512xf32>
    tpu.vector_store %arg2[%swap3A, %swap3A_534], %div3A_265 {strides = array<i32>} : memref<1x512xf32, #tpu.memory_space<vmem>>, vector<1x512xf32>,
    %swap3A_536 = arith.constant 0 : index
    %swap3A_537 = arith.constant 0 : index
    %swap3A_538 = vector.load %arg3[%swap3A_536, %swap3A_537] : memref<1x512xf32, #tpu.memory_space<vmem>>, vector<1x512xf32>
    tpu.vector_store %arg3[%swap3A_536, %swap3A_537], %div3A_533 {strides = array<i32>} : memref<1x512xf32, #tpu.memory_space<vmem>>, vector<1x512xf32>,
    return
  }
  func.func @transform_0(%arg0: i32) -> (i32, i32) {
    %c0_i32 = arith.constant 0 : i32
    %c0_i32_0 = arith.constant 0 : i32
    return %c0_i32, %arg0 : i32, i32
  }
  func.func @transform_1(%arg0: i32) -> (i32, i32) {
    %c0_i32 = arith.constant 0 : i32
    %c0_i32_0 = arith.constant 0 : i32
    return %c0_i32, %arg0 : i32, i32
  }
  func.func @transform_2(%arg0: i32) -> (i32, i32) {
    %c0_i32 = arith.constant 0 : i32
    %c0_i32_0 = arith.constant 0 : i32
    return %c0_i32, %arg0 : i32, i32
  }
}

module attributes {stable_mosaic.version = 14 : i64} {
  func.func @_k4b_body(%arg0: i32, %arg1: memref<512x1024xf32, #tpu.memory_space<vmem>>, %arg2: memref<512x1xf32, #tpu.memory_space<vmem>>, %arg3: memref<512x1xf32, #tpu.memory_space<vmem>>, %arg4: memref<1x1024xf32, #tpu.memory_space<vmem>>, %arg5: memref<1x1024xf32, #tpu.memory_space<vmem>>, %arg6: memref<1024x128xf32, #tpu.memory_space<vmem>>, %arg7: memref<1x128xf32, #tpu.memory_space<vmem>>, %arg8: memref<512x128xf32, #tpu.memory_space<vmem>>, %arg9: memref<1x128xf32, #tpu.memory_space<vmem>>, %arg10: memref<1x128xf32, #tpu.memory_space<vmem>>) attributes {dimension_semantics = [#tpu.dimension_semantics<arbitrary>], iteration_bounds = array<i64: 8>, scalar_prefetch = 0 : i64, scratch_operands = 0 : i64, tpu.core_type = #tpu.core_type<tc>, window_params = [{transform_indices = @transform_0, window_bounds = array<i64: 512, 1024>}, {transform_indices = @transform_1, window_bounds = array<i64: 512, 1>}, {transform_indices = @transform_2, window_bounds = array<i64: 512, 1>}, {pipeline_mode = #tpu.pipeline_mode<synchronous>, transform_indices = @transform_3, window_bounds = array<i64: 1, 1024>}, {pipeline_mode = #tpu.pipeline_mode<synchronous>, transform_indices = @transform_4, window_bounds = array<i64: 1, 1024>}, {pipeline_mode = #tpu.pipeline_mode<synchronous>, transform_indices = @transform_5, window_bounds = array<i64: 1024, 128>}, {pipeline_mode = #tpu.pipeline_mode<synchronous>, transform_indices = @transform_6, window_bounds = array<i64: 1, 128>}, {transform_indices = @transform_7, window_bounds = array<i64: 512, 128>}, {pipeline_mode = #tpu.pipeline_mode<synchronous>, transform_indices = @transform_8, window_bounds = array<i64: 1, 128>}, {pipeline_mode = #tpu.pipeline_mode<synchronous>, transform_indices = @transform_9, window_bounds = array<i64: 1, 128>}]} {
    %get3A = arith.constant 0 : index
    %get3A_0 = arith.constant 0 : index
    %get3A_1 = vector.load %arg1[%get3A, %get3A_0] : memref<512x1024xf32, #tpu.memory_space<vmem>>, vector<512x1024xf32>
    %get3A_2 = arith.constant 0 : index
    %get3A_3 = arith.constant 0 : index
    %get3A_4 = vector.load %arg2[%get3A_2, %get3A_3] : memref<512x1xf32, #tpu.memory_space<vmem>>, vector<512x1xf32>
    %sub3A = vector.broadcast %get3A_4 : vector<512x1xf32> to vector<512x1024xf32>
    %sub3A_5 = arith.subf %get3A_1, %sub3A : vector<512x1024xf32>
    %get3A_6 = arith.constant 0 : index
    %get3A_7 = arith.constant 0 : index
    %get3A_8 = vector.load %arg3[%get3A_6, %get3A_7] : memref<512x1xf32, #tpu.memory_space<vmem>>, vector<512x1xf32>
    %add3A = arith.constant 9.99999974E-6 : f32
    %add3A_9 = vector.broadcast %add3A : f32 to vector<512x1xf32>
    %add3A_10 = arith.addf %get3A_8, %add3A_9 : vector<512x1xf32>
    %sqrt3A = math.sqrt %add3A_10 : vector<512x1xf32>
    %div3A = vector.broadcast %sqrt3A : vector<512x1xf32> to vector<512x1024xf32>
    %div3A_11 = arith.divf %sub3A_5, %div3A : vector<512x1024xf32>
    %get3A_12 = arith.constant 0 : index
    %get3A_13 = arith.constant 0 : index
    %get3A_14 = vector.load %arg4[%get3A_12, %get3A_13] : memref<1x1024xf32, #tpu.memory_space<vmem>>, vector<1x1024xf32>
    %mul3A = vector.broadcast %get3A_14 : vector<1x1024xf32> to vector<512x1024xf32>
    %mul3A_15 = arith.mulf %div3A_11, %mul3A : vector<512x1024xf32>
    %get3A_16 = arith.constant 0 : index
    %get3A_17 = arith.constant 0 : index
    %get3A_18 = vector.load %arg5[%get3A_16, %get3A_17] : memref<1x1024xf32, #tpu.memory_space<vmem>>, vector<1x1024xf32>
    %add3A_19 = vector.broadcast %get3A_18 : vector<1x1024xf32> to vector<512x1024xf32>
    %add3A_20 = arith.addf %mul3A_15, %add3A_19 : vector<512x1024xf32>
    %get3A_21 = arith.constant 0 : index
    %get3A_22 = arith.constant 0 : index
    %get3A_23 = vector.load %arg6[%get3A_21, %get3A_22] : memref<1024x128xf32, #tpu.memory_space<vmem>>, vector<1024x128xf32>
    %dot_general3A = arith.constant dense<0.000000e+00> : vector<512x128xf32>
    %dot_general3A_24 = tpu.matmul %add3A_20, %get3A_23, %dot_general3A {dimension_numbers = #tpu.dot_dimension_numbers<[1], [0], [0], [1], [0, 0, 1, 1], [], []>, transpose_lhs_hint = false} : vector<512x1024xf32>, vector<1024x128xf32>, vector<512x128xf32> -> vector<512x128xf32>
    %get3A_25 = arith.constant 0 : index
    %get3A_26 = arith.constant 0 : index
    %get3A_27 = vector.load %arg7[%get3A_25, %get3A_26] : memref<1x128xf32, #tpu.memory_space<vmem>>, vector<1x128xf32>
    %add3A_28 = vector.broadcast %get3A_27 : vector<1x128xf32> to vector<512x128xf32>
    %add3A_29 = arith.addf %dot_general3A_24, %add3A_28 : vector<512x128xf32>
    %iota3A = tpu.iota {dimensions = array<i32: 1>} : vector<512x128xi32>
    %lt3A = arith.constant 7 : i32
    %lt3A_30 = vector.broadcast %lt3A : i32 to vector<512x128xi32>
    %lt3A_31 = arith.cmpi slt, %iota3A, %lt3A_30 : vector<512x128xi32>
    %jit3A = arith.constant -1.000000e+30 : f32
    %broadcast_in_dim3A = vector.broadcast %jit3A : f32 to vector<512x128xf32>
    %select_n3A = arith.select %lt3A_31, %add3A_29, %broadcast_in_dim3A : vector<512x128xi1>, vector<512x128xf32>
    %reduce_max3A = arith.constant dense<0xFF800000> : vector<512xf32>
    %reduce_max3A_32 = vector.multi_reduction <maximumf>, %select_n3A, %reduce_max3A [1] : vector<512x128xf32> to vector<512xf32>
    %broadcast_in_dim3A_33 = vector.shape_cast %reduce_max3A_32 : vector<512xf32> to vector<512x1xf32>
    %sub3A_34 = vector.broadcast %broadcast_in_dim3A_33 : vector<512x1xf32> to vector<512x128xf32>
    %sub3A_35 = arith.subf %select_n3A, %sub3A_34 : vector<512x128xf32>
    %exp3A = math.exp %sub3A_35 : vector<512x128xf32>
    %jit3A_36 = arith.constant 0.000000e+00 : f32
    %broadcast_in_dim3A_37 = vector.broadcast %jit3A_36 : f32 to vector<512x128xf32>
    %select_n3A_38 = arith.select %lt3A_31, %exp3A, %broadcast_in_dim3A_37 : vector<512x128xi1>, vector<512x128xf32>
    %reduce_sum3A = arith.constant dense<0.000000e+00> : vector<512xf32>
    %reduce_sum3A_39 = vector.multi_reduction <add>, %select_n3A_38, %reduce_sum3A [1] : vector<512x128xf32> to vector<512xf32>
    %broadcast_in_dim3A_40 = vector.shape_cast %reduce_sum3A_39 : vector<512xf32> to vector<512x1xf32>
    %div3A_41 = vector.broadcast %broadcast_in_dim3A_40 : vector<512x1xf32> to vector<512x128xf32>
    %div3A_42 = arith.divf %select_n3A_38, %div3A_41 : vector<512x128xf32>
    %jit3A_43 = arith.constant -1.000000e+00 : f32
    %broadcast_in_dim3A_44 = vector.broadcast %jit3A_43 : f32 to vector<512x128xf32>
    %select_n3A_45 = arith.select %lt3A_31, %div3A_42, %broadcast_in_dim3A_44 : vector<512x128xi1>, vector<512x128xf32>
    %argmax3A = tpu.reduce_index %select_n3A_45 {axis = 1 : i32, kind = #tpu.reduction_kind<arg_max>} : vector<512x128xf32> -> vector<512xi32>
    %broadcast_in_dim3A_46 = vector.shape_cast %argmax3A : vector<512xi32> to vector<512x1xi32>
    %eq3A = vector.broadcast %broadcast_in_dim3A_46 : vector<512x1xi32> to vector<512x128xi32>
    %eq3A_47 = arith.cmpi eq, %iota3A, %eq3A : vector<512x128xi32>
    %reduce_max3A_48 = arith.constant dense<0xFF800000> : vector<512xf32>
    %reduce_max3A_49 = vector.multi_reduction <maximumf>, %select_n3A_45, %reduce_max3A_48 [1] : vector<512x128xf32> to vector<512xf32>
    %broadcast_in_dim3A_50 = vector.shape_cast %reduce_max3A_49 : vector<512xf32> to vector<512x1xf32>
    %jit3A_51 = arith.constant -1.000000e+00 : f32
    %broadcast_in_dim3A_52 = vector.broadcast %jit3A_51 : f32 to vector<512x128xf32>
    %select_n3A_53 = arith.select %eq3A_47, %broadcast_in_dim3A_52, %select_n3A_45 : vector<512x128xi1>, vector<512x128xf32>
    %argmax3A_54 = tpu.reduce_index %select_n3A_53 {axis = 1 : i32, kind = #tpu.reduction_kind<arg_max>} : vector<512x128xf32> -> vector<512xi32>
    %broadcast_in_dim3A_55 = vector.shape_cast %argmax3A_54 : vector<512xi32> to vector<512x1xi32>
    %eq3A_56 = vector.broadcast %broadcast_in_dim3A_55 : vector<512x1xi32> to vector<512x128xi32>
    %eq3A_57 = arith.cmpi eq, %iota3A, %eq3A_56 : vector<512x128xi32>
    %reduce_max3A_58 = arith.constant dense<0xFF800000> : vector<512xf32>
    %reduce_max3A_59 = vector.multi_reduction <maximumf>, %select_n3A_53, %reduce_max3A_58 [1] : vector<512x128xf32> to vector<512xf32>
    %broadcast_in_dim3A_60 = vector.shape_cast %reduce_max3A_59 : vector<512xf32> to vector<512x1xf32>
    %jit3A_61 = arith.constant 0.000000e+00 : f32
    %broadcast_in_dim3A_62 = vector.shape_cast %broadcast_in_dim3A_50 : vector<512x1xf32> to vector<512x1xf32>
    %broadcast_in_dim3A_63 = vector.broadcast %broadcast_in_dim3A_62 : vector<512x1xf32> to vector<512x128xf32>
    %broadcast_in_dim3A_64 = vector.broadcast %jit3A_61 : f32 to vector<512x128xf32>
    %select_n3A_65 = arith.select %eq3A_47, %broadcast_in_dim3A_63, %broadcast_in_dim3A_64 : vector<512x128xi1>, vector<512x128xf32>
    %jit3A_66 = arith.constant 0.000000e+00 : f32
    %broadcast_in_dim3A_67 = vector.shape_cast %broadcast_in_dim3A_60 : vector<512x1xf32> to vector<512x1xf32>
    %broadcast_in_dim3A_68 = vector.broadcast %broadcast_in_dim3A_67 : vector<512x1xf32> to vector<512x128xf32>
    %broadcast_in_dim3A_69 = vector.broadcast %jit3A_66 : f32 to vector<512x128xf32>
    %select_n3A_70 = arith.select %eq3A_57, %broadcast_in_dim3A_68, %broadcast_in_dim3A_69 : vector<512x128xi1>, vector<512x128xf32>
    %add3A_71 = arith.addf %select_n3A_65, %select_n3A_70 : vector<512x128xf32>
    %swap3A = arith.constant 0 : index
    %swap3A_72 = arith.constant 0 : index
    %swap3A_73 = vector.load %arg8[%swap3A, %swap3A_72] : memref<512x128xf32, #tpu.memory_space<vmem>>, vector<512x128xf32>
    tpu.vector_store %arg8[%swap3A, %swap3A_72], %add3A_71 {strides = array<i32>} : memref<512x128xf32, #tpu.memory_space<vmem>>, vector<512x128xf32>,
    %reduce_sum3A_74 = arith.constant dense<0.000000e+00> : vector<128xf32>
    %reduce_sum3A_75 = vector.multi_reduction <add>, %div3A_42, %reduce_sum3A_74 [0] : vector<512x128xf32> to vector<128xf32>
    %broadcast_in_dim3A_76 = vector.shape_cast %reduce_sum3A_75 : vector<128xf32> to vector<1x128xf32>
    %gt3A = arith.constant 0.000000e+00 : f32
    %gt3A_77 = vector.broadcast %gt3A : f32 to vector<512x128xf32>
    %gt3A_78 = arith.cmpf ogt, %add3A_71, %gt3A_77 : vector<512x128xf32>
    %convert_element_type3A = arith.extui %gt3A_78 : vector<512x128xi1> to vector<512x128xi32>
    %convert_element_type3A_79 = arith.sitofp %convert_element_type3A : vector<512x128xi32> to vector<512x128xf32>
    %reduce_sum3A_80 = arith.constant dense<0.000000e+00> : vector<128xf32>
    %reduce_sum3A_81 = vector.multi_reduction <add>, %convert_element_type3A_79, %reduce_sum3A_80 [0] : vector<512x128xf32> to vector<128xf32>
    %broadcast_in_dim3A_82 = vector.shape_cast %reduce_sum3A_81 : vector<128xf32> to vector<1x128xf32>
    %eq3A_83 = arith.constant 0 : i32
    %eq3A_84 = arith.cmpi eq, %arg0, %eq3A_83 : i32
    %convert_element_type3A_85 = arith.extui %eq3A_84 : i1 to i32
    %cond3A = arith.constant 0 : i32
    %cond3A_86 = arith.cmpi ne, %convert_element_type3A_85, %cond3A : i32
    scf.if %cond3A_86 {
      %broadcast_in_dim3A_101 = arith.constant 0.000000e+00 : f32
      %broadcast_in_dim3A_102 = vector.broadcast %broadcast_in_dim3A_101 : f32 to vector<1x128xf32>
      %swap3A_103 = arith.constant 0 : index
      %swap3A_104 = arith.constant 0 : index
      %swap3A_105 = vector.load %arg9[%swap3A_103, %swap3A_104] : memref<1x128xf32, #tpu.memory_space<vmem>>, vector<1x128xf32>
      tpu.vector_store %arg9[%swap3A_103, %swap3A_104], %broadcast_in_dim3A_102 {strides = array<i32>} : memref<1x128xf32, #tpu.memory_space<vmem>>, vector<1x128xf32>,
      %broadcast_in_dim3A_106 = arith.constant 0.000000e+00 : f32
      %broadcast_in_dim3A_107 = vector.broadcast %broadcast_in_dim3A_106 : f32 to vector<1x128xf32>
      %swap3A_108 = arith.constant 0 : index
      %swap3A_109 = arith.constant 0 : index
      %swap3A_110 = vector.load %arg10[%swap3A_108, %swap3A_109] : memref<1x128xf32, #tpu.memory_space<vmem>>, vector<1x128xf32>
      tpu.vector_store %arg10[%swap3A_108, %swap3A_109], %broadcast_in_dim3A_107 {strides = array<i32>} : memref<1x128xf32, #tpu.memory_space<vmem>>, vector<1x128xf32>,
    } else {
    }
    %get3A_87 = arith.constant 0 : index
    %get3A_88 = arith.constant 0 : index
    %get3A_89 = vector.load %arg9[%get3A_87, %get3A_88] : memref<1x128xf32, #tpu.memory_space<vmem>>, vector<1x128xf32>
    %add3A_90 = arith.addf %get3A_89, %broadcast_in_dim3A_76 : vector<1x128xf32>
    %swap3A_91 = arith.constant 0 : index
    %swap3A_92 = arith.constant 0 : index
    %swap3A_93 = vector.load %arg9[%swap3A_91, %swap3A_92] : memref<1x128xf32, #tpu.memory_space<vmem>>, vector<1x128xf32>
    tpu.vector_store %arg9[%swap3A_91, %swap3A_92], %add3A_90 {strides = array<i32>} : memref<1x128xf32, #tpu.memory_space<vmem>>, vector<1x128xf32>,
    %get3A_94 = arith.constant 0 : index
    %get3A_95 = arith.constant 0 : index
    %get3A_96 = vector.load %arg10[%get3A_94, %get3A_95] : memref<1x128xf32, #tpu.memory_space<vmem>>, vector<1x128xf32>
    %add3A_97 = arith.addf %get3A_96, %broadcast_in_dim3A_82 : vector<1x128xf32>
    %swap3A_98 = arith.constant 0 : index
    %swap3A_99 = arith.constant 0 : index
    %swap3A_100 = vector.load %arg10[%swap3A_98, %swap3A_99] : memref<1x128xf32, #tpu.memory_space<vmem>>, vector<1x128xf32>
    tpu.vector_store %arg10[%swap3A_98, %swap3A_99], %add3A_97 {strides = array<i32>} : memref<1x128xf32, #tpu.memory_space<vmem>>, vector<1x128xf32>,
    return
  }
  func.func @transform_0(%arg0: i32) -> (i32, i32) {
    %c0_i32 = arith.constant 0 : i32
    %c0_i32_0 = arith.constant 0 : i32
    return %arg0, %c0_i32 : i32, i32
  }
  func.func @transform_1(%arg0: i32) -> (i32, i32) {
    %c0_i32 = arith.constant 0 : i32
    %c0_i32_0 = arith.constant 0 : i32
    return %arg0, %c0_i32 : i32, i32
  }
  func.func @transform_2(%arg0: i32) -> (i32, i32) {
    %c0_i32 = arith.constant 0 : i32
    %c0_i32_0 = arith.constant 0 : i32
    return %arg0, %c0_i32 : i32, i32
  }
  func.func @transform_3(%arg0: i32) -> (i32, i32) {
    %c0_i32 = arith.constant 0 : i32
    %c0_i32_0 = arith.constant 0 : i32
    %c0_i32_1 = arith.constant 0 : i32
    return %c0_i32, %c0_i32_0 : i32, i32
  }
  func.func @transform_4(%arg0: i32) -> (i32, i32) {
    %c0_i32 = arith.constant 0 : i32
    %c0_i32_0 = arith.constant 0 : i32
    %c0_i32_1 = arith.constant 0 : i32
    return %c0_i32, %c0_i32_0 : i32, i32
  }
  func.func @transform_5(%arg0: i32) -> (i32, i32) {
    %c0_i32 = arith.constant 0 : i32
    %c0_i32_0 = arith.constant 0 : i32
    %c0_i32_1 = arith.constant 0 : i32
    return %c0_i32, %c0_i32_0 : i32, i32
  }
  func.func @transform_6(%arg0: i32) -> (i32, i32) {
    %c0_i32 = arith.constant 0 : i32
    %c0_i32_0 = arith.constant 0 : i32
    %c0_i32_1 = arith.constant 0 : i32
    return %c0_i32, %c0_i32_0 : i32, i32
  }
  func.func @transform_7(%arg0: i32) -> (i32, i32) {
    %c0_i32 = arith.constant 0 : i32
    %c0_i32_0 = arith.constant 0 : i32
    return %arg0, %c0_i32 : i32, i32
  }
  func.func @transform_8(%arg0: i32) -> (i32, i32) {
    %c0_i32 = arith.constant 0 : i32
    %c0_i32_0 = arith.constant 0 : i32
    %c0_i32_1 = arith.constant 0 : i32
    return %c0_i32, %c0_i32_0 : i32, i32
  }
  func.func @transform_9(%arg0: i32) -> (i32, i32) {
    %c0_i32 = arith.constant 0 : i32
    %c0_i32_0 = arith.constant 0 : i32
    %c0_i32_1 = arith.constant 0 : i32
    return %c0_i32, %c0_i32_0 : i32, i32
  }
}

module attributes {stable_mosaic.version = 14 : i64} {
  func.func @_k5_body(%arg0: i32, %arg1: i32, %arg2: i32, %arg3: memref<512x1024xf32, #tpu.memory_space<vmem>>, %arg4: memref<1x1024x1024xf32, #tpu.memory_space<vmem>>, %arg5: memref<1x1x1024xf32, #tpu.memory_space<vmem>>, %arg6: memref<1x1024x1024xf32, #tpu.memory_space<vmem>>, %arg7: memref<1x1x1024xf32, #tpu.memory_space<vmem>>, %arg8: memref<512x8xf32, #tpu.memory_space<vmem>>, %arg9: memref<512x1024xf32, #tpu.memory_space<vmem>>) attributes {dimension_semantics = [#tpu.dimension_semantics<arbitrary>, #tpu.dimension_semantics<arbitrary>, #tpu.dimension_semantics<arbitrary>], iteration_bounds = array<i64: 8, 7, 4>, scalar_prefetch = 0 : i64, scratch_operands = 0 : i64, tpu.core_type = #tpu.core_type<tc>, window_params = [{transform_indices = @transform_0, window_bounds = array<i64: 512, 1024>}, {transform_indices = @transform_1, window_bounds = array<i64: 1, 1024, 1024>}, {transform_indices = @transform_2, window_bounds = array<i64: 1, 1, 1024>}, {transform_indices = @transform_3, window_bounds = array<i64: 1, 1024, 1024>}, {transform_indices = @transform_4, window_bounds = array<i64: 1, 1, 1024>}, {transform_indices = @transform_5, window_bounds = array<i64: 512, 8>}, {transform_indices = @transform_6, window_bounds = array<i64: 512, 1024>}]} {
    %iota3A = tpu.iota {dimensions = array<i32: 1>} : vector<512x8xi32>
    %eq3A = vector.broadcast %arg1 : i32 to vector<512x8xi32>
    %eq3A_0 = arith.cmpi eq, %iota3A, %eq3A : vector<512x8xi32>
    %get3A = arith.constant 0 : index
    %get3A_1 = arith.constant 0 : index
    %get3A_2 = vector.load %arg8[%get3A, %get3A_1] : memref<512x8xf32, #tpu.memory_space<vmem>>, vector<512x8xf32>
    %jit3A = arith.constant 0.000000e+00 : f32
    %broadcast_in_dim3A = vector.broadcast %jit3A : f32 to vector<512x8xf32>
    %select_n3A = arith.select %eq3A_0, %get3A_2, %broadcast_in_dim3A : vector<512x8xi1>, vector<512x8xf32>
    %reduce_sum3A = arith.constant dense<0.000000e+00> : vector<512xf32>
    %reduce_sum3A_3 = vector.multi_reduction <add>, %select_n3A, %reduce_sum3A [1] : vector<512x8xf32> to vector<512xf32>
    %broadcast_in_dim3A_4 = vector.shape_cast %reduce_sum3A_3 : vector<512xf32> to vector<512x1xf32>
    %eq3A_5 = arith.constant 0 : i32
    %eq3A_6 = arith.cmpi eq, %arg1, %eq3A_5 : i32
    %eq3A_7 = arith.constant 0 : i32
    %eq3A_8 = arith.cmpi eq, %arg2, %eq3A_7 : i32
    %and3A = arith.andi %eq3A_6, %eq3A_8 : i1
    %convert_element_type3A = arith.extui %and3A : i1 to i32
    %cond3A = arith.constant 0 : i32
    %cond3A_9 = arith.cmpi ne, %convert_element_type3A, %cond3A : i32
    scf.if %cond3A_9 {
      %broadcast_in_dim3A_60 = arith.constant 0.000000e+00 : f32
      %broadcast_in_dim3A_61 = vector.broadcast %broadcast_in_dim3A_60 : f32 to vector<512x1024xf32>
      %swap3A_62 = arith.constant 0 : index
      %swap3A_63 = arith.constant 0 : index
      %swap3A_64 = vector.load %arg9[%swap3A_62, %swap3A_63] : memref<512x1024xf32, #tpu.memory_space<vmem>>, vector<512x1024xf32>
      tpu.vector_store %arg9[%swap3A_62, %swap3A_63], %broadcast_in_dim3A_61 {strides = array<i32>} : memref<512x1024xf32, #tpu.memory_space<vmem>>, vector<512x1024xf32>,
    } else {
    }
    %get3A_10 = arith.constant 0 : index
    %get3A_11 = arith.constant 0 : index
    %get3A_12 = vector.load %arg3[%get3A_10, %get3A_11] : memref<512x1024xf32, #tpu.memory_space<vmem>>, vector<512x1024xf32>
    %get3A_13 = arith.constant 0 : index
    %get3A_14 = arith.constant 0 : index
    %get3A_15 = arith.constant 0 : index
    %get3A_16 = vector.load %arg4[%get3A_13, %get3A_14, %get3A_15] : memref<1x1024x1024xf32, #tpu.memory_space<vmem>>, vector<1x1024x1024xf32>
    %get3A_17 = vector.shape_cast %get3A_16 : vector<1x1024x1024xf32> to vector<1024x1024xf32>
    %dot_general3A = arith.constant dense<0.000000e+00> : vector<512x1024xf32>
    %dot_general3A_18 = tpu.matmul %get3A_12, %get3A_17, %dot_general3A {dimension_numbers = #tpu.dot_dimension_numbers<[1], [0], [0], [1], [0, 0, 1, 1], [], []>, transpose_lhs_hint = false} : vector<512x1024xf32>, vector<1024x1024xf32>, vector<512x1024xf32> -> vector<512x1024xf32>
    %get3A_19 = arith.constant 0 : index
    %get3A_20 = arith.constant 0 : index
    %get3A_21 = arith.constant 0 : index
    %get3A_22 = vector.load %arg5[%get3A_19, %get3A_20, %get3A_21] : memref<1x1x1024xf32, #tpu.memory_space<vmem>>, vector<1x1x1024xf32>
    %get3A_23 = vector.shape_cast %get3A_22 : vector<1x1x1024xf32> to vector<1x1024xf32>
    %add3A = vector.broadcast %get3A_23 : vector<1x1024xf32> to vector<512x1024xf32>
    %add3A_24 = arith.addf %dot_general3A_18, %add3A : vector<512x1024xf32>
    %integer_pow3A = arith.mulf %add3A_24, %add3A_24 : vector<512x1024xf32>
    %integer_pow3A_25 = arith.mulf %add3A_24, %integer_pow3A : vector<512x1024xf32>
    %mul3A = arith.constant 4.471500e-02 : f32
    %mul3A_26 = vector.broadcast %mul3A : f32 to vector<512x1024xf32>
    %mul3A_27 = arith.mulf %mul3A_26, %integer_pow3A_25 : vector<512x1024xf32>
    %add3A_28 = arith.addf %add3A_24, %mul3A_27 : vector<512x1024xf32>
    %mul3A_29 = arith.constant 0.797884583 : f32
    %mul3A_30 = vector.broadcast %mul3A_29 : f32 to vector<512x1024xf32>
    %mul3A_31 = arith.mulf %mul3A_30, %add3A_28 : vector<512x1024xf32>
    %tanh3A = math.tanh %mul3A_31 : vector<512x1024xf32>
    %add3A_32 = arith.constant 1.000000e+00 : f32
    %add3A_33 = vector.broadcast %add3A_32 : f32 to vector<512x1024xf32>
    %add3A_34 = arith.addf %add3A_33, %tanh3A : vector<512x1024xf32>
    %mul3A_35 = arith.constant 5.000000e-01 : f32
    %mul3A_36 = vector.broadcast %mul3A_35 : f32 to vector<512x1024xf32>
    %mul3A_37 = arith.mulf %mul3A_36, %add3A_34 : vector<512x1024xf32>
    %mul3A_38 = arith.mulf %add3A_24, %mul3A_37 : vector<512x1024xf32>
    %convert_element_type3A_39 = arith.truncf %mul3A_38 : vector<512x1024xf32> to vector<512x1024xbf16>
    %get3A_40 = arith.constant 0 : index
    %get3A_41 = arith.constant 0 : index
    %get3A_42 = arith.constant 0 : index
    %get3A_43 = vector.load %arg6[%get3A_40, %get3A_41, %get3A_42] : memref<1x1024x1024xf32, #tpu.memory_space<vmem>>, vector<1x1024x1024xf32>
    %get3A_44 = vector.shape_cast %get3A_43 : vector<1x1024x1024xf32> to vector<1024x1024xf32>
    %dot_general3A_45 = arith.constant dense<0.000000e+00> : vector<512x1024xf32>
    %dot_general3A_46 = tpu.matmul %convert_element_type3A_39, %get3A_44, %dot_general3A_45 {dimension_numbers = #tpu.dot_dimension_numbers<[1], [0], [0], [1], [0, 0, 1, 1], [], []>, transpose_lhs_hint = false} : vector<512x1024xbf16>, vector<1024x1024xf32>, vector<512x1024xf32> -> vector<512x1024xf32>
    %eq3A_47 = arith.constant 0 : i32
    %eq3A_48 = arith.cmpi eq, %arg2, %eq3A_47 : i32
    %convert_element_type3A_49 = arith.extui %eq3A_48 : i1 to i32
    %cond3A_50 = arith.constant 0 : i32
    %cond3A_51 = arith.cmpi ne, %convert_element_type3A_49, %cond3A_50 : i32
    scf.if %cond3A_51 {
      %get3A_60 = arith.constant 0 : index
      %get3A_61 = arith.constant 0 : index
      %get3A_62 = vector.load %arg9[%get3A_60, %get3A_61] : memref<512x1024xf32, #tpu.memory_space<vmem>>, vector<512x1024xf32>
      %get3A_63 = arith.constant 0 : index
      %get3A_64 = arith.constant 0 : index
      %get3A_65 = arith.constant 0 : index
      %get3A_66 = vector.load %arg7[%get3A_63, %get3A_64, %get3A_65] : memref<1x1x1024xf32, #tpu.memory_space<vmem>>, vector<1x1x1024xf32>
      %get3A_67 = vector.shape_cast %get3A_66 : vector<1x1x1024xf32> to vector<1x1024xf32>
      %mul3A_68 = vector.broadcast %broadcast_in_dim3A_4 : vector<512x1xf32> to vector<512x1024xf32>
      %mul3A_69 = vector.broadcast %get3A_67 : vector<1x1024xf32> to vector<512x1024xf32>
      %mul3A_70 = arith.mulf %mul3A_68, %mul3A_69 : vector<512x1024xf32>
      %add3A_71 = arith.addf %get3A_62, %mul3A_70 : vector<512x1024xf32>
      %swap3A_72 = arith.constant 0 : index
      %swap3A_73 = arith.constant 0 : index
      %swap3A_74 = vector.load %arg9[%swap3A_72, %swap3A_73] : memref<512x1024xf32, #tpu.memory_space<vmem>>, vector<512x1024xf32>
      tpu.vector_store %arg9[%swap3A_72, %swap3A_73], %add3A_71 {strides = array<i32>} : memref<512x1024xf32, #tpu.memory_space<vmem>>, vector<512x1024xf32>,
    } else {
    }
    %get3A_52 = arith.constant 0 : index
    %get3A_53 = arith.constant 0 : index
    %get3A_54 = vector.load %arg9[%get3A_52, %get3A_53] : memref<512x1024xf32, #tpu.memory_space<vmem>>, vector<512x1024xf32>
    %mul3A_55 = vector.broadcast %broadcast_in_dim3A_4 : vector<512x1xf32> to vector<512x1024xf32>
    %mul3A_56 = arith.mulf %mul3A_55, %dot_general3A_46 : vector<512x1024xf32>
    %add3A_57 = arith.addf %get3A_54, %mul3A_56 : vector<512x1024xf32>
    %swap3A = arith.constant 0 : index
    %swap3A_58 = arith.constant 0 : index
    %swap3A_59 = vector.load %arg9[%swap3A, %swap3A_58] : memref<512x1024xf32, #tpu.memory_space<vmem>>, vector<512x1024xf32>
    tpu.vector_store %arg9[%swap3A, %swap3A_58], %add3A_57 {strides = array<i32>} : memref<512x1024xf32, #tpu.memory_space<vmem>>, vector<512x1024xf32>,
    return
  }
  func.func @transform_0(%arg0: i32, %arg1: i32, %arg2: i32) -> (i32, i32) {
    %c0_i32 = arith.constant 0 : i32
    %c0_i32_0 = arith.constant 0 : i32
    return %arg0, %c0_i32 : i32, i32
  }
  func.func @transform_1(%arg0: i32, %arg1: i32, %arg2: i32) -> (i32, i32, i32) {
    %c0_i32 = arith.constant 0 : i32
    %c0_i32_0 = arith.constant 0 : i32
    return %arg1, %c0_i32, %arg2 : i32, i32, i32
  }
  func.func @transform_2(%arg0: i32, %arg1: i32, %arg2: i32) -> (i32, i32, i32) {
    %mul3A = arith.constant 4 : i32
    %mul3A_0 = arith.muli %arg1, %mul3A : i32
    %add3A = arith.addi %mul3A_0, %arg2 : i32
    %c0_i32 = arith.constant 0 : i32
    %c0_i32_1 = arith.constant 0 : i32
    %c0_i32_2 = arith.constant 0 : i32
    return %add3A, %c0_i32, %c0_i32_1 : i32, i32, i32
  }
  func.func @transform_3(%arg0: i32, %arg1: i32, %arg2: i32) -> (i32, i32, i32) {
    %c0_i32 = arith.constant 0 : i32
    %c0_i32_0 = arith.constant 0 : i32
    return %arg1, %arg2, %c0_i32 : i32, i32, i32
  }
  func.func @transform_4(%arg0: i32, %arg1: i32, %arg2: i32) -> (i32, i32, i32) {
    %c0_i32 = arith.constant 0 : i32
    %c0_i32_0 = arith.constant 0 : i32
    %c0_i32_1 = arith.constant 0 : i32
    return %arg1, %c0_i32, %c0_i32_0 : i32, i32, i32
  }
  func.func @transform_5(%arg0: i32, %arg1: i32, %arg2: i32) -> (i32, i32) {
    %c0_i32 = arith.constant 0 : i32
    %c0_i32_0 = arith.constant 0 : i32
    return %arg0, %c0_i32 : i32, i32
  }
  func.func @transform_6(%arg0: i32, %arg1: i32, %arg2: i32) -> (i32, i32) {
    %c0_i32 = arith.constant 0 : i32
    %c0_i32_0 = arith.constant 0 : i32
    return %arg0, %c0_i32 : i32, i32
  }
}

module attributes {stable_mosaic.version = 14 : i64} {
  func.func @_k6_body(%arg0: i32, %arg1: memref<512x1024xf32, #tpu.memory_space<vmem>>, %arg2: memref<1x1024xf32, #tpu.memory_space<vmem>>, %arg3: memref<1x1024xf32, #tpu.memory_space<vmem>>, %arg4: memref<1024x1024xf32, #tpu.memory_space<vmem>>, %arg5: memref<1x1024xf32, #tpu.memory_space<vmem>>, %arg6: memref<8x1xf32, #tpu.memory_space<vmem>>, %arg7: memref<8x1xf32, #tpu.memory_space<vmem>>, %arg8: memref<512x1024xf32, #tpu.memory_space<vmem>>, %arg9: memref<2x1024xf32, #tpu.memory_space<vmem>>, %arg10: memref<2x1024xf32, #tpu.memory_space<vmem>>, %arg11: memref<1x1xf32, #tpu.memory_space<vmem>>) attributes {dimension_semantics = [#tpu.dimension_semantics<arbitrary>], iteration_bounds = array<i64: 8>, scalar_prefetch = 0 : i64, scratch_operands = 0 : i64, tpu.core_type = #tpu.core_type<tc>, window_params = [{transform_indices = @transform_0, window_bounds = array<i64: 512, 1024>}, {pipeline_mode = #tpu.pipeline_mode<synchronous>, transform_indices = @transform_1, window_bounds = array<i64: 1, 1024>}, {pipeline_mode = #tpu.pipeline_mode<synchronous>, transform_indices = @transform_2, window_bounds = array<i64: 1, 1024>}, {pipeline_mode = #tpu.pipeline_mode<synchronous>, transform_indices = @transform_3, window_bounds = array<i64: 1024, 1024>}, {pipeline_mode = #tpu.pipeline_mode<synchronous>, transform_indices = @transform_4, window_bounds = array<i64: 1, 1024>}, {pipeline_mode = #tpu.pipeline_mode<synchronous>, transform_indices = @transform_5, window_bounds = array<i64: 8, 1>}, {pipeline_mode = #tpu.pipeline_mode<synchronous>, transform_indices = @transform_6, window_bounds = array<i64: 8, 1>}, {transform_indices = @transform_7, window_bounds = array<i64: 512, 1024>}, {pipeline_mode = #tpu.pipeline_mode<synchronous>, transform_indices = @transform_8, window_bounds = array<i64: 2, 1024>}, {pipeline_mode = #tpu.pipeline_mode<synchronous>, transform_indices = @transform_9, window_bounds = array<i64: 2, 1024>}, {pipeline_mode = #tpu.pipeline_mode<synchronous>, transform_indices = @transform_10, window_bounds = array<i64: 1, 1>}]} {
    %get3A = arith.constant 0 : index
    %get3A_0 = arith.constant 0 : index
    %get3A_1 = vector.load %arg1[%get3A, %get3A_0] : memref<512x1024xf32, #tpu.memory_space<vmem>>, vector<512x1024xf32>
    %get3A_2 = arith.constant 0 : index
    %get3A_3 = arith.constant 0 : index
    %get3A_4 = vector.load %arg2[%get3A_2, %get3A_3] : memref<1x1024xf32, #tpu.memory_space<vmem>>, vector<1x1024xf32>
    %get3A_5 = arith.constant 0 : index
    %get3A_6 = arith.constant 0 : index
    %get3A_7 = vector.load %arg3[%get3A_5, %get3A_6] : memref<1x1024xf32, #tpu.memory_space<vmem>>, vector<1x1024xf32>
    %reduce_sum3A = arith.constant dense<0.000000e+00> : vector<512xf32>
    %reduce_sum3A_8 = vector.multi_reduction <add>, %get3A_1, %reduce_sum3A [1] : vector<512x1024xf32> to vector<512xf32>
    %broadcast_in_dim3A = vector.shape_cast %reduce_sum3A_8 : vector<512xf32> to vector<512x1xf32>
    %div3A = arith.constant 1.024000e+03 : f32
    %div3A_9 = vector.broadcast %div3A : f32 to vector<512x1xf32>
    %div3A_10 = arith.divf %broadcast_in_dim3A, %div3A_9 : vector<512x1xf32>
    %sub3A = vector.broadcast %div3A_10 : vector<512x1xf32> to vector<512x1024xf32>
    %sub3A_11 = arith.subf %get3A_1, %sub3A : vector<512x1024xf32>
    %integer_pow3A = arith.mulf %sub3A_11, %sub3A_11 : vector<512x1024xf32>
    %reduce_sum3A_12 = arith.constant dense<0.000000e+00> : vector<512xf32>
    %reduce_sum3A_13 = vector.multi_reduction <add>, %integer_pow3A, %reduce_sum3A_12 [1] : vector<512x1024xf32> to vector<512xf32>
    %broadcast_in_dim3A_14 = vector.shape_cast %reduce_sum3A_13 : vector<512xf32> to vector<512x1xf32>
    %div3A_15 = arith.constant 1.024000e+03 : f32
    %div3A_16 = vector.broadcast %div3A_15 : f32 to vector<512x1xf32>
    %div3A_17 = arith.divf %broadcast_in_dim3A_14, %div3A_16 : vector<512x1xf32>
    %sub3A_18 = vector.broadcast %div3A_10 : vector<512x1xf32> to vector<512x1024xf32>
    %sub3A_19 = arith.subf %get3A_1, %sub3A_18 : vector<512x1024xf32>
    %add3A = arith.constant 9.99999974E-6 : f32
    %add3A_20 = vector.broadcast %add3A : f32 to vector<512x1xf32>
    %add3A_21 = arith.addf %div3A_17, %add3A_20 : vector<512x1xf32>
    %sqrt3A = math.sqrt %add3A_21 : vector<512x1xf32>
    %div3A_22 = vector.broadcast %sqrt3A : vector<512x1xf32> to vector<512x1024xf32>
    %div3A_23 = arith.divf %sub3A_19, %div3A_22 : vector<512x1024xf32>
    %mul3A = vector.broadcast %get3A_4 : vector<1x1024xf32> to vector<512x1024xf32>
    %mul3A_24 = arith.mulf %div3A_23, %mul3A : vector<512x1024xf32>
    %add3A_25 = vector.broadcast %get3A_7 : vector<1x1024xf32> to vector<512x1024xf32>
    %add3A_26 = arith.addf %mul3A_24, %add3A_25 : vector<512x1024xf32>
    %swap3A = arith.constant 0 : index
    %swap3A_27 = arith.constant 0 : index
    %swap3A_28 = vector.load %arg8[%swap3A, %swap3A_27] : memref<512x1024xf32, #tpu.memory_space<vmem>>, vector<512x1024xf32>
    tpu.vector_store %arg8[%swap3A, %swap3A_27], %add3A_26 {strides = array<i32>} : memref<512x1024xf32, #tpu.memory_space<vmem>>, vector<512x1024xf32>,
    %eq3A = arith.constant 0 : i32
    %eq3A_29 = arith.cmpi eq, %arg0, %eq3A : i32
    %convert_element_type3A = arith.extui %eq3A_29 : i1 to i32
    %cond3A = arith.constant 0 : i32
    %cond3A_30 = arith.cmpi ne, %convert_element_type3A, %cond3A : i32
    scf.if %cond3A_30 {
      %broadcast_in_dim3A_71 = arith.constant 0.000000e+00 : f32
      %broadcast_in_dim3A_72 = vector.broadcast %broadcast_in_dim3A_71 : f32 to vector<2x1024xf32>
      %swap3A_73 = arith.constant 0 : index
      %swap3A_74 = arith.constant 0 : index
      %swap3A_75 = vector.load %arg9[%swap3A_73, %swap3A_74] : memref<2x1024xf32, #tpu.memory_space<vmem>>, vector<2x1024xf32>
      tpu.vector_store %arg9[%swap3A_73, %swap3A_74], %broadcast_in_dim3A_72 {strides = array<i32>} : memref<2x1024xf32, #tpu.memory_space<vmem>>, vector<2x1024xf32>,
    } else {
    }
    %jit3A = arith.constant 4 : i32
    %div3A_31 = arith.divsi %arg0, %jit3A : i32
    %sign3A = arith.constant 0 : i32
    %sign3A_32 = arith.cmpi sgt, %arg0, %sign3A : i32
    %sign3A_33 = arith.extui %sign3A_32 : i1 to i32
    %sign3A_34 = arith.constant 0 : i32
    %sign3A_35 = arith.cmpi slt, %arg0, %sign3A_34 : i32
    %sign3A_36 = arith.extui %sign3A_35 : i1 to i32
    %sign3A_37 = arith.subi %sign3A_33, %sign3A_36 : i32
    %sign3A_38 = arith.constant 0 : i32
    %sign3A_39 = arith.cmpi sgt, %jit3A, %sign3A_38 : i32
    %sign3A_40 = arith.extui %sign3A_39 : i1 to i32
    %sign3A_41 = arith.constant 0 : i32
    %sign3A_42 = arith.cmpi slt, %jit3A, %sign3A_41 : i32
    %sign3A_43 = arith.extui %sign3A_42 : i1 to i32
    %sign3A_44 = arith.subi %sign3A_40, %sign3A_43 : i32
    %ne3A = arith.cmpi ne, %sign3A_37, %sign3A_44 : i32
    %rem3A = arith.remsi %arg0, %jit3A : i32
    %ne3A_45 = arith.constant 0 : i32
    %ne3A_46 = arith.cmpi ne, %rem3A, %ne3A_45 : i32
    %and3A = arith.andi %ne3A, %ne3A_46 : i1
    %sub3A_47 = arith.constant 1 : i32
    %sub3A_48 = arith.subi %div3A_31, %sub3A_47 : i32
    %select_n3A = arith.select %and3A, %sub3A_48, %div3A_31 : i32
    %reduce_sum3A_49 = arith.constant dense<0.000000e+00> : vector<1024xf32>
    %reduce_sum3A_50 = vector.multi_reduction <add>, %add3A_26, %reduce_sum3A_49 [0] : vector<512x1024xf32> to vector<1024xf32>
    %broadcast_in_dim3A_51 = vector.shape_cast %reduce_sum3A_50 : vector<1024xf32> to vector<1x1024xf32>
    %iota3A = tpu.iota {dimensions = array<i32: 0>} : vector<2x1024xi32>
    %get3A_52 = arith.constant 0 : index
    %get3A_53 = arith.constant 0 : index
    %get3A_54 = vector.load %arg9[%get3A_52, %get3A_53] : memref<2x1024xf32, #tpu.memory_space<vmem>>, vector<2x1024xf32>
    %eq3A_55 = vector.broadcast %select_n3A : i32 to vector<2x1024xi32>
    %eq3A_56 = arith.cmpi eq, %iota3A, %eq3A_55 : vector<2x1024xi32>
    %jit3A_57 = arith.constant 0.000000e+00 : f32
    %broadcast_in_dim3A_58 = vector.shape_cast %broadcast_in_dim3A_51 : vector<1x1024xf32> to vector<1x1024xf32>
    %broadcast_in_dim3A_59 = vector.broadcast %broadcast_in_dim3A_58 : vector<1x1024xf32> to vector<2x1024xf32>
    %broadcast_in_dim3A_60 = vector.broadcast %jit3A_57 : f32 to vector<2x1024xf32>
    %select_n3A_61 = arith.select %eq3A_56, %broadcast_in_dim3A_59, %broadcast_in_dim3A_60 : vector<2x1024xi1>, vector<2x1024xf32>
    %add3A_62 = arith.addf %get3A_54, %select_n3A_61 : vector<2x1024xf32>
    %swap3A_63 = arith.constant 0 : index
    %swap3A_64 = arith.constant 0 : index
    %swap3A_65 = vector.load %arg9[%swap3A_63, %swap3A_64] : memref<2x1024xf32, #tpu.memory_space<vmem>>, vector<2x1024xf32>
    tpu.vector_store %arg9[%swap3A_63, %swap3A_64], %add3A_62 {strides = array<i32>} : memref<2x1024xf32, #tpu.memory_space<vmem>>, vector<2x1024xf32>,
    %eq3A_66 = arith.constant 7 : i32
    %eq3A_67 = arith.cmpi eq, %arg0, %eq3A_66 : i32
    %convert_element_type3A_68 = arith.extui %eq3A_67 : i1 to i32
    %cond3A_69 = arith.constant 0 : i32
    %cond3A_70 = arith.cmpi ne, %convert_element_type3A_68, %cond3A_69 : i32
    scf.if %cond3A_70 {
      %get3A_71 = arith.constant 0 : index
      %get3A_72 = arith.constant 0 : index
      %get3A_73 = vector.load %arg9[%get3A_71, %get3A_72] : memref<2x1024xf32, #tpu.memory_space<vmem>>, vector<2x1024xf32>
      %mul3A_74 = arith.constant 4.8828125E-4 : f32
      %mul3A_75 = vector.broadcast %mul3A_74 : f32 to vector<2x1024xf32>
      %mul3A_76 = arith.mulf %get3A_73, %mul3A_75 : vector<2x1024xf32>
      %swap3A_77 = arith.constant 0 : index
      %swap3A_78 = arith.constant 0 : index
      %swap3A_79 = vector.load %arg9[%swap3A_77, %swap3A_78] : memref<2x1024xf32, #tpu.memory_space<vmem>>, vector<2x1024xf32>
      tpu.vector_store %arg9[%swap3A_77, %swap3A_78], %mul3A_76 {strides = array<i32>} : memref<2x1024xf32, #tpu.memory_space<vmem>>, vector<2x1024xf32>,
      %get3A_80 = arith.constant 0 : index
      %get3A_81 = arith.constant 0 : index
      %get3A_82 = vector.load %arg4[%get3A_80, %get3A_81] : memref<1024x1024xf32, #tpu.memory_space<vmem>>, vector<1024x1024xf32>
      %dot_general3A = arith.constant dense<0.000000e+00> : vector<2x1024xf32>
      %dot_general3A_83 = tpu.matmul %mul3A_76, %get3A_82, %dot_general3A {dimension_numbers = #tpu.dot_dimension_numbers<[1], [0], [0], [1], [0, 0, 1, 1], [], []>, transpose_lhs_hint = false} : vector<2x1024xf32>, vector<1024x1024xf32>, vector<2x1024xf32> -> vector<2x1024xf32>
      %get3A_84 = arith.constant 0 : index
      %get3A_85 = arith.constant 0 : index
      %get3A_86 = vector.load %arg5[%get3A_84, %get3A_85] : memref<1x1024xf32, #tpu.memory_space<vmem>>, vector<1x1024xf32>
      %add3A_87 = vector.broadcast %get3A_86 : vector<1x1024xf32> to vector<2x1024xf32>
      %add3A_88 = arith.addf %dot_general3A_83, %add3A_87 : vector<2x1024xf32>
      %swap3A_89 = arith.constant 0 : index
      %swap3A_90 = arith.constant 0 : index
      %swap3A_91 = vector.load %arg10[%swap3A_89, %swap3A_90] : memref<2x1024xf32, #tpu.memory_space<vmem>>, vector<2x1024xf32>
      tpu.vector_store %arg10[%swap3A_89, %swap3A_90], %add3A_88 {strides = array<i32>} : memref<2x1024xf32, #tpu.memory_space<vmem>>, vector<2x1024xf32>,
      %get3A_92 = arith.constant 0 : index
      %get3A_93 = arith.constant 0 : index
      %get3A_94 = vector.load %arg6[%get3A_92, %get3A_93] : memref<8x1xf32, #tpu.memory_space<vmem>>, vector<8x1xf32>
      %mul3A_95 = arith.constant 2.44140625E-4 : f32
      %mul3A_96 = vector.broadcast %mul3A_95 : f32 to vector<8x1xf32>
      %mul3A_97 = arith.mulf %get3A_94, %mul3A_96 : vector<8x1xf32>
      %get3A_98 = arith.constant 0 : index
      %get3A_99 = arith.constant 0 : index
      %get3A_100 = vector.load %arg7[%get3A_98, %get3A_99] : memref<8x1xf32, #tpu.memory_space<vmem>>, vector<8x1xf32>
      %mul3A_101 = arith.constant 2.44140625E-4 : f32
      %mul3A_102 = vector.broadcast %mul3A_101 : f32 to vector<8x1xf32>
      %mul3A_103 = arith.mulf %get3A_100, %mul3A_102 : vector<8x1xf32>
      %mul3A_104 = arith.mulf %mul3A_97, %mul3A_103 : vector<8x1xf32>
      %reduce_sum3A_105 = vector.shape_cast %mul3A_104 : vector<8x1xf32> to vector<1x8x1xf32>
      %reduce_sum3A_106 = arith.constant dense<0.000000e+00> : vector<1xf32>
      %reduce_sum3A_107 = vector.multi_reduction <add>, %reduce_sum3A_105, %reduce_sum3A_106 [1, 2] : vector<1x8x1xf32> to vector<1xf32>
      %reduce_sum3A_108 = vector.shape_cast %reduce_sum3A_107 : vector<1xf32> to vector<1x1x1xf32>
      %reduce_sum3A_109 = vector.extract %reduce_sum3A_108[0, 0, 0] : f32 from vector<1x1x1xf32>
      %broadcast_in_dim3A_110 = vector.broadcast %reduce_sum3A_109 : f32 to vector<1x1xf32>
      %mul3A_111 = arith.constant 7.000000e+00 : f32
      %mul3A_112 = vector.broadcast %mul3A_111 : f32 to vector<1x1xf32>
      %mul3A_113 = arith.mulf %mul3A_112, %broadcast_in_dim3A_110 : vector<1x1xf32>
      %swap3A_114 = arith.constant 0 : index
      %swap3A_115 = arith.constant 0 : index
      %swap3A_116 = vector.load %arg11[%swap3A_114, %swap3A_115] : memref<1x1xf32, #tpu.memory_space<vmem>>, vector<1x1xf32>
      tpu.vector_store %arg11[%swap3A_114, %swap3A_115], %mul3A_113 {strides = array<i32>} : memref<1x1xf32, #tpu.memory_space<vmem>>, vector<1x1xf32>,
    } else {
    }
    return
  }
  func.func @transform_0(%arg0: i32) -> (i32, i32) {
    %c0_i32 = arith.constant 0 : i32
    %c0_i32_0 = arith.constant 0 : i32
    return %arg0, %c0_i32 : i32, i32
  }
  func.func @transform_1(%arg0: i32) -> (i32, i32) {
    %c0_i32 = arith.constant 0 : i32
    %c0_i32_0 = arith.constant 0 : i32
    %c0_i32_1 = arith.constant 0 : i32
    return %c0_i32, %c0_i32_0 : i32, i32
  }
  func.func @transform_2(%arg0: i32) -> (i32, i32) {
    %c0_i32 = arith.constant 0 : i32
    %c0_i32_0 = arith.constant 0 : i32
    %c0_i32_1 = arith.constant 0 : i32
    return %c0_i32, %c0_i32_0 : i32, i32
  }
  func.func @transform_3(%arg0: i32) -> (i32, i32) {
    %c0_i32 = arith.constant 0 : i32
    %c0_i32_0 = arith.constant 0 : i32
    %c0_i32_1 = arith.constant 0 : i32
    return %c0_i32, %c0_i32_0 : i32, i32
  }
  func.func @transform_4(%arg0: i32) -> (i32, i32) {
    %c0_i32 = arith.constant 0 : i32
    %c0_i32_0 = arith.constant 0 : i32
    %c0_i32_1 = arith.constant 0 : i32
    return %c0_i32, %c0_i32_0 : i32, i32
  }
  func.func @transform_5(%arg0: i32) -> (i32, i32) {
    %c0_i32 = arith.constant 0 : i32
    %c0_i32_0 = arith.constant 0 : i32
    %c0_i32_1 = arith.constant 0 : i32
    return %c0_i32, %c0_i32_0 : i32, i32
  }
  func.func @transform_6(%arg0: i32) -> (i32, i32) {
    %c0_i32 = arith.constant 0 : i32
    %c0_i32_0 = arith.constant 0 : i32
    %c0_i32_1 = arith.constant 0 : i32
    return %c0_i32, %c0_i32_0 : i32, i32
  }
  func.func @transform_7(%arg0: i32) -> (i32, i32) {
    %c0_i32 = arith.constant 0 : i32
    %c0_i32_0 = arith.constant 0 : i32
    return %arg0, %c0_i32 : i32, i32
  }
  func.func @transform_8(%arg0: i32) -> (i32, i32) {
    %c0_i32 = arith.constant 0 : i32
    %c0_i32_0 = arith.constant 0 : i32
    %c0_i32_1 = arith.constant 0 : i32
    return %c0_i32, %c0_i32_0 : i32, i32
  }
  func.func @transform_9(%arg0: i32) -> (i32, i32) {
    %c0_i32 = arith.constant 0 : i32
    %c0_i32_0 = arith.constant 0 : i32
    %c0_i32_1 = arith.constant 0 : i32
    return %c0_i32, %c0_i32_0 : i32, i32
  }
  func.func @transform_10(%arg0: i32) -> (i32, i32) {
    %c0_i32 = arith.constant 0 : i32
    %c0_i32_0 = arith.constant 0 : i32
    %c0_i32_1 = arith.constant 0 : i32
    return %c0_i32, %c0_i32_0 : i32, i32
  }
}

</mosaic_0001>

<sc_bundles>
// kernel: kernel.11.cloned.1.call-start
scs
__scs_entry_jumppad:
0x0: {  	(pc) =	sbr.rel $0x88, $3  }
0x1: {  	(tag) =	ssettag $0x0;
	lr =	simm.s32 $0x1  }
0x2: {  	[smem:$0x3F84] =	sst lr;
	_ =	strace $0xD0000000  }
0x3: {  	_ = 	snop  }
0x4: {  	_ = 	snop  }
0x5: {  	_ = 	snop  }
0x6: {  	_ = 	snop  }
0x7: {  	_ = 	snop  }
__scs_overlays_trampoline_lowered:
0x8: {  	[smem:$0x3F93] =	sst s0  }
0x9: {  	[smem:$0x3F94] =	sst s1  }
0xa: {  	[smem:$0x3F95] =	sst s2  }
0xb: {  	[smem:$0x3F96] =	sst s3  }
0xc: {  	[smem:$0x3F97] =	sst s4  }
0xd: {  	[smem:$0x3F98] =	sst s5  }
0xe: {  	[smem:$0x3F99] =	sst s6  }
0xf: {  	[smem:$0x3F9A] =	sst s7  }
0x10: {  	[smem:$0x3F9B] =	sst s8  }
0x11: {  	[smem:$0x3F9C] =	sst s9;
	s0 =	simm.s32 @!p0 $0x0  }
0x12: {  	s1 =	sld [smem:$0x3F82];
	s0 =	simm.s32 @p0 $0x1  }
0x13: {  	[smem:$0x3F9D] =	sst s0;
	s0 =	simm.s32 @!p1 $0x0  }
0x14: {  	s2 =	sld [smem:$0x3F81];
	s0 =	simm.s32 @p1 $0x1  }
0x15: {  	[smem:$0x3F9E] =	sst s0;
	s0 =	simm.s32 @!p2 $0x0  }
0x16: {  	s3 =	sld [smem:$0x3FDB];
	s0 =	simm.s32 @p2 $0x1  }
0x17: {  	s4 =	simm.s32 $0x1BF5;
	[smem:$0x3FA0] =	sst s0  }
0x18: {  	s0 =	sld [smem:$0x3F83];
	_ =	swait.ge [sflag:s4], $0x0  }
0x19: {  	s7 =	sld [smem:$0x3F84]  }
0x1a: {  	s8 =	sadd.s32 $0xFFFFE003, lr  }
0x1b: {  	s9 =	sadd.s32 $0xFFFFFEF7, lr;
	s5 =	simm.s32 $0xFFFFFFFF;
	p2 =	slt.u32 s8, $0xFFFFF086  }
0x1c: {  	p1 =	slt.u32 s9, $0xF7A;
	s5 =	simm.s32 @!p2 $0x0  }
0x1d: {  	s5 =	simm.s32 @p1 $0x1;
	p0 =	seq.s32 s7, s2  }
0x1e: {  	s7 =	smul.u32 @!p0 $0xF7A, s2;
	p2 =	seq.s32 @!p0 s5, $0x0  }
0x1f: {  	s9 =	smul.u32 $0xF7A, s1;
	s8 =	simm.s32 @!p0 $0x1BF5;
	p2 =	por !p2, p0  }
0x20: {  	[sflag:s8] =	ssyncset.s32 @!p0 $0xFFFFF086;
	s6 =	sadd.s32 @!p0 s3, s7;
	s7 =	simm.s32 @!p0 $0x108  }
0x21: {  	s3 =	sadd.s32 s3, s9;
	s6 =	sadd.s32 @!p0 $0x88, s6;
	s7 =	simm.s32 @p2 $0x1082  }
0x22: {  	[simem:s7], [sflag:s8] =	dma.local @!p0 [hbm:s6], $0xF7A  }
0x23: {  	s9 =	sor.u32 $0xD0000000, s2;
	s6 =	simm.s32 $0x108;
	_ =	swait.ge @!p0 [sflag:s8], $0x0  }
0x24: {  	s3 =	sadd.s32 $0x88, s3;
	s6 =	simm.s32 @!p1 $0x1082;
	[sflag:s4] =	ssyncset.s32 $0xFFFFF086  }
0x25: {  	[simem:s6], [sflag:s4] =	dma.local [hbm:s3], $0xF7A  }
0x26: {  	[smem:$0x3F84] =	sst s1;
	(tag) =	ssettag s2;
	_ =	strace s9  }
0x27: {  	s1 =	sld [smem:$0x3F94]  }
0x28: {  	s2 =	sld [smem:$0x3F95]  }
0x29: {  	s4 =	sld [smem:$0x3F97]  }
0x2a: {  	p0 =	seq.s32 s5, $0x0;
	s5 =	sld [smem:$0x3F98]  }
0x2b: {  	s6 =	sld [smem:$0x3F99]  }
0x2c: {  	s7 =	sld [smem:$0x3F9A]  }
0x2d: {  	s3 =	simm.s32 $0x108;
	s8 =	sld [smem:$0x3F9B]  }
0x2e: {  	s3 =	simm.s32 @!p0 $0x1082;
	s9 =	sld [smem:$0x3F9C]  }
0x2f: {  	lr =	sadd.s32 s0, s3;
	s0 =	sld [smem:$0x3F93]  }
0x30: {  	s3 =	sld [smem:$0x3F96]  }
0x31: {  	[smem:$0x3F9F] =	sst s10  }
0x32: {  	s10 =	sld [smem:$0x3F9D];
	_ =	sdelay $0x3  }
0x33: {  	p0 =	seq.s32 s10, $0x1;
	s10 =	sld [smem:$0x3F9F];
	_ =	sdelay $0x3  }
0x34: {  	[smem:$0x3F9F] =	sst s10  }
0x35: {  	s10 =	sld [smem:$0x3F9E];
	_ =	sdelay $0x3  }
0x36: {  	p1 =	seq.s32 s10, $0x1;
	s10 =	sld [smem:$0x3F9F];
	_ =	sdelay $0x3  }
0x37: {  	[smem:$0x3F9F] =	sst s10  }
0x38: {  	s10 =	sld [smem:$0x3FA0]  }
0x39: {  	_ = 	snop;
	(pc) =	sbr.ind lr, $3  }
0x3a: {  	_ = 	snop  }
0x3b: {  	_ = 	snop  }
0x3c: {  	p2 =	seq.s32 s10, $0x1;
	s10 =	sld [smem:$0x3F9F]  }
0x3d: {  	_ =	shalt  }
0x3e: {  	_ =	shalt  }
0x3f: {  	_ =	shalt  }
0x40: {  	_ =	shalt  }
0x41: {  	_ =	shalt  }
0x42: {  	_ =	shalt  }
0x43: {  	_ =	shalt  }
0x44: {  	_ =	shalt  }
0x45: {  	_ =	shalt  }
0x46: {  	_ =	shalt  }
0x47: {  	_ =	shalt  }
0x48: {  	_ =	shalt  }
0x49: {  	_ =	shalt  }
0x4a: {  	_ =	shalt  }
0x4b: {  	_ =	shalt  }
0x4c: {  	_ =	shalt  }
0x4d: {  	_ =	shalt  }
0x4e: {  	_ =	shalt  }
0x4f: {  	_ =	shalt  }
0x50: {  	_ =	shalt  }
0x51: {  	_ =	shalt  }
0x52: {  	_ =	shalt  }
0x53: {  	_ =	shalt  }
0x54: {  	_ =	shalt  }
0x55: {  	_ =	shalt  }
0x56: {  	_ =	shalt  }
0x57: {  	_ =	shalt  }
0x58: {  	_ =	shalt  }
0x59: {  	_ =	shalt  }
0x5a: {  	_ =	shalt  }
0x5b: {  	_ =	shalt  }
0x5c: {  	_ =	shalt  }
0x5d: {  	_ =	shalt  }
0x5e: {  	_ =	shalt  }
0x5f: {  	_ =	shalt  }
0x60: {  	_ =	shalt  }
0x61: {  	_ =	shalt  }
0x62: {  	_ =	shalt  }
0x63: {  	_ =	shalt  }
0x64: {  	_ =	shalt  }
0x65: {  	_ =	shalt  }
0x66: {  	_ =	shalt  }
0x67: {  	_ =	shalt  }
0x68: {  	_ =	shalt  }
0x69: {  	_ =	shalt  }
0x6a: {  	_ =	shalt  }
0x6b: {  	_ =	shalt  }
0x6c: {  	_ =	shalt  }
0x6d: {  	_ =	shalt  }
0x6e: {  	_ =	shalt  }
0x6f: {  	_ =	shalt  }
0x70: {  	_ =	shalt  }
0x71: {  	_ =	shalt  }
0x72: {  	_ =	shalt  }
0x73: {  	_ =	shalt  }
0x74: {  	_ =	shalt  }
0x75: {  	_ =	shalt  }
0x76: {  	_ =	shalt  }
0x77: {  	_ =	shalt  }
0x78: {  	_ =	shalt  }
0x79: {  	_ =	shalt  }
0x7a: {  	_ =	shalt  }
0x7b: {  	_ =	shalt  }
0x7c: {  	_ =	shalt  }
0x7d: {  	_ =	shalt  }
0x7e: {  	_ =	shalt  }
0x7f: {  	_ =	shalt  }
0x80: {  	_ =	shalt  }
0x81: {  	_ =	shalt  }
0x82: {  	_ =	shalt  }
0x83: {  	_ =	shalt  }
0x84: {  	_ =	shalt  }
0x85: {  	_ =	shalt  }
0x86: {  	_ =	shalt  }
0x87: {  	_ =	shalt  }
.Lfunc_end0:
.L_simem_size_0:
called_computation_lowered:
.L_overlay_start_0:
0x88: {  	s2 =	sld [smem:$0x3FD9]  }
0x89: {  	s3 =	sld [smem:$0x3FFE];
	_ =	sdelay $0x1  }
0x8a: {  	s1 =	srdreg.scid  }
0x8b: {  	s0 =	sand.u32 $0x1, s1  }
0x8c: {  	s15 =	sshll.u32 s0, $0xA;
	s2 =	sadd.s32 s3, s2  }
0x8d: {  	s2 =	sadd.s32 s2, s15  }
0x8e: {  	[smem:$0x3FAB] =	sst s2  }
0x8f: {  	_ = 	snop  }
0x90: {  	s2 =	sld [smem:$0x3FD0];
	_ =	sdelay $0x2  }
0x91: {  	s4 =	simm.s32 $0xA;
	s5 =	simm.s32 $0x10;
	s16 =	sld [smem:$0x3FBE]  }
0x92: {  	[smem:s5], [sflag:s4] =	dma.local [hbm:s2], $0x1  }
0x93: {  	_ =	swait.eq [sflag:s4], $0x1  }
0x94: {  	[sflag:s4] =	ssyncset.done $0x0  }
0x95: {  	s17 =	sld [smem:$0x13];
	[sflag:s4] =	ssyncadd.s32 $0xFFFFFFFF  }
0x96: {  	s18 =	sld [smem:$0x15];
	(tm) =	ssettm $0x1  }
0x97: {  	s19 =	sld [smem:$0x3FFB];
	_ =	sdelay $0x3  }
0x98: {  	_ =	strace s19  }
0x99: {  	s5 =	sld [smem:$0x3FFC];
	_ =	sdelay $0x3  }
0x9a: {  	_ =	strace s5  }
0x9b: {  	s5 =	sld [smem:$0x3FFD];
	_ =	sdelay $0x3  }
0x9c: {  	_ =	strace s5  }
0x9d: {  	_ =	strace $0x8FFFFFFF  }
0x9e: {  	s20 =	sld [smem:$0x3FDB];
	_ =	sdelay $0x1  }
0x9f: {  	s6 =	simm.s32 $_scs_section_size  }
0xa0: {  	s7 =	simm.s32 $_size__tile_overlayer_lowered;
	s8 =	simm.s32 $_tile_overlayer_lowered  }
0xa1: {  	s23 =	simm.s32 $0x1BFF;
	s22 =	sshll.u32 s8, $0x1;
	s5 =	sadd.s32 s6, s20  }
0xa2: {  	s9 =	simm.s32 $0x0;
	s21 =	sshll.u32 s7, $0x1;
	s7 =	sadd.s32 s22, s5  }
0xa3: {  	[timem:s9], [sflag:s23] =	dma.local [hbm:s7], s21  }
0xa4: {  	_ =	swait.ge [sflag:s23], s21  }
0xa5: {  	s6 =	ssub.s32 $0x0, s21;
	[sflag:s23] =	ssyncset.done $0x0  }
0xa6: {  	[sflag:s23] =	ssyncadd.s32 s6;
	_ =	sdelay $0x1  }
0xa7: {  	s24 =	simm.s32 $0x1B8B  }
0xa8: {  	_ =	swait.ge [sflag:s24], $0x1  }
0xa9: {  	[sflag:s24] =	ssyncset.done $0x0  }
0xaa: {  	s25 =	simm.s32 $0x1B8E;
	[sflag:s24] =	ssyncadd.s32 $0xFFFFFFFF  }
0xab: {  	s26 =	simm.s32 $execute0_lowered;
	[smem:$0x3FD2] =	sst s25  }
0xac: {  	s6 =	sshll.u32 s26, $0x1;
	_ =	strace $0x80000046;
	[dreg:$0x1] =	wrdreg $0xFFFFFFFF  }
0xad: {  	s28 =	simm.s32 $_size_execute0_lowered;
	s5 =	sadd.s32 s5, s6;
	[dreg:$0x0] =	wrdreg $0x0  }
0xae: {  	s6 =	sshll.u32 s28, $0x1;
	[dreg:$0x2] =	wrdreg s5  }
0xaf: {  	[dreg:$0x3] =	wrdreg s6  }
0xb0: {  	[dreg:$0x4] =	wrdreg $0xC0  }
0xb1: {  	_ =	task [dreg:s9], $0x5FFFF  }
0xb2: {  	[dreg:$0x1] =	wrdreg $0xFFFFFFFF  }
0xb3: {  	[dreg:$0x0] =	wrdreg $0x60  }
0xb4: {  	[dreg:$0x2] =	wrdreg s16  }
0xb5: {  	[dreg:$0x3] =	wrdreg s18  }
0xb6: {  	[dreg:$0x4] =	wrdreg s17  }
0xb7: {  	[dreg:$0x5] =	wrdreg $0x9  }
0xb8: {  	_ =	task.clear_ibuf [dreg:s9], $0x6FFFF;
	_ =	strace $0x90000046  }
0xb9: {  	s29 =	simm.s32 $0x9;
	_ =	strace $0x80000048  }
0xba: {  	_ =	swait.ge [sflag:s29], $0x1  }
0xbb: {  	[sflag:s29] =	ssyncadd.s32 $0xFFFFFFFF  }
0xbc: {  	_ =	strace $0x90000048  }
0xbd: {  	_ =	sfence  }
0xbe: {  	s30 =	sld [smem:$0x0];
	_ =	sdelay $0x2  }
0xbf: {  	s31 =	sshll.u32 s1, $0xD;
	s1 =	sshrl.u32 s1, $0x2  }
0xc0: {  	s3 =	sand.u32 $0x4000, s31;
	s1 =	sadd.s32 s1, s30  }
0xc1: {  	s0 =	sor.u32 s3, s0;
	s1 =	sshll.u32 s1, $0x11  }
0xc2: {  	s0 =	sor.u32 s1, s0  }
0xc3: {  	s0 =	sadd.s32 $0x8F2B, s0  }
0xc4: {  	[sflag:s0] =	ssyncadd.remote.s32 $0x1  }
0xc5: {  	_ =	sfence.sel $0xFFFF  }
0xc6: {  	[dreg:$0x0] =	wrdreg $0xFFFFFFFF;
	(pc) =	sbr.abs _section_cstart, $3  }
0xc7: {  	[dreg:$0x1] =	wrdreg $0xFFFFFFFF  }
0xc8: {  	_ =	task.clear_ibuf [dreg:s9], $0x2FFFF;
	_ =	strace $0x9FFFFFFF  }
0xc9: {  	(tm) =	ssettm $0x7FFFFFFF  }
tec
execute0_lowered:
.L_overlay_start_1:
0x0: {  	(tag) =	ssettag $0x1  }
0x1: {  	s1 =	rddreg [dreg:$0x0]  }
0x2: {  	s0 =	srdreg.scid;
	s2 =	rddreg [dreg:$0x1]  }
0x3: {  	s3 =	stileid.u32;
	s7 =	rddreg [dreg:$0x2];
	s18 =	simm.s32 $0x1  }
0x4: {  	s20 =	simm.s32 $0x880;
	s21 =	simm.s32 $0x1080;
	s22 =	simm.s32 $0x1880  }
0x5: {  	s23 =	simm.s32 $0x2080;
	s24 =	simm.s32 $0x2880;
	s28 =	simm.s32 $0x4080  }
0x6: {  	s29 =	simm.s32 $0x4880;
	s30 =	simm.s32 $0x5080;
	s31 =	simm.s32 $0x5880  }
0x7: {  	s10 =	simm.s32 $0x7080;
	s11 =	simm.s32 $0x7880;
	s12 =	simm.s32 $0x8080  }
0x8: {  	s13 =	simm.s32 $0x8880;
	s14 =	simm.s32 $0x9080;
	s15 =	simm.s32 $0x9880  }
0x9: {  	s16 =	simm.s32 $0xA080;
	s17 =	simm.s32 $0xA880;
	s0 =	sand.u32 $0x1, s0  }
0xa: {  	s4 =	sshll.u32 s3, $0x8;
	s3 =	simm.s32 $0x0;
	s5 =	sshll.u32 s0, $0x7  }
0xb: {  	[smem:$0x7FF] =	sst s3;
	s0 =	ssub.s32 $0x2, s0;
	s5 =	sor.u32 s5, s4  }
0xc: {  	_ =	strace $0x80000047;
	s6 =	sshrl.u32 s0, $0x1;
	s4 =	sshrl.u32 s5, $0x3  }
0xd: {  	s0 =	ssub.s32 s0, s6;
	s25 =	sshll.u32 s5, $0x7;
	s8 =	sor.u32 $0x40, s5  }
0xe: {  	s5 =	sadd.s32 $0x200, s1;
	s4 =	sadd.s32 s2, s4;
	s6 =	sadd.s32 s7, s25  }
0xf: {  	s9 =	sshrl.u32 s8, $0x3;
	s8 =	sshll.u32 s8, $0x7;
	[dreg:$0x4] =	wrdreg s4  }
0x10: {  	s25 =	simm.s32 $0x3080;
	s4 =	sadd.s32 $0x100, s1;
	[dreg:$0x5] =	wrdreg s6  }
0x11: {  	v2 =	vlaneseq.u32;
	s2 =	sadd.s32 s2, s9;
	s6 =	sadd.s32 $0x300, s1;
	s26 =	sadd.s32 s7, s8  }
0x12: {  	vm0 =	vmmov $0xffff;
	v1 =	vshrl.u32 v2, $0x3;
	s7 =	smax.u32 s0, $0x1;
	s8 =	simm.s32 $0x2;
	[dreg:$0x6] =	wrdreg s2  }
0x13: {  	v0 =	vand.u32 $0x7, v2;
	v2 =	vor.u32 $0x8, v2;
	v1 =	vmul.u32 $0x8, v1;
	s0 =	simm.s32 $0x80;
	[dreg:$0x7] =	wrdreg s26;
	s26 =	simm.s32 $0x3880  }
.LBB2_1:
0x14: {  	s19 =	rddreg [dreg:$0x4]  }
0x15: {  	[tilespmem:s3], [sflag:$0x2] =	stream.linear.gather [hbm4b:s19+s3], $0x40, $0x38;
	[tilespmem:$0x10080] =	vst v63  }
0x16: {  	_ =	swait.ge [sflag:s8], $0x40  }
0x17: {  	[sflag:s8] =	ssyncset.done $0x0  }
0x18: {  	[sflag:s8] =	ssyncadd.s32 $0xFFFFFFC0  }
0x19: {  	v3 =	vld [tilespmem:$0x0];
	_ =	sdelay $0x4  }
0x1a: {  	v4 =	vshll.u32 v3, $0x3  }
0x1b: {  	v3 =	vand.u32 $0x7, v3;
	v4 =	vand.u32 $0xFFFFFFC0, v4  }
0x1c: {  	v3 =	vor.u32 v3, v4  }
0x1d: {  	v4 =	vperm.xlane v3, v0;
	_ =	sdelay $0x1  }
0x1e: {  	v4 =	vadd.s32 v1, v4;
	_ =	sdelay $0x4  }
0x1f: {  	[tilespmem:s0], [sflag:$0x1] =	stream.indirect_vreg.gather [hbm4b:s1+s3], $0x80, v4, vm0, $0xb8;
	[tilespmem:$0x10080] =	vst v63  }
0x20: {  	v3 =	vperm.xlane v3, v2  }
0x21: {  	[tilespmem:s20], [sflag:$0x1] =	stream.indirect_vreg.gather [hbm4b:s4+s3], $0x80, v4, vm0, $0xb8;
	[tilespmem:$0x10080] =	vst v63  }
0x22: {  	v3 =	vadd.s32 v1, v3  }
0x23: {  	[tilespmem:s21], [sflag:$0x1] =	stream.indirect_vreg.gather [hbm4b:s5+s3], $0x80, v4, vm0, $0xb8;
	[tilespmem:$0x10080] =	vst v63  }
0x24: {  	_ = 	snop  }
0x25: {  	[tilespmem:s22], [sflag:$0x1] =	stream.indirect_vreg.gather [hbm4b:s6+s3], $0x80, v4, vm0, $0xb8;
	[tilespmem:$0x10080] =	vst v63  }
0x26: {  	_ = 	snop  }
0x27: {  	[tilespmem:s23], [sflag:$0x1] =	stream.indirect_vreg.gather [hbm4b:s1+s3], $0x80, v3, vm0, $0xb8;
	[tilespmem:$0x10080] =	vst v63  }
0x28: {  	_ = 	snop  }
0x29: {  	[tilespmem:s24], [sflag:$0x1] =	stream.indirect_vreg.gather [hbm4b:s4+s3], $0x80, v3, vm0, $0xb8;
	[tilespmem:$0x10080] =	vst v63  }
0x2a: {  	_ = 	snop  }
0x2b: {  	[tilespmem:s25], [sflag:$0x1] =	stream.indirect_vreg.gather [hbm4b:s5+s3], $0x80, v3, vm0, $0xb8;
	[tilespmem:$0x10080] =	vst v63  }
0x2c: {  	_ = 	snop  }
0x2d: {  	[tilespmem:s26], [sflag:$0x1] =	stream.indirect_vreg.gather [hbm4b:s6+s3], $0x80, v3, vm0, $0xb8;
	[tilespmem:$0x10080] =	vst v63  }
0x2e: {  	v3 =	vld [tilespmem:$0x10];
	_ =	sdelay $0x4  }
0x2f: {  	v57 =	vshll.u32 v3, $0x3  }
0x30: {  	v3 =	vand.u32 $0x7, v3;
	v4 =	vand.u32 $0xFFFFFFC0, v57  }
0x31: {  	v3 =	vor.u32 v3, v4  }
0x32: {  	v4 =	vperm.xlane v3, v0;
	_ =	sdelay $0x1  }
0x33: {  	v4 =	vadd.s32 v1, v4;
	_ =	sdelay $0x4  }
0x34: {  	[tilespmem:s28], [sflag:$0x1] =	stream.indirect_vreg.gather [hbm4b:s1+s3], $0x80, v4, vm0, $0xb8;
	[tilespmem:$0x10080] =	vst v63  }
0x35: {  	v3 =	vperm.xlane v3, v2  }
0x36: {  	[tilespmem:s29], [sflag:$0x1] =	stream.indirect_vreg.gather [hbm4b:s4+s3], $0x80, v4, vm0, $0xb8;
	[tilespmem:$0x10080] =	vst v63  }
0x37: {  	v3 =	vadd.s32 v1, v3  }
0x38: {  	[tilespmem:s30], [sflag:$0x1] =	stream.indirect_vreg.gather [hbm4b:s5+s3], $0x80, v4, vm0, $0xb8;
	[tilespmem:$0x10080] =	vst v63  }
0x39: {  	_ = 	snop  }
0x3a: {  	[tilespmem:s31], [sflag:$0x1] =	stream.indirect_vreg.gather [hbm4b:s6+s3], $0x80, v4, vm0, $0xb8;
	[tilespmem:$0x10080] =	vst v63  }
0x3b: {  	s2 =	simm.s32 $0x6080  }
0x3c: {  	[tilespmem:s2], [sflag:$0x1] =	stream.indirect_vreg.gather [hbm4b:s1+s3], $0x80, v3, vm0, $0xb8;
	[tilespmem:$0x10080] =	vst v63  }
0x3d: {  	s9 =	simm.s32 $0x6880  }
0x3e: {  	[tilespmem:s9], [sflag:$0x1] =	stream.indirect_vreg.gather [hbm4b:s4+s3], $0x80, v3, vm0, $0xb8;
	[tilespmem:$0x10080] =	vst v63  }
0x3f: {  	_ = 	snop  }
0x40: {  	[tilespmem:s10], [sflag:$0x1] =	stream.indirect_vreg.gather [hbm4b:s5+s3], $0x80, v3, vm0, $0xb8;
	[tilespmem:$0x10080] =	vst v63  }
0x41: {  	_ = 	snop  }
0x42: {  	[tilespmem:s11], [sflag:$0x1] =	stream.indirect_vreg.gather [hbm4b:s6+s3], $0x80, v3, vm0, $0xb8;
	[tilespmem:$0x10080] =	vst v63  }
0x43: {  	v3 =	vld [tilespmem:$0x20];
	_ =	sdelay $0x4  }
0x44: {  	v58 =	vshll.u32 v3, $0x3  }
0x45: {  	v3 =	vand.u32 $0x7, v3;
	v4 =	vand.u32 $0xFFFFFFC0, v58  }
0x46: {  	v3 =	vor.u32 v3, v4  }
0x47: {  	v4 =	vperm.xlane v3, v0;
	_ =	sdelay $0x1  }
0x48: {  	v4 =	vadd.s32 v1, v4;
	_ =	sdelay $0x4  }
0x49: {  	[tilespmem:s12], [sflag:$0x1] =	stream.indirect_vreg.gather [hbm4b:s1+s3], $0x80, v4, vm0, $0xb8;
	[tilespmem:$0x10080] =	vst v63  }
0x4a: {  	v3 =	vperm.xlane v3, v2  }
0x4b: {  	[tilespmem:s13], [sflag:$0x1] =	stream.indirect_vreg.gather [hbm4b:s4+s3], $0x80, v4, vm0, $0xb8;
	[tilespmem:$0x10080] =	vst v63  }
0x4c: {  	v3 =	vadd.s32 v1, v3  }
0x4d: {  	[tilespmem:s14], [sflag:$0x1] =	stream.indirect_vreg.gather [hbm4b:s5+s3], $0x80, v4, vm0, $0xb8;
	[tilespmem:$0x10080] =	vst v63  }
0x4e: {  	_ = 	snop  }
0x4f: {  	[tilespmem:s15], [sflag:$0x1] =	stream.indirect_vreg.gather [hbm4b:s6+s3], $0x80, v4, vm0, $0xb8;
	[tilespmem:$0x10080] =	vst v63  }
0x50: {  	_ = 	snop  }
0x51: {  	[tilespmem:s16], [sflag:$0x1] =	stream.indirect_vreg.gather [hbm4b:s1+s3], $0x80, v3, vm0, $0xb8;
	[tilespmem:$0x10080] =	vst v63  }
0x52: {  	_ = 	snop  }
0x53: {  	[tilespmem:s17], [sflag:$0x1] =	stream.indirect_vreg.gather [hbm4b:s4+s3], $0x80, v3, vm0, $0xb8;
	[tilespmem:$0x10080] =	vst v63  }
0x54: {  	s9 =	simm.s32 $0xB080  }
0x55: {  	[tilespmem:s9], [sflag:$0x1] =	stream.indirect_vreg.gather [hbm4b:s5+s3], $0x80, v3, vm0, $0xb8;
	[tilespmem:$0x10080] =	vst v63  }
0x56: {  	s19 =	simm.s32 $0xB880  }
0x57: {  	[tilespmem:s19], [sflag:$0x1] =	stream.indirect_vreg.gather [hbm4b:s6+s3], $0x80, v3, vm0, $0xb8;
	[tilespmem:$0x10080] =	vst v63  }
0x58: {  	v3 =	vld [tilespmem:$0x30];
	_ =	sdelay $0x4  }
0x59: {  	v59 =	vshll.u32 v3, $0x3  }
0x5a: {  	v3 =	vand.u32 $0x7, v3;
	v4 =	vand.u32 $0xFFFFFFC0, v59  }
0x5b: {  	v3 =	vor.u32 v3, v4  }
0x5c: {  	v4 =	vperm.xlane v3, v0;
	_ =	sdelay $0x1  }
0x5d: {  	v4 =	vadd.s32 v1, v4;
	_ =	sdelay $0x3  }
0x5e: {  	s19 =	simm.s32 $0xC080  }
0x5f: {  	[tilespmem:s19], [sflag:$0x1] =	stream.indirect_vreg.gather [hbm4b:s1+s3], $0x80, v4, vm0, $0xb8;
	[tilespmem:$0x10080] =	vst v63  }
0x60: {  	v3 =	vperm.xlane v3, v2;
	s19 =	simm.s32 $0xC880  }
0x61: {  	[tilespmem:s19], [sflag:$0x1] =	stream.indirect_vreg.gather [hbm4b:s4+s3], $0x80, v4, vm0, $0xb8;
	[tilespmem:$0x10080] =	vst v63  }
0x62: {  	v3 =	vadd.s32 v1, v3;
	s19 =	simm.s32 $0xD080  }
0x63: {  	[tilespmem:s19], [sflag:$0x1] =	stream.indirect_vreg.gather [hbm4b:s5+s3], $0x80, v4, vm0, $0xb8;
	[tilespmem:$0x10080] =	vst v63  }
0x64: {  	s19 =	simm.s32 $0xD880  }
0x65: {  	[tilespmem:s19], [sflag:$0x1] =	stream.indirect_vreg.gather [hbm4b:s6+s3], $0x80, v4, vm0, $0xb8;
	[tilespmem:$0x10080] =	vst v63  }
0x66: {  	s19 =	simm.s32 $0xE080  }
0x67: {  	[tilespmem:s19], [sflag:$0x1] =	stream.indirect_vreg.gather [hbm4b:s1+s3], $0x80, v3, vm0, $0xb8;
	[tilespmem:$0x10080] =	vst v63  }
0x68: {  	s19 =	simm.s32 $0xE880  }
0x69: {  	[tilespmem:s19], [sflag:$0x1] =	stream.indirect_vreg.gather [hbm4b:s4+s3], $0x80, v3, vm0, $0xb8;
	[tilespmem:$0x10080] =	vst v63  }
0x6a: {  	s19 =	simm.s32 $0xF080  }
0x6b: {  	[tilespmem:s19], [sflag:$0x1] =	stream.indirect_vreg.gather [hbm4b:s5+s3], $0x80, v3, vm0, $0xb8;
	[tilespmem:$0x10080] =	vst v63  }
0x6c: {  	s19 =	simm.s32 $0xF880  }
0x6d: {  	[tilespmem:s19], [sflag:$0x1] =	stream.indirect_vreg.gather [hbm4b:s6+s3], $0x80, v3, vm0, $0xb8;
	[tilespmem:$0x10080] =	vst v63  }
0x6e: {  	_ =	swait.ge [sflag:s18], $0x10000  }
0x6f: {  	[sflag:s18] =	ssyncset.done $0x0  }
0x70: {  	s19 =	rddreg [dreg:$0x5];
	[sflag:s18] =	ssyncadd.s32 $0xFFFF0000  }
0x71: {  	[hbm4b:s19+s3] =	stream.linear.scatter [tilespmem:s0], [sflag:$0x2], $0x10000, $0x38;
	[tilespmem:$0x10080] =	vst v63  }
0x72: {  	_ =	swait.ge [sflag:s8], $0x10000  }
0x73: {  	[sflag:s8] =	ssyncset.done $0x0  }
0x74: {  	s19 =	rddreg [dreg:$0x6];
	[sflag:s8] =	ssyncadd.s32 $0xFFFF0000  }
0x75: {  	[tilespmem:s3], [sflag:$0x2] =	stream.linear.gather [hbm4b:s19+s3], $0x40, $0x38;
	[tilespmem:$0x10080] =	vst v63  }
0x76: {  	_ =	swait.ge [sflag:s8], $0x40  }
0x77: {  	[sflag:s8] =	ssyncset.done $0x0  }
0x78: {  	[sflag:s8] =	ssyncadd.s32 $0xFFFFFFC0  }
0x79: {  	v3 =	vld [tilespmem:$0x0];
	_ =	sdelay $0x4  }
0x7a: {  	v60 =	vshll.u32 v3, $0x3  }
0x7b: {  	v3 =	vand.u32 $0x7, v3;
	v4 =	vand.u32 $0xFFFFFFC0, v60  }
0x7c: {  	v3 =	vor.u32 v3, v4  }
0x7d: {  	v4 =	vperm.xlane v3, v0;
	_ =	sdelay $0x1  }
0x7e: {  	v4 =	vadd.s32 v1, v4;
	_ =	sdelay $0x4  }
0x7f: {  	[tilespmem:s0], [sflag:$0x1] =	stream.indirect_vreg.gather [hbm4b:s1+s3], $0x80, v4, vm0, $0xb8;
	[tilespmem:$0x10080] =	vst v63  }
0x80: {  	v3 =	vperm.xlane v3, v2  }
0x81: {  	[tilespmem:s20], [sflag:$0x1] =	stream.indirect_vreg.gather [hbm4b:s4+s3], $0x80, v4, vm0, $0xb8;
	[tilespmem:$0x10080] =	vst v63  }
0x82: {  	v3 =	vadd.s32 v1, v3  }
0x83: {  	[tilespmem:s21], [sflag:$0x1] =	stream.indirect_vreg.gather [hbm4b:s5+s3], $0x80, v4, vm0, $0xb8;
	[tilespmem:$0x10080] =	vst v63  }
0x84: {  	_ = 	snop  }
0x85: {  	[tilespmem:s22], [sflag:$0x1] =	stream.indirect_vreg.gather [hbm4b:s6+s3], $0x80, v4, vm0, $0xb8;
	[tilespmem:$0x10080] =	vst v63  }
0x86: {  	_ = 	snop  }
0x87: {  	[tilespmem:s23], [sflag:$0x1] =	stream.indirect_vreg.gather [hbm4b:s1+s3], $0x80, v3, vm0, $0xb8;
	[tilespmem:$0x10080] =	vst v63  }
0x88: {  	_ = 	snop  }
0x89: {  	[tilespmem:s24], [sflag:$0x1] =	stream.indirect_vreg.gather [hbm4b:s4+s3], $0x80, v3, vm0, $0xb8;
	[tilespmem:$0x10080] =	vst v63  }
0x8a: {  	_ = 	snop  }
0x8b: {  	[tilespmem:s25], [sflag:$0x1] =	stream.indirect_vreg.gather [hbm4b:s5+s3], $0x80, v3, vm0, $0xb8;
	[tilespmem:$0x10080] =	vst v63  }
0x8c: {  	_ = 	snop  }
0x8d: {  	[tilespmem:s26], [sflag:$0x1] =	stream.indirect_vreg.gather [hbm4b:s6+s3], $0x80, v3, vm0, $0xb8;
	[tilespmem:$0x10080] =	vst v63  }
0x8e: {  	v3 =	vld [tilespmem:$0x10];
	_ =	sdelay $0x4  }
0x8f: {  	v61 =	vshll.u32 v3, $0x3  }
0x90: {  	v3 =	vand.u32 $0x7, v3;
	v4 =	vand.u32 $0xFFFFFFC0, v61  }
0x91: {  	v3 =	vor.u32 v3, v4  }
0x92: {  	v4 =	vperm.xlane v3, v0;
	_ =	sdelay $0x1  }
0x93: {  	v4 =	vadd.s32 v1, v4;
	_ =	sdelay $0x4  }
0x94: {  	[tilespmem:s28], [sflag:$0x1] =	stream.indirect_vreg.gather [hbm4b:s1+s3], $0x80, v4, vm0, $0xb8;
	[tilespmem:$0x10080] =	vst v63  }
0x95: {  	v3 =	vperm.xlane v3, v2  }
0x96: {  	[tilespmem:s29], [sflag:$0x1] =	stream.indirect_vreg.gather [hbm4b:s4+s3], $0x80, v4, vm0, $0xb8;
	[tilespmem:$0x10080] =	vst v63  }
0x97: {  	v3 =	vadd.s32 v1, v3  }
0x98: {  	[tilespmem:s30], [sflag:$0x1] =	stream.indirect_vreg.gather [hbm4b:s5+s3], $0x80, v4, vm0, $0xb8;
	[tilespmem:$0x10080] =	vst v63  }
0x99: {  	_ = 	snop  }
0x9a: {  	[tilespmem:s31], [sflag:$0x1] =	stream.indirect_vreg.gather [hbm4b:s6+s3], $0x80, v4, vm0, $0xb8;
	[tilespmem:$0x10080] =	vst v63  }
0x9b: {  	_ = 	snop  }
0x9c: {  	[tilespmem:s2], [sflag:$0x1] =	stream.indirect_vreg.gather [hbm4b:s1+s3], $0x80, v3, vm0, $0xb8;
	[tilespmem:$0x10080] =	vst v63  }
0x9d: {  	s19 =	simm.s32 $0x6880  }
0x9e: {  	[tilespmem:s19], [sflag:$0x1] =	stream.indirect_vreg.gather [hbm4b:s4+s3], $0x80, v3, vm0, $0xb8;
	[tilespmem:$0x10080] =	vst v63  }
0x9f: {  	_ = 	snop  }
0xa0: {  	[tilespmem:s10], [sflag:$0x1] =	stream.indirect_vreg.gather [hbm4b:s5+s3], $0x80, v3, vm0, $0xb8;
	[tilespmem:$0x10080] =	vst v63  }
0xa1: {  	_ = 	snop  }
0xa2: {  	[tilespmem:s11], [sflag:$0x1] =	stream.indirect_vreg.gather [hbm4b:s6+s3], $0x80, v3, vm0, $0xb8;
	[tilespmem:$0x10080] =	vst v63  }
0xa3: {  	v3 =	vld [tilespmem:$0x20];
	_ =	sdelay $0x4  }
0xa4: {  	v62 =	vshll.u32 v3, $0x3  }
0xa5: {  	v3 =	vand.u32 $0x7, v3;
	v4 =	vand.u32 $0xFFFFFFC0, v62  }
0xa6: {  	v3 =	vor.u32 v3, v4  }
0xa7: {  	v4 =	vperm.xlane v3, v0;
	_ =	sdelay $0x1  }
0xa8: {  	v4 =	vadd.s32 v1, v4;
	_ =	sdelay $0x4  }
0xa9: {  	[tilespmem:s12], [sflag:$0x1] =	stream.indirect_vreg.gather [hbm4b:s1+s3], $0x80, v4, vm0, $0xb8;
	[tilespmem:$0x10080] =	vst v63  }
0xaa: {  	v3 =	vperm.xlane v3, v2  }
0xab: {  	[tilespmem:s13], [sflag:$0x1] =	stream.indirect_vreg.gather [hbm4b:s4+s3], $0x80, v4, vm0, $0xb8;
	[tilespmem:$0x10080] =	vst v63  }
0xac: {  	v3 =	vadd.s32 v1, v3  }
0xad: {  	[tilespmem:s14], [sflag:$0x1] =	stream.indirect_vreg.gather [hbm4b:s5+s3], $0x80, v4, vm0, $0xb8;
	[tilespmem:$0x10080] =	vst v63  }
0xae: {  	_ = 	snop  }
0xaf: {  	[tilespmem:s15], [sflag:$0x1] =	stream.indirect_vreg.gather [hbm4b:s6+s3], $0x80, v4, vm0, $0xb8;
	[tilespmem:$0x10080] =	vst v63  }
0xb0: {  	_ = 	snop  }
0xb1: {  	[tilespmem:s16], [sflag:$0x1] =	stream.indirect_vreg.gather [hbm4b:s1+s3], $0x80, v3, vm0, $0xb8;
	[tilespmem:$0x10080] =	vst v63  }
0xb2: {  	_ = 	snop  }
0xb3: {  	[tilespmem:s17], [sflag:$0x1] =	stream.indirect_vreg.gather [hbm4b:s4+s3], $0x80, v3, vm0, $0xb8;
	[tilespmem:$0x10080] =	vst v63  }
0xb4: {  	_ = 	snop  }
0xb5: {  	[tilespmem:s9], [sflag:$0x1] =	stream.indirect_vreg.gather [hbm4b:s5+s3], $0x80, v3, vm0, $0xb8;
	[tilespmem:$0x10080] =	vst v63  }
0xb6: {  	s19 =	simm.s32 $0xB880  }
0xb7: {  	[tilespmem:s19], [sflag:$0x1] =	stream.indirect_vreg.gather [hbm4b:s6+s3], $0x80, v3, vm0, $0xb8;
	[tilespmem:$0x10080] =	vst v63  }
0xb8: {  	v3 =	vld [tilespmem:$0x30];
	_ =	sdelay $0x4  }
0xb9: {  	v63 =	vshll.u32 v3, $0x3  }
0xba: {  	v3 =	vand.u32 $0x7, v3;
	v4 =	vand.u32 $0xFFFFFFC0, v63  }
0xbb: {  	v3 =	vor.u32 v3, v4  }
0xbc: {  	v4 =	vperm.xlane v3, v0;
	_ =	sdelay $0x1  }
0xbd: {  	v4 =	vadd.s32 v1, v4;
	_ =	sdelay $0x3  }
0xbe: {  	s9 =	simm.s32 $0xC080  }
0xbf: {  	[tilespmem:s9], [sflag:$0x1] =	stream.indirect_vreg.gather [hbm4b:s1+s3], $0x80, v4, vm0, $0xb8;
	[tilespmem:$0x10080] =	vst v63  }
0xc0: {  	s19 =	simm.s32 $0xC880;
	v3 =	vperm.xlane v3, v2  }
0xc1: {  	[tilespmem:s19], [sflag:$0x1] =	stream.indirect_vreg.gather [hbm4b:s4+s3], $0x80, v4, vm0, $0xb8;
	[tilespmem:$0x10080] =	vst v63  }
0xc2: {  	v3 =	vadd.s32 v1, v3;
	s9 =	simm.s32 $0xD080  }
0xc3: {  	[tilespmem:s9], [sflag:$0x1] =	stream.indirect_vreg.gather [hbm4b:s5+s3], $0x80, v4, vm0, $0xb8;
	[tilespmem:$0x10080] =	vst v63  }
0xc4: {  	s19 =	simm.s32 $0xD880  }
0xc5: {  	[tilespmem:s19], [sflag:$0x1] =	stream.indirect_vreg.gather [hbm4b:s6+s3], $0x80, v4, vm0, $0xb8;
	[tilespmem:$0x10080] =	vst v63  }
0xc6: {  	s9 =	simm.s32 $0xE080  }
0xc7: {  	[tilespmem:s9], [sflag:$0x1] =	stream.indirect_vreg.gather [hbm4b:s1+s3], $0x80, v3, vm0, $0xb8;
	[tilespmem:$0x10080] =	vst v63  }
0xc8: {  	s19 =	simm.s32 $0xE880  }
0xc9: {  	[tilespmem:s19], [sflag:$0x1] =	stream.indirect_vreg.gather [hbm4b:s4+s3], $0x80, v3, vm0, $0xb8;
	[tilespmem:$0x10080] =	vst v63  }
0xca: {  	s9 =	simm.s32 $0xF080  }
0xcb: {  	[tilespmem:s9], [sflag:$0x1] =	stream.indirect_vreg.gather [hbm4b:s5+s3], $0x80, v3, vm0, $0xb8;
	[tilespmem:$0x10080] =	vst v63  }
0xcc: {  	s19 =	simm.s32 $0xF880  }
0xcd: {  	[tilespmem:s19], [sflag:$0x1] =	stream.indirect_vreg.gather [hbm4b:s6+s3], $0x80, v3, vm0, $0xb8;
	[tilespmem:$0x10080] =	vst v63  }
0xce: {  	_ =	swait.ge [sflag:s18], $0x10000  }
0xcf: {  	p0 =	sne.s32 s7, $0x1;
	[sflag:s18] =	ssyncset.done $0x0  }
.Ltmp0:
0xd0: {  	s9 =	rddreg [dreg:$0x7];
	[sflag:s18] =	ssyncadd.s32 $0xFFFF0000;
	(pc) =	sbr.rel @p0 .LBB2_1-.Ltmp0, $4  }
0xd1: {  	[hbm4b:s9+s3] =	stream.linear.scatter [tilespmem:s0], [sflag:$0x2], $0x10000, $0x38;
	[tilespmem:$0x10080] =	vst v63  }
0xd2: {  	_ =	swait.ge [sflag:s8], $0x10000  }
0xd3: {  	[sflag:s8] =	ssyncset.done $0x0  }
0xd4: {  	s7 =	sadd.s32 $0xFFFFFFFF, s7;
	[sflag:s8] =	ssyncadd.s32 $0xFFFF0000  }
0xd5: {  	_ =	sfence.sel $0x180000  }
0xd6: {  	[bflag:$0x0] =	sbarrier.arrive $0xFFFF  }
0xd7: {  	_ =	strace $0x90000047  }
0xd8: {  	s0 =	stileid.u32;
	[bflag:$0x2] =	sbarrier.arrive $0xFFFF  }
0xd9: {  	p0 =	sne.s32 s0, $0x0;
	s0 =	rddreg [dreg:$0x3]  }
0xda: {  	s0 =	sadd.s32 @!p0 $0x100000, s0  }
0xdb: {  	[sflag:s0] =	ssyncadd.tile.s32 @!p0 $0x1;
	_ =	shalt  }
.Lfunc_end2:
_tile_overlayer_lowered:
.L_overlay_start_2:
0xdc: {  	(tag) =	ssettag $0x2  }
0xdd: {  	s0 =	rddreg [dreg:$0x0];
	s2 =	stileid.u32  }
0xde: {  	s1 =	rddreg [dreg:$0x1];
	p0 =	sne.s32 s2, $0x0  }
0xdf: {  	s3 =	rddreg [dreg:$0x2];
	[bflag:$0x3] =	sbarrier.arrive $0xFFFF;
	s2 =	simm.s32 @!p0 $0x1C02  }
0xe0: {  	[timem:s3], [sflag:s2] =	dma.local @!p0 [hbm:s0], s1  }
0xe1: {  	s0 =	simm.s32 @!p0 $0x2  }
0xe2: {  	_ =	swait.ge @!p0 [sflag:s0], s1  }
0xe3: {  	s1 =	ssub.s32 @!p0 $0x0, s1;
	[sflag:s0] =	ssyncset.done @!p0 $0x0  }
0xe4: {  	[sflag:s0] =	ssyncadd.s32 @!p0 s1  }
0xe5: {  	[bflag:$0x3] =	sbarrier.arrive $0xFFFF  }
0xe6: {  	_ =	shalt  }

</sc_bundles>
